<compile_context>
chip_gen: v7x
topology: tpu7x:2x2x1
jax: 0.10.2.dev20260603
libtpu: 0.0.44.dev20260713+nightly
codegen_flags: <defaults>
</compile_context>

<pallas_src>
import functools

import jax
import jax.numpy as jnp
from jax import lax
from jax.experimental import pallas as pl
from jax.experimental.pallas import tpu as pltpu
from jax.experimental.pallas import tpu_sc as plsc

_NUM_ITEMS = 1_000_000
_TBL_PAD = 1_048_576
_BATCH = 16_384
_HIST = 200
_N = _BATCH * _HIST

_NC = 2
_NS = 16
_NW = _NC * _NS

_ROWS_PER_W = _BATCH // _NW
_GROUP_ROWS = 8
_N_GROUPS = _ROWS_PER_W // _GROUP_ROWS
_SPLIT = ((0, 128), (128, _HIST - 128))


def _tc_sigmoid_body(x_ref, o_ref):
    x = x_ref[...]
    o_ref[...] = 1.0 / (1.0 + jnp.exp(-4.0 * x))


def _tc_sigmoid(tbl2d):
    return pl.pallas_call(
        _tc_sigmoid_body,
        out_shape=jax.ShapeDtypeStruct(tbl2d.shape, jnp.float32),
        in_specs=[pl.BlockSpec((1024, 128), lambda i: (i, 0))],
        out_specs=pl.BlockSpec((1024, 128), lambda i: (i, 0)),
        grid=(tbl2d.shape[0] // 1024,),
    )(tbl2d)


def _sc_gather_body(tbl_hbm, idx_hbm, out_hbm, shared_tbl, idx_v, rows_v,
                    si0, si1, sg0, sg1, so0, so1):
    sid = lax.axis_index("s")
    wid = sid * _NC + lax.axis_index("c")
    row_base = wid * _ROWS_PER_W
    si = (si0, si1)
    sg = (sg0, sg1)
    so = (so0, so1)

    def idx_copy(g, b, sem):
        return pltpu.make_async_copy(
            idx_hbm.at[pl.ds(row_base + g * _GROUP_ROWS, _GROUP_ROWS), :],
            idx_v.at[b],
            sem,
        )

    def out_copy(g, b, sem):
        return pltpu.make_async_copy(
            rows_v.at[b],
            out_hbm.at[pl.ds(row_base + g * _GROUP_ROWS, _GROUP_ROWS), :],
            sem,
        )

    idx_copy(0, 0, si[0]).start()
    idx_copy(1, 1, si[1]).start()

    pltpu.sync_copy(
        tbl_hbm.at[pl.ds(sid * (_TBL_PAD // _NS), _TBL_PAD // _NS)],
        shared_tbl.at[pl.ds(sid * (_TBL_PAD // _NS), _TBL_PAD // _NS)],
    )

    plsc.subcore_barrier()

    n_iter = _N_GROUPS // 2

    def body(i, carry):
        for b in range(2):
            g = 2 * i + b
            idx_copy(g, b, si[b]).wait()

            @pl.when(g >= 2)
            def _():
                out_copy(g - 2, b, so[b]).wait()

            cps = []
            for r in range(_GROUP_ROWS):
                for off, cnt in _SPLIT:
                    cps.append(
                        pltpu.async_copy(
                            shared_tbl.at[idx_v.at[b].at[r, pl.ds(off, cnt)]],
                            rows_v.at[b].at[r, pl.ds(off, cnt)],
                            sg[b],
                        )
                    )
            for cp in cps:
                cp.wait()

            @pl.when(i < n_iter - 1)
            def _():
                idx_copy(g + 2, b, si[b]).start()

            out_copy(g, b, so[b]).start()
        return carry

    lax.fori_loop(0, n_iter, body, 0)
    out_copy(_N_GROUPS - 2, 0, so[0]).wait()
    out_copy(_N_GROUPS - 1, 1, so[1]).wait()


@functools.partial(
    pl.kernel,
    mesh=plsc.VectorSubcoreMesh(core_axis_name="c", subcore_axis_name="s"),
    out_type=jax.ShapeDtypeStruct((_BATCH, _HIST), jnp.float32),
    scratch_types=[
        pltpu.VMEM_SHARED((_TBL_PAD,), jnp.float32),
        pltpu.VMEM((2, _GROUP_ROWS, _HIST), jnp.int32),
        pltpu.VMEM((2, _GROUP_ROWS, _HIST), jnp.float32),
        pltpu.SemaphoreType.DMA,
        pltpu.SemaphoreType.DMA,
        pltpu.SemaphoreType.DMA,
        pltpu.SemaphoreType.DMA,
        pltpu.SemaphoreType.DMA,
        pltpu.SemaphoreType.DMA,
    ],
)
def _sc_gather(tbl_hbm, idx_hbm, out_hbm, shared_tbl, idx_v, rows_v,
               si0, si1, sg0, sg1, so0, so1):
    _sc_gather_body(tbl_hbm, idx_hbm, out_hbm, shared_tbl, idx_v, rows_v,
                    si0, si1, sg0, sg1, so0, so1)


def kernel(inputs, item_rating_logits):
    b, h = inputs.shape[1], inputs.shape[2]
    idx2d = inputs.reshape(b, h)
    padded = jnp.pad(item_rating_logits, (0, _TBL_PAD - _NUM_ITEMS))
    tbl2d = padded.reshape(8192, 128)
    ratings = _tc_sigmoid(tbl2d).reshape(-1)
    return _sc_gather(ratings, idx2d)

# --- scband reference (transcript-rebuilt; emitter-appended) ---
"""Pipeline reference for scband-item-rating-59622736003996 (READ-ONLY COPY).

The authoritative reference and input builder live on the scoring server;
editing this copy changes nothing except your own understanding.
"""

import jax, jax.numpy as jnp
import numpy as np

NUM_ITEMS = 1000000
BATCH = 16384
HIST = 200


def setup_inputs(seed: int = 0) -> dict:
    key = jax.random.key(seed)
    k1, k2 = jax.random.split(key)
    # inputs is the layer's single positional arg; the layer uses inputs[0],
    # so we provide a leading singleton dim: inputs[0] -> int32[BATCH, HIST]
    inputs = jax.random.randint(k1, (1, BATCH, HIST), 0, NUM_ITEMS, dtype=jnp.int32)
    # learned parameter: item_rating_logits, shape (num_items,), random_normal init
    item_rating_logits = jax.random.normal(k2, (NUM_ITEMS,), dtype=jnp.float32) * 0.05
    return {"inputs": inputs, "item_rating_logits": item_rating_logits}


def reference(inputs, item_rating_logits):
    # item_ratings = sigmoid(4 * logits)
    item_ratings = jax.nn.sigmoid(4.0 * item_rating_logits)
    # ratings = gather(item_ratings, inputs[0])
    ratings = jnp.take(item_ratings, inputs[0], axis=0)
    return ratings

if __name__ == "__main__":
    import jax
    _d = setup_inputs()
    print(jax.jit(kernel)(*tuple(_d.values())))

</pallas_src>

<mosaic_0001>
#map = affine_map<(d0, d1) -> (0)>
#map1 = affine_map<(d0, d1) -> (0, 0)>
module attributes {stable_mosaic.version = 14 : i64} {
  func.func @_sc_gather(%arg0: i32, %arg1: i32, %arg2: memref<1048576xf32, #tpu.memory_space<hbm>>, %arg3: memref<16384x200xi32, #tpu.memory_space<hbm>>, %arg4: memref<16384x200xf32, #tpu.memory_space<hbm>>, %arg5: memref<1048576xf32, #tpu.memory_space<vmem_shared>>, %arg6: memref<2x8x200xi32, #tpu.memory_space<vmem>>, %arg7: memref<2x8x200xf32, #tpu.memory_space<vmem>>, %arg8: memref<!tpu.dma_semaphore, #tpu.memory_space<semaphore_mem>>, %arg9: memref<!tpu.dma_semaphore, #tpu.memory_space<semaphore_mem>>, %arg10: memref<!tpu.dma_semaphore, #tpu.memory_space<semaphore_mem>>, %arg11: memref<!tpu.dma_semaphore, #tpu.memory_space<semaphore_mem>>, %arg12: memref<!tpu.dma_semaphore, #tpu.memory_space<semaphore_mem>>, %arg13: memref<!tpu.dma_semaphore, #tpu.memory_space<semaphore_mem>>) attributes {dimension_semantics = [#tpu.dimension_semantics<core_parallel>, #tpu.dimension_semantics<subcore_parallel>], iteration_bounds = array<i64: 2, 16>, scalar_prefetch = 0 : i64, scratch_operands = 9 : i64, tpu.core_type = #tpu.core_type<sc_vector_subcore>, window_params = [{transform_indices = #map}, {transform_indices = #map1}, {transform_indices = #map1}]} {
    %mul3A = arith.constant 2 : i32
    %mul3A_0 = arith.muli %arg1, %mul3A : i32
    %add3A = arith.addi %mul3A_0, %arg0 : i32
    %mul3A_1 = arith.constant 512 : i32
    %mul3A_2 = arith.muli %add3A, %mul3A_1 : i32
    %add3A_3 = arith.constant 0 : i32
    %add3A_4 = arith.addi %mul3A_2, %add3A_3 : i32
    %dma_start3A = arith.constant 0 : i32
    %dma_start3A_5 = arith.constant 0 : i32
    %dma_start3A_6 = arith.constant 0 : i32
    %dma_start3A_7 = tpu.memref_slice %arg6[%dma_start3A, %dma_start3A_5, %dma_start3A_6] : memref<2x8x200xi32, #tpu.memory_space<vmem>> -> memref<1x8x200xi32, #tpu.memory_space<vmem>>
    %dma_start3A_8 = tpu.memref_squeeze %dma_start3A_7 : memref<1x8x200xi32, #tpu.memory_space<vmem>> -> memref<8x200xi32, #tpu.memory_space<vmem>>
    %dma_start3A_9 = arith.constant 0 : i32
    %dma_start3A_10 = tpu.memref_slice %arg3[%add3A_4, %dma_start3A_9] : memref<16384x200xi32, #tpu.memory_space<hbm>> -> memref<8x200xi32, #tpu.memory_space<hbm>>
    %dma_start3A_11 = arith.constant 0 : i32
    %dma_start3A_12 = arith.constant 0 : i32
    %dma_start3A_13 = tpu.memref_slice %arg6[%dma_start3A, %dma_start3A_11, %dma_start3A_12] : memref<2x8x200xi32, #tpu.memory_space<vmem>> -> memref<1x8x200xi32, #tpu.memory_space<vmem>>
    %dma_start3A_14 = tpu.memref_squeeze %dma_start3A_13 : memref<1x8x200xi32, #tpu.memory_space<vmem>> -> memref<8x200xi32, #tpu.memory_space<vmem>>
    %dma_start3A_15 = arith.constant 0 : i32
    %dma_start3A_16 = tpu.memref_slice %arg3[%add3A_4, %dma_start3A_15] : memref<16384x200xi32, #tpu.memory_space<hbm>> -> memref<8x200xi32, #tpu.memory_space<hbm>>
    tpu.enqueue_dma source(%dma_start3A_16 : memref<8x200xi32, #tpu.memory_space<hbm>>) target(%dma_start3A_14 : memref<8x200xi32, #tpu.memory_space<vmem>>) target_semaphore(%arg8 : memref<!tpu.dma_semaphore, #tpu.memory_space<semaphore_mem>>)
    %add3A_17 = arith.constant 8 : i32
    %add3A_18 = arith.addi %mul3A_2, %add3A_17 : i32
    %dma_start3A_19 = arith.constant 1 : i32
    %dma_start3A_20 = arith.constant 0 : i32
    %dma_start3A_21 = arith.constant 0 : i32
    %dma_start3A_22 = tpu.memref_slice %arg6[%dma_start3A_19, %dma_start3A_20, %dma_start3A_21] : memref<2x8x200xi32, #tpu.memory_space<vmem>> -> memref<1x8x200xi32, #tpu.memory_space<vmem>>
    %dma_start3A_23 = tpu.memref_squeeze %dma_start3A_22 : memref<1x8x200xi32, #tpu.memory_space<vmem>> -> memref<8x200xi32, #tpu.memory_space<vmem>>
    %dma_start3A_24 = arith.constant 0 : i32
    %dma_start3A_25 = tpu.memref_slice %arg3[%add3A_18, %dma_start3A_24] : memref<16384x200xi32, #tpu.memory_space<hbm>> -> memref<8x200xi32, #tpu.memory_space<hbm>>
    %dma_start3A_26 = arith.constant 0 : i32
    %dma_start3A_27 = arith.constant 0 : i32
    %dma_start3A_28 = tpu.memref_slice %arg6[%dma_start3A_19, %dma_start3A_26, %dma_start3A_27] : memref<2x8x200xi32, #tpu.memory_space<vmem>> -> memref<1x8x200xi32, #tpu.memory_space<vmem>>
    %dma_start3A_29 = tpu.memref_squeeze %dma_start3A_28 : memref<1x8x200xi32, #tpu.memory_space<vmem>> -> memref<8x200xi32, #tpu.memory_space<vmem>>
    %dma_start3A_30 = arith.constant 0 : i32
    %dma_start3A_31 = tpu.memref_slice %arg3[%add3A_18, %dma_start3A_30] : memref<16384x200xi32, #tpu.memory_space<hbm>> -> memref<8x200xi32, #tpu.memory_space<hbm>>
    tpu.enqueue_dma source(%dma_start3A_31 : memref<8x200xi32, #tpu.memory_space<hbm>>) target(%dma_start3A_29 : memref<8x200xi32, #tpu.memory_space<vmem>>) target_semaphore(%arg9 : memref<!tpu.dma_semaphore, #tpu.memory_space<semaphore_mem>>)
    %mul3A_32 = arith.constant 65536 : i32
    %mul3A_33 = arith.muli %arg1, %mul3A_32 : i32
    %mul3A_34 = arith.constant 65536 : i32
    %mul3A_35 = arith.muli %arg1, %mul3A_34 : i32
    "tpu.region"() ({
      %run_scoped3A = tpu.sem_alloc : memref<!tpu.dma_semaphore, #tpu.memory_space<semaphore_mem>>
      %dma_start3A_70 = tpu.memref_slice %arg5[%mul3A_35] : memref<1048576xf32, #tpu.memory_space<vmem_shared>> -> memref<65536xf32, #tpu.memory_space<vmem_shared>>
      %dma_start3A_71 = tpu.memref_slice %arg2[%mul3A_33] : memref<1048576xf32, #tpu.memory_space<hbm>> -> memref<65536xf32, #tpu.memory_space<hbm>>
      tpu.enqueue_dma source(%dma_start3A_71 : memref<65536xf32, #tpu.memory_space<hbm>>) target(%dma_start3A_70 : memref<65536xf32, #tpu.memory_space<vmem_shared>>) target_semaphore(%run_scoped3A : memref<!tpu.dma_semaphore, #tpu.memory_space<semaphore_mem>>)
      %dma_wait3A_72 = tpu.memref_slice %arg5[%mul3A_35] : memref<1048576xf32, #tpu.memory_space<vmem_shared>> -> memref<65536xf32, #tpu.memory_space<vmem_shared>>
      %dma_wait3A_73 = tpu.memref_slice %arg2[%mul3A_33] : memref<1048576xf32, #tpu.memory_space<hbm>> -> memref<65536xf32, #tpu.memory_space<hbm>>
      tpu.wait_dma2 semaphore(%run_scoped3A : memref<!tpu.dma_semaphore, #tpu.memory_space<semaphore_mem>>) src(%dma_wait3A_73 : memref<65536xf32, #tpu.memory_space<hbm>>) dst(%dma_wait3A_72 : memref<65536xf32, #tpu.memory_space<vmem_shared>>)
      tpu.yield
    }) : () -> ()
    %barrier3A = arith.constant 0 : index
    tpu.barrier barrier_id(%barrier3A)
    %scan3A = arith.constant 0 : i32
    %scan3A_36 = arith.constant 0 : i32
    %scan3A_37 = arith.constant 32 : i32
    %scan3A_38 = arith.addi %scan3A_36, %scan3A_37 : i32
    %scan3A_39 = arith.constant 1 : i32
    scf.for %scan3A_70 = %scan3A_36 to %scan3A_38 step %scan3A_39  : i32 {
      %mul3A_71 = arith.constant 2 : i32
      %mul3A_72 = arith.muli %mul3A_71, %scan3A_70 : i32
      %add3A_73 = arith.constant 0 : i32
      %add3A_74 = arith.addi %mul3A_72, %add3A_73 : i32
      %mul3A_75 = arith.constant 8 : i32
      %mul3A_76 = arith.muli %add3A_74, %mul3A_75 : i32
      %add3A_77 = arith.addi %mul3A_2, %mul3A_76 : i32
      %dma_wait3A_78 = arith.constant 0 : i32
      %dma_wait3A_79 = arith.constant 0 : i32
      %dma_wait3A_80 = arith.constant 0 : i32
      %dma_wait3A_81 = tpu.memref_slice %arg6[%dma_wait3A_78, %dma_wait3A_79, %dma_wait3A_80] : memref<2x8x200xi32, #tpu.memory_space<vmem>> -> memref<1x8x200xi32, #tpu.memory_space<vmem>>
      %dma_wait3A_82 = tpu.memref_squeeze %dma_wait3A_81 : memref<1x8x200xi32, #tpu.memory_space<vmem>> -> memref<8x200xi32, #tpu.memory_space<vmem>>
      %dma_wait3A_83 = arith.constant 0 : i32
      %dma_wait3A_84 = tpu.memref_slice %arg3[%add3A_77, %dma_wait3A_83] : memref<16384x200xi32, #tpu.memory_space<hbm>> -> memref<8x200xi32, #tpu.memory_space<hbm>>
      %dma_wait3A_85 = arith.constant 0 : i32
      %dma_wait3A_86 = arith.constant 0 : i32
      %dma_wait3A_87 = tpu.memref_slice %arg6[%dma_wait3A_78, %dma_wait3A_85, %dma_wait3A_86] : memref<2x8x200xi32, #tpu.memory_space<vmem>> -> memref<1x8x200xi32, #tpu.memory_space<vmem>>
      %dma_wait3A_88 = tpu.memref_squeeze %dma_wait3A_87 : memref<1x8x200xi32, #tpu.memory_space<vmem>> -> memref<8x200xi32, #tpu.memory_space<vmem>>
      %dma_wait3A_89 = arith.constant 0 : i32
      %dma_wait3A_90 = tpu.memref_slice %arg3[%add3A_77, %dma_wait3A_89] : memref<16384x200xi32, #tpu.memory_space<hbm>> -> memref<8x200xi32, #tpu.memory_space<hbm>>
      tpu.wait_dma2 semaphore(%arg8 : memref<!tpu.dma_semaphore, #tpu.memory_space<semaphore_mem>>) src(%dma_wait3A_90 : memref<8x200xi32, #tpu.memory_space<hbm>>) dst(%dma_wait3A_88 : memref<8x200xi32, #tpu.memory_space<vmem>>)
      %ge3A = arith.constant 2 : i32
      %ge3A_91 = arith.cmpi sge, %add3A_74, %ge3A : i32
      %convert_element_type3A = arith.extui %ge3A_91 : i1 to i32
      %cond3A = arith.constant 0 : i32
      %cond3A_92 = arith.cmpi ne, %convert_element_type3A, %cond3A : i32
      scf.if %cond3A_92 {
        %sub3A = arith.constant 2 : i32
        %sub3A_1439 = arith.subi %add3A_74, %sub3A : i32
        %mul3A_1440 = arith.constant 8 : i32
        %mul3A_1441 = arith.muli %sub3A_1439, %mul3A_1440 : i32
        %add3A_1442 = arith.addi %mul3A_2, %mul3A_1441 : i32
        %dma_wait3A_1443 = arith.constant 0 : i32
        %dma_wait3A_1444 = arith.constant 0 : i32
        %dma_wait3A_1445 = arith.constant 0 : i32
        %dma_wait3A_1446 = tpu.memref_slice %arg7[%dma_wait3A_1443, %dma_wait3A_1444, %dma_wait3A_1445] : memref<2x8x200xf32, #tpu.memory_space<vmem>> -> memref<1x8x200xf32, #tpu.memory_space<vmem>>
        %dma_wait3A_1447 = tpu.memref_squeeze %dma_wait3A_1446 : memref<1x8x200xf32, #tpu.memory_space<vmem>> -> memref<8x200xf32, #tpu.memory_space<vmem>>
        %dma_wait3A_1448 = arith.constant 0 : i32
        %dma_wait3A_1449 = tpu.memref_slice %arg4[%add3A_1442, %dma_wait3A_1448] : memref<16384x200xf32, #tpu.memory_space<hbm>> -> memref<8x200xf32, #tpu.memory_space<hbm>>
        %dma_wait3A_1450 = arith.constant 0 : i32
        %dma_wait3A_1451 = tpu.memref_slice %arg4[%add3A_1442, %dma_wait3A_1450] : memref<16384x200xf32, #tpu.memory_space<hbm>> -> memref<8x200xf32, #tpu.memory_space<hbm>>
        %dma_wait3A_1452 = arith.constant 0 : i32
        %dma_wait3A_1453 = arith.constant 0 : i32
        %dma_wait3A_1454 = tpu.memref_slice %arg7[%dma_wait3A_1443, %dma_wait3A_1452, %dma_wait3A_1453] : memref<2x8x200xf32, #tpu.memory_space<vmem>> -> memref<1x8x200xf32, #tpu.memory_space<vmem>>
        %dma_wait3A_1455 = tpu.memref_squeeze %dma_wait3A_1454 : memref<1x8x200xf32, #tpu.memory_space<vmem>> -> memref<8x200xf32, #tpu.memory_space<vmem>>
        tpu.wait_dma2 semaphore(%arg12 : memref<!tpu.dma_semaphore, #tpu.memory_space<semaphore_mem>>) src(%dma_wait3A_1455 : memref<8x200xf32, #tpu.memory_space<vmem>>) dst(%dma_wait3A_1451 : memref<8x200xf32, #tpu.memory_space<hbm>>)
      } else {
      }
      %dma_start3A_93 = arith.constant 0 : i32
      %dma_start3A_94 = arith.constant 0 : i32
      %dma_start3A_95 = arith.constant 0 : i32
      %dma_start3A_96 = arith.constant 0 : i32
      %dma_start3A_97 = arith.constant 0 : i32
      %dma_start3A_98 = arith.constant 0 : i32
      %dma_start3A_99 = tpu.memref_slice %arg7[%dma_start3A_95, %dma_start3A_97, %dma_start3A_98] : memref<2x8x200xf32, #tpu.memory_space<vmem>> -> memref<1x8x200xf32, #tpu.memory_space<vmem>>
      %dma_start3A_100 = tpu.memref_squeeze %dma_start3A_99 : memref<1x8x200xf32, #tpu.memory_space<vmem>> -> memref<8x200xf32, #tpu.memory_space<vmem>>
      %dma_start3A_101 = arith.constant 0 : i32
      %dma_start3A_102 = tpu.memref_slice %dma_start3A_100[%dma_start3A_96, %dma_start3A_101] : memref<8x200xf32, #tpu.memory_space<vmem>> -> memref<1x128xf32, #tpu.memory_space<vmem>>
      %dma_start3A_103 = tpu.memref_squeeze %dma_start3A_102 : memref<1x128xf32, #tpu.memory_space<vmem>> -> memref<128xf32, #tpu.memory_space<vmem>>
      %dma_start3A_104 = arith.constant 0 : i32
      %dma_start3A_105 = arith.constant 0 : i32
      %dma_start3A_106 = tpu.memref_slice %arg6[%dma_start3A_93, %dma_start3A_104, %dma_start3A_105] : memref<2x8x200xi32, #tpu.memory_space<vmem>> -> memref<1x8x200xi32, #tpu.memory_space<vmem>>
      %dma_start3A_107 = tpu.memref_squeeze %dma_start3A_106 : memref<1x8x200xi32, #tpu.memory_space<vmem>> -> memref<8x200xi32, #tpu.memory_space<vmem>>
      %dma_start3A_108 = arith.constant 0 : i32
      %dma_start3A_109 = tpu.memref_slice %dma_start3A_107[%dma_start3A_94, %dma_start3A_108] : memref<8x200xi32, #tpu.memory_space<vmem>> -> memref<1x128xi32, #tpu.memory_space<vmem>>
      %dma_start3A_110 = tpu.memref_squeeze %dma_start3A_109 : memref<1x128xi32, #tpu.memory_space<vmem>> -> memref<128xi32, #tpu.memory_space<vmem>>
      %dma_start3A_111 = arith.constant 0 : i32
      %dma_start3A_112 = tpu.memref_slice %arg5[%dma_start3A_111] : memref<1048576xf32, #tpu.memory_space<vmem_shared>> -> memref<1048576xf32, #tpu.memory_space<vmem_shared>>
      tpu.enqueue_indirect_dma source(%dma_start3A_112 : memref<1048576xf32, #tpu.memory_space<vmem_shared>>) target(%dma_start3A_103 : memref<128xf32, #tpu.memory_space<vmem>>) offsets(%dma_start3A_110 : memref<128xi32, #tpu.memory_space<vmem>>) semaphore(%arg10 : memref<!tpu.dma_semaphore, #tpu.memory_space<semaphore_mem>>)
      %dma_start3A_113 = arith.constant 0 : i32
      %dma_start3A_114 = arith.constant 0 : i32
      %dma_start3A_115 = arith.constant 0 : i32
      %dma_start3A_116 = arith.constant 0 : i32
      %dma_start3A_117 = arith.constant 0 : i32
      %dma_start3A_118 = arith.constant 0 : i32
      %dma_start3A_119 = tpu.memref_slice %arg7[%dma_start3A_115, %dma_start3A_117, %dma_start3A_118] : memref<2x8x200xf32, #tpu.memory_space<vmem>> -> memref<1x8x200xf32, #tpu.memory_space<vmem>>
      %dma_start3A_120 = tpu.memref_squeeze %dma_start3A_119 : memref<1x8x200xf32, #tpu.memory_space<vmem>> -> memref<8x200xf32, #tpu.memory_space<vmem>>
      %dma_start3A_121 = arith.constant 128 : i32
      %dma_start3A_122 = tpu.memref_slice %dma_start3A_120[%dma_start3A_116, %dma_start3A_121] : memref<8x200xf32, #tpu.memory_space<vmem>> -> memref<1x72xf32, #tpu.memory_space<vmem>>
      %dma_start3A_123 = tpu.memref_squeeze %dma_start3A_122 : memref<1x72xf32, #tpu.memory_space<vmem>> -> memref<72xf32, #tpu.memory_space<vmem>>
      %dma_start3A_124 = arith.constant 0 : i32
      %dma_start3A_125 = arith.constant 0 : i32
      %dma_start3A_126 = tpu.memref_slice %arg6[%dma_start3A_113, %dma_start3A_124, %dma_start3A_125] : memref<2x8x200xi32, #tpu.memory_space<vmem>> -> memref<1x8x200xi32, #tpu.memory_space<vmem>>
      %dma_start3A_127 = tpu.memref_squeeze %dma_start3A_126 : memref<1x8x200xi32, #tpu.memory_space<vmem>> -> memref<8x200xi32, #tpu.memory_space<vmem>>
      %dma_start3A_128 = arith.constant 128 : i32
      %dma_start3A_129 = tpu.memref_slice %dma_start3A_127[%dma_start3A_114, %dma_start3A_128] : memref<8x200xi32, #tpu.memory_space<vmem>> -> memref<1x72xi32, #tpu.memory_space<vmem>>
      %dma_start3A_130 = tpu.memref_squeeze %dma_start3A_129 : memref<1x72xi32, #tpu.memory_space<vmem>> -> memref<72xi32, #tpu.memory_space<vmem>>
      %dma_start3A_131 = arith.constant 0 : i32
      %dma_start3A_132 = tpu.memref_slice %arg5[%dma_start3A_131] : memref<1048576xf32, #tpu.memory_space<vmem_shared>> -> memref<1048576xf32, #tpu.memory_space<vmem_shared>>
      tpu.enqueue_indirect_dma source(%dma_start3A_132 : memref<1048576xf32, #tpu.memory_space<vmem_shared>>) target(%dma_start3A_123 : memref<72xf32, #tpu.memory_space<vmem>>) offsets(%dma_start3A_130 : memref<72xi32, #tpu.memory_space<vmem>>) semaphore(%arg10 : memref<!tpu.dma_semaphore, #tpu.memory_space<semaphore_mem>>)
      %dma_start3A_133 = arith.constant 0 : i32
      %dma_start3A_134 = arith.constant 1 : i32
      %dma_start3A_135 = arith.constant 0 : i32
      %dma_start3A_136 = arith.constant 1 : i32
      %dma_start3A_137 = arith.constant 0 : i32
      %dma_start3A_138 = arith.constant 0 : i32
      %dma_start3A_139 = tpu.memref_slice %arg7[%dma_start3A_135, %dma_start3A_137, %dma_start3A_138] : memref<2x8x200xf32, #tpu.memory_space<vmem>> -> memref<1x8x200xf32, #tpu.memory_space<vmem>>
      %dma_start3A_140 = tpu.memref_squeeze %dma_start3A_139 : memref<1x8x200xf32, #tpu.memory_space<vmem>> -> memref<8x200xf32, #tpu.memory_space<vmem>>
      %dma_start3A_141 = arith.constant 0 : i32
      %dma_start3A_142 = tpu.memref_slice %dma_start3A_140[%dma_start3A_136, %dma_start3A_141] : memref<8x200xf32, #tpu.memory_space<vmem>> -> memref<1x128xf32, #tpu.memory_space<vmem>>
      %dma_start3A_143 = tpu.memref_squeeze %dma_start3A_142 : memref<1x128xf32, #tpu.memory_space<vmem>> -> memref<128xf32, #tpu.memory_space<vmem>>
      %dma_start3A_144 = arith.constant 0 : i32
      %dma_start3A_145 = arith.constant 0 : i32
      %dma_start3A_146 = tpu.memref_slice %arg6[%dma_start3A_133, %dma_start3A_144, %dma_start3A_145] : memref<2x8x200xi32, #tpu.memory_space<vmem>> -> memref<1x8x200xi32, #tpu.memory_space<vmem>>
      %dma_start3A_147 = tpu.memref_squeeze %dma_start3A_146 : memref<1x8x200xi32, #tpu.memory_space<vmem>> -> memref<8x200xi32, #tpu.memory_space<vmem>>
      %dma_start3A_148 = arith.constant 0 : i32
      %dma_start3A_149 = tpu.memref_slice %dma_start3A_147[%dma_start3A_134, %dma_start3A_148] : memref<8x200xi32, #tpu.memory_space<vmem>> -> memref<1x128xi32, #tpu.memory_space<vmem>>
      %dma_start3A_150 = tpu.memref_squeeze %dma_start3A_149 : memref<1x128xi32, #tpu.memory_space<vmem>> -> memref<128xi32, #tpu.memory_space<vmem>>
      %dma_start3A_151 = arith.constant 0 : i32
      %dma_start3A_152 = tpu.memref_slice %arg5[%dma_start3A_151] : memref<1048576xf32, #tpu.memory_space<vmem_shared>> -> memref<1048576xf32, #tpu.memory_space<vmem_shared>>
      tpu.enqueue_indirect_dma source(%dma_start3A_152 : memref<1048576xf32, #tpu.memory_space<vmem_shared>>) target(%dma_start3A_143 : memref<128xf32, #tpu.memory_space<vmem>>) offsets(%dma_start3A_150 : memref<128xi32, #tpu.memory_space<vmem>>) semaphore(%arg10 : memref<!tpu.dma_semaphore, #tpu.memory_space<semaphore_mem>>)
      %dma_start3A_153 = arith.constant 0 : i32
      %dma_start3A_154 = arith.constant 1 : i32
      %dma_start3A_155 = arith.constant 0 : i32
      %dma_start3A_156 = arith.constant 1 : i32
      %dma_start3A_157 = arith.constant 0 : i32
      %dma_start3A_158 = arith.constant 0 : i32
      %dma_start3A_159 = tpu.memref_slice %arg7[%dma_start3A_155, %dma_start3A_157, %dma_start3A_158] : memref<2x8x200xf32, #tpu.memory_space<vmem>> -> memref<1x8x200xf32, #tpu.memory_space<vmem>>
      %dma_start3A_160 = tpu.memref_squeeze %dma_start3A_159 : memref<1x8x200xf32, #tpu.memory_space<vmem>> -> memref<8x200xf32, #tpu.memory_space<vmem>>
      %dma_start3A_161 = arith.constant 128 : i32
      %dma_start3A_162 = tpu.memref_slice %dma_start3A_160[%dma_start3A_156, %dma_start3A_161] : memref<8x200xf32, #tpu.memory_space<vmem>> -> memref<1x72xf32, #tpu.memory_space<vmem>>
      %dma_start3A_163 = tpu.memref_squeeze %dma_start3A_162 : memref<1x72xf32, #tpu.memory_space<vmem>> -> memref<72xf32, #tpu.memory_space<vmem>>
      %dma_start3A_164 = arith.constant 0 : i32
      %dma_start3A_165 = arith.constant 0 : i32
      %dma_start3A_166 = tpu.memref_slice %arg6[%dma_start3A_153, %dma_start3A_164, %dma_start3A_165] : memref<2x8x200xi32, #tpu.memory_space<vmem>> -> memref<1x8x200xi32, #tpu.memory_space<vmem>>
      %dma_start3A_167 = tpu.memref_squeeze %dma_start3A_166 : memref<1x8x200xi32, #tpu.memory_space<vmem>> -> memref<8x200xi32, #tpu.memory_space<vmem>>
      %dma_start3A_168 = arith.constant 128 : i32
      %dma_start3A_169 = tpu.memref_slice %dma_start3A_167[%dma_start3A_154, %dma_start3A_168] : memref<8x200xi32, #tpu.memory_space<vmem>> -> memref<1x72xi32, #tpu.memory_space<vmem>>
      %dma_start3A_170 = tpu.memref_squeeze %dma_start3A_169 : memref<1x72xi32, #tpu.memory_space<vmem>> -> memref<72xi32, #tpu.memory_space<vmem>>
      %dma_start3A_171 = arith.constant 0 : i32
      %dma_start3A_172 = tpu.memref_slice %arg5[%dma_start3A_171] : memref<1048576xf32, #tpu.memory_space<vmem_shared>> -> memref<1048576xf32, #tpu.memory_space<vmem_shared>>
      tpu.enqueue_indirect_dma source(%dma_start3A_172 : memref<1048576xf32, #tpu.memory_space<vmem_shared>>) target(%dma_start3A_163 : memref<72xf32, #tpu.memory_space<vmem>>) offsets(%dma_start3A_170 : memref<72xi32, #tpu.memory_space<vmem>>) semaphore(%arg10 : memref<!tpu.dma_semaphore, #tpu.memory_space<semaphore_mem>>)
      %dma_start3A_173 = arith.constant 0 : i32
      %dma_start3A_174 = arith.constant 2 : i32
      %dma_start3A_175 = arith.constant 0 : i32
      %dma_start3A_176 = arith.constant 2 : i32
      %dma_start3A_177 = arith.constant 0 : i32
      %dma_start3A_178 = arith.constant 0 : i32
      %dma_start3A_179 = tpu.memref_slice %arg7[%dma_start3A_175, %dma_start3A_177, %dma_start3A_178] : memref<2x8x200xf32, #tpu.memory_space<vmem>> -> memref<1x8x200xf32, #tpu.memory_space<vmem>>
      %dma_start3A_180 = tpu.memref_squeeze %dma_start3A_179 : memref<1x8x200xf32, #tpu.memory_space<vmem>> -> memref<8x200xf32, #tpu.memory_space<vmem>>
      %dma_start3A_181 = arith.constant 0 : i32
      %dma_start3A_182 = tpu.memref_slice %dma_start3A_180[%dma_start3A_176, %dma_start3A_181] : memref<8x200xf32, #tpu.memory_space<vmem>> -> memref<1x128xf32, #tpu.memory_space<vmem>>
      %dma_start3A_183 = tpu.memref_squeeze %dma_start3A_182 : memref<1x128xf32, #tpu.memory_space<vmem>> -> memref<128xf32, #tpu.memory_space<vmem>>
      %dma_start3A_184 = arith.constant 0 : i32
      %dma_start3A_185 = arith.constant 0 : i32
      %dma_start3A_186 = tpu.memref_slice %arg6[%dma_start3A_173, %dma_start3A_184, %dma_start3A_185] : memref<2x8x200xi32, #tpu.memory_space<vmem>> -> memref<1x8x200xi32, #tpu.memory_space<vmem>>
      %dma_start3A_187 = tpu.memref_squeeze %dma_start3A_186 : memref<1x8x200xi32, #tpu.memory_space<vmem>> -> memref<8x200xi32, #tpu.memory_space<vmem>>
      %dma_start3A_188 = arith.constant 0 : i32
      %dma_start3A_189 = tpu.memref_slice %dma_start3A_187[%dma_start3A_174, %dma_start3A_188] : memref<8x200xi32, #tpu.memory_space<vmem>> -> memref<1x128xi32, #tpu.memory_space<vmem>>
      %dma_start3A_190 = tpu.memref_squeeze %dma_start3A_189 : memref<1x128xi32, #tpu.memory_space<vmem>> -> memref<128xi32, #tpu.memory_space<vmem>>
      %dma_start3A_191 = arith.constant 0 : i32
      %dma_start3A_192 = tpu.memref_slice %arg5[%dma_start3A_191] : memref<1048576xf32, #tpu.memory_space<vmem_shared>> -> memref<1048576xf32, #tpu.memory_space<vmem_shared>>
      tpu.enqueue_indirect_dma source(%dma_start3A_192 : memref<1048576xf32, #tpu.memory_space<vmem_shared>>) target(%dma_start3A_183 : memref<128xf32, #tpu.memory_space<vmem>>) offsets(%dma_start3A_190 : memref<128xi32, #tpu.memory_space<vmem>>) semaphore(%arg10 : memref<!tpu.dma_semaphore, #tpu.memory_space<semaphore_mem>>)
      %dma_start3A_193 = arith.constant 0 : i32
      %dma_start3A_194 = arith.constant 2 : i32
      %dma_start3A_195 = arith.constant 0 : i32
      %dma_start3A_196 = arith.constant 2 : i32
      %dma_start3A_197 = arith.constant 0 : i32
      %dma_start3A_198 = arith.constant 0 : i32
      %dma_start3A_199 = tpu.memref_slice %arg7[%dma_start3A_195, %dma_start3A_197, %dma_start3A_198] : memref<2x8x200xf32, #tpu.memory_space<vmem>> -> memref<1x8x200xf32, #tpu.memory_space<vmem>>
      %dma_start3A_200 = tpu.memref_squeeze %dma_start3A_199 : memref<1x8x200xf32, #tpu.memory_space<vmem>> -> memref<8x200xf32, #tpu.memory_space<vmem>>
      %dma_start3A_201 = arith.constant 128 : i32
      %dma_start3A_202 = tpu.memref_slice %dma_start3A_200[%dma_start3A_196, %dma_start3A_201] : memref<8x200xf32, #tpu.memory_space<vmem>> -> memref<1x72xf32, #tpu.memory_space<vmem>>
      %dma_start3A_203 = tpu.memref_squeeze %dma_start3A_202 : memref<1x72xf32, #tpu.memory_space<vmem>> -> memref<72xf32, #tpu.memory_space<vmem>>
      %dma_start3A_204 = arith.constant 0 : i32
      %dma_start3A_205 = arith.constant 0 : i32
      %dma_start3A_206 = tpu.memref_slice %arg6[%dma_start3A_193, %dma_start3A_204, %dma_start3A_205] : memref<2x8x200xi32, #tpu.memory_space<vmem>> -> memref<1x8x200xi32, #tpu.memory_space<vmem>>
      %dma_start3A_207 = tpu.memref_squeeze %dma_start3A_206 : memref<1x8x200xi32, #tpu.memory_space<vmem>> -> memref<8x200xi32, #tpu.memory_space<vmem>>
      %dma_start3A_208 = arith.constant 128 : i32
      %dma_start3A_209 = tpu.memref_slice %dma_start3A_207[%dma_start3A_194, %dma_start3A_208] : memref<8x200xi32, #tpu.memory_space<vmem>> -> memref<1x72xi32, #tpu.memory_space<vmem>>
      %dma_start3A_210 = tpu.memref_squeeze %dma_start3A_209 : memref<1x72xi32, #tpu.memory_space<vmem>> -> memref<72xi32, #tpu.memory_space<vmem>>
      %dma_start3A_211 = arith.constant 0 : i32
      %dma_start3A_212 = tpu.memref_slice %arg5[%dma_start3A_211] : memref<1048576xf32, #tpu.memory_space<vmem_shared>> -> memref<1048576xf32, #tpu.memory_space<vmem_shared>>
      tpu.enqueue_indirect_dma source(%dma_start3A_212 : memref<1048576xf32, #tpu.memory_space<vmem_shared>>) target(%dma_start3A_203 : memref<72xf32, #tpu.memory_space<vmem>>) offsets(%dma_start3A_210 : memref<72xi32, #tpu.memory_space<vmem>>) semaphore(%arg10 : memref<!tpu.dma_semaphore, #tpu.memory_space<semaphore_mem>>)
      %dma_start3A_213 = arith.constant 0 : i32
      %dma_start3A_214 = arith.constant 3 : i32
      %dma_start3A_215 = arith.constant 0 : i32
      %dma_start3A_216 = arith.constant 3 : i32
      %dma_start3A_217 = arith.constant 0 : i32
      %dma_start3A_218 = arith.constant 0 : i32
      %dma_start3A_219 = tpu.memref_slice %arg7[%dma_start3A_215, %dma_start3A_217, %dma_start3A_218] : memref<2x8x200xf32, #tpu.memory_space<vmem>> -> memref<1x8x200xf32, #tpu.memory_space<vmem>>
      %dma_start3A_220 = tpu.memref_squeeze %dma_start3A_219 : memref<1x8x200xf32, #tpu.memory_space<vmem>> -> memref<8x200xf32, #tpu.memory_space<vmem>>
      %dma_start3A_221 = arith.constant 0 : i32
      %dma_start3A_222 = tpu.memref_slice %dma_start3A_220[%dma_start3A_216, %dma_start3A_221] : memref<8x200xf32, #tpu.memory_space<vmem>> -> memref<1x128xf32, #tpu.memory_space<vmem>>
      %dma_start3A_223 = tpu.memref_squeeze %dma_start3A_222 : memref<1x128xf32, #tpu.memory_space<vmem>> -> memref<128xf32, #tpu.memory_space<vmem>>
      %dma_start3A_224 = arith.constant 0 : i32
      %dma_start3A_225 = arith.constant 0 : i32
      %dma_start3A_226 = tpu.memref_slice %arg6[%dma_start3A_213, %dma_start3A_224, %dma_start3A_225] : memref<2x8x200xi32, #tpu.memory_space<vmem>> -> memref<1x8x200xi32, #tpu.memory_space<vmem>>
      %dma_start3A_227 = tpu.memref_squeeze %dma_start3A_226 : memref<1x8x200xi32, #tpu.memory_space<vmem>> -> memref<8x200xi32, #tpu.memory_space<vmem>>
      %dma_start3A_228 = arith.constant 0 : i32
      %dma_start3A_229 = tpu.memref_slice %dma_start3A_227[%dma_start3A_214, %dma_start3A_228] : memref<8x200xi32, #tpu.memory_space<vmem>> -> memref<1x128xi32, #tpu.memory_space<vmem>>
      %dma_start3A_230 = tpu.memref_squeeze %dma_start3A_229 : memref<1x128xi32, #tpu.memory_space<vmem>> -> memref<128xi32, #tpu.memory_space<vmem>>
      %dma_start3A_231 = arith.constant 0 : i32
      %dma_start3A_232 = tpu.memref_slice %arg5[%dma_start3A_231] : memref<1048576xf32, #tpu.memory_space<vmem_shared>> -> memref<1048576xf32, #tpu.memory_space<vmem_shared>>
      tpu.enqueue_indirect_dma source(%dma_start3A_232 : memref<1048576xf32, #tpu.memory_space<vmem_shared>>) target(%dma_start3A_223 : memref<128xf32, #tpu.memory_space<vmem>>) offsets(%dma_start3A_230 : memref<128xi32, #tpu.memory_space<vmem>>) semaphore(%arg10 : memref<!tpu.dma_semaphore, #tpu.memory_space<semaphore_mem>>)
      %dma_start3A_233 = arith.constant 0 : i32
      %dma_start3A_234 = arith.constant 3 : i32
      %dma_start3A_235 = arith.constant 0 : i32
      %dma_start3A_236 = arith.constant 3 : i32
      %dma_start3A_237 = arith.constant 0 : i32
      %dma_start3A_238 = arith.constant 0 : i32
      %dma_start3A_239 = tpu.memref_slice %arg7[%dma_start3A_235, %dma_start3A_237, %dma_start3A_238] : memref<2x8x200xf32, #tpu.memory_space<vmem>> -> memref<1x8x200xf32, #tpu.memory_space<vmem>>
      %dma_start3A_240 = tpu.memref_squeeze %dma_start3A_239 : memref<1x8x200xf32, #tpu.memory_space<vmem>> -> memref<8x200xf32, #tpu.memory_space<vmem>>
      %dma_start3A_241 = arith.constant 128 : i32
      %dma_start3A_242 = tpu.memref_slice %dma_start3A_240[%dma_start3A_236, %dma_start3A_241] : memref<8x200xf32, #tpu.memory_space<vmem>> -> memref<1x72xf32, #tpu.memory_space<vmem>>
      %dma_start3A_243 = tpu.memref_squeeze %dma_start3A_242 : memref<1x72xf32, #tpu.memory_space<vmem>> -> memref<72xf32, #tpu.memory_space<vmem>>
      %dma_start3A_244 = arith.constant 0 : i32
      %dma_start3A_245 = arith.constant 0 : i32
      %dma_start3A_246 = tpu.memref_slice %arg6[%dma_start3A_233, %dma_start3A_244, %dma_start3A_245] : memref<2x8x200xi32, #tpu.memory_space<vmem>> -> memref<1x8x200xi32, #tpu.memory_space<vmem>>
      %dma_start3A_247 = tpu.memref_squeeze %dma_start3A_246 : memref<1x8x200xi32, #tpu.memory_space<vmem>> -> memref<8x200xi32, #tpu.memory_space<vmem>>
      %dma_start3A_248 = arith.constant 128 : i32
      %dma_start3A_249 = tpu.memref_slice %dma_start3A_247[%dma_start3A_234, %dma_start3A_248] : memref<8x200xi32, #tpu.memory_space<vmem>> -> memref<1x72xi32, #tpu.memory_space<vmem>>
      %dma_start3A_250 = tpu.memref_squeeze %dma_start3A_249 : memref<1x72xi32, #tpu.memory_space<vmem>> -> memref<72xi32, #tpu.memory_space<vmem>>
      %dma_start3A_251 = arith.constant 0 : i32
      %dma_start3A_252 = tpu.memref_slice %arg5[%dma_start3A_251] : memref<1048576xf32, #tpu.memory_space<vmem_shared>> -> memref<1048576xf32, #tpu.memory_space<vmem_shared>>
      tpu.enqueue_indirect_dma source(%dma_start3A_252 : memref<1048576xf32, #tpu.memory_space<vmem_shared>>) target(%dma_start3A_243 : memref<72xf32, #tpu.memory_space<vmem>>) offsets(%dma_start3A_250 : memref<72xi32, #tpu.memory_space<vmem>>) semaphore(%arg10 : memref<!tpu.dma_semaphore, #tpu.memory_space<semaphore_mem>>)
      %dma_start3A_253 = arith.constant 0 : i32
      %dma_start3A_254 = arith.constant 4 : i32
      %dma_start3A_255 = arith.constant 0 : i32
      %dma_start3A_256 = arith.constant 4 : i32
      %dma_start3A_257 = arith.constant 0 : i32
      %dma_start3A_258 = arith.constant 0 : i32
      %dma_start3A_259 = tpu.memref_slice %arg7[%dma_start3A_255, %dma_start3A_257, %dma_start3A_258] : memref<2x8x200xf32, #tpu.memory_space<vmem>> -> memref<1x8x200xf32, #tpu.memory_space<vmem>>
      %dma_start3A_260 = tpu.memref_squeeze %dma_start3A_259 : memref<1x8x200xf32, #tpu.memory_space<vmem>> -> memref<8x200xf32, #tpu.memory_space<vmem>>
      %dma_start3A_261 = arith.constant 0 : i32
      %dma_start3A_262 = tpu.memref_slice %dma_start3A_260[%dma_start3A_256, %dma_start3A_261] : memref<8x200xf32, #tpu.memory_space<vmem>> -> memref<1x128xf32, #tpu.memory_space<vmem>>
      %dma_start3A_263 = tpu.memref_squeeze %dma_start3A_262 : memref<1x128xf32, #tpu.memory_space<vmem>> -> memref<128xf32, #tpu.memory_space<vmem>>
      %dma_start3A_264 = arith.constant 0 : i32
      %dma_start3A_265 = arith.constant 0 : i32
      %dma_start3A_266 = tpu.memref_slice %arg6[%dma_start3A_253, %dma_start3A_264, %dma_start3A_265] : memref<2x8x200xi32, #tpu.memory_space<vmem>> -> memref<1x8x200xi32, #tpu.memory_space<vmem>>
      %dma_start3A_267 = tpu.memref_squeeze %dma_start3A_266 : memref<1x8x200xi32, #tpu.memory_space<vmem>> -> memref<8x200xi32, #tpu.memory_space<vmem>>
      %dma_start3A_268 = arith.constant 0 : i32
      %dma_start3A_269 = tpu.memref_slice %dma_start3A_267[%dma_start3A_254, %dma_start3A_268] : memref<8x200xi32, #tpu.memory_space<vmem>> -> memref<1x128xi32, #tpu.memory_space<vmem>>
      %dma_start3A_270 = tpu.memref_squeeze %dma_start3A_269 : memref<1x128xi32, #tpu.memory_space<vmem>> -> memref<128xi32, #tpu.memory_space<vmem>>
      %dma_start3A_271 = arith.constant 0 : i32
      %dma_start3A_272 = tpu.memref_slice %arg5[%dma_start3A_271] : memref<1048576xf32, #tpu.memory_space<vmem_shared>> -> memref<1048576xf32, #tpu.memory_space<vmem_shared>>
      tpu.enqueue_indirect_dma source(%dma_start3A_272 : memref<1048576xf32, #tpu.memory_space<vmem_shared>>) target(%dma_start3A_263 : memref<128xf32, #tpu.memory_space<vmem>>) offsets(%dma_start3A_270 : memref<128xi32, #tpu.memory_space<vmem>>) semaphore(%arg10 : memref<!tpu.dma_semaphore, #tpu.memory_space<semaphore_mem>>)
      %dma_start3A_273 = arith.constant 0 : i32
      %dma_start3A_274 = arith.constant 4 : i32
      %dma_start3A_275 = arith.constant 0 : i32
      %dma_start3A_276 = arith.constant 4 : i32
      %dma_start3A_277 = arith.constant 0 : i32
      %dma_start3A_278 = arith.constant 0 : i32
      %dma_start3A_279 = tpu.memref_slice %arg7[%dma_start3A_275, %dma_start3A_277, %dma_start3A_278] : memref<2x8x200xf32, #tpu.memory_space<vmem>> -> memref<1x8x200xf32, #tpu.memory_space<vmem>>
      %dma_start3A_280 = tpu.memref_squeeze %dma_start3A_279 : memref<1x8x200xf32, #tpu.memory_space<vmem>> -> memref<8x200xf32, #tpu.memory_space<vmem>>
      %dma_start3A_281 = arith.constant 128 : i32
      %dma_start3A_282 = tpu.memref_slice %dma_start3A_280[%dma_start3A_276, %dma_start3A_281] : memref<8x200xf32, #tpu.memory_space<vmem>> -> memref<1x72xf32, #tpu.memory_space<vmem>>
      %dma_start3A_283 = tpu.memref_squeeze %dma_start3A_282 : memref<1x72xf32, #tpu.memory_space<vmem>> -> memref<72xf32, #tpu.memory_space<vmem>>
      %dma_start3A_284 = arith.constant 0 : i32
      %dma_start3A_285 = arith.constant 0 : i32
      %dma_start3A_286 = tpu.memref_slice %arg6[%dma_start3A_273, %dma_start3A_284, %dma_start3A_285] : memref<2x8x200xi32, #tpu.memory_space<vmem>> -> memref<1x8x200xi32, #tpu.memory_space<vmem>>
      %dma_start3A_287 = tpu.memref_squeeze %dma_start3A_286 : memref<1x8x200xi32, #tpu.memory_space<vmem>> -> memref<8x200xi32, #tpu.memory_space<vmem>>
      %dma_start3A_288 = arith.constant 128 : i32
      %dma_start3A_289 = tpu.memref_slice %dma_start3A_287[%dma_start3A_274, %dma_start3A_288] : memref<8x200xi32, #tpu.memory_space<vmem>> -> memref<1x72xi32, #tpu.memory_space<vmem>>
      %dma_start3A_290 = tpu.memref_squeeze %dma_start3A_289 : memref<1x72xi32, #tpu.memory_space<vmem>> -> memref<72xi32, #tpu.memory_space<vmem>>
      %dma_start3A_291 = arith.constant 0 : i32
      %dma_start3A_292 = tpu.memref_slice %arg5[%dma_start3A_291] : memref<1048576xf32, #tpu.memory_space<vmem_shared>> -> memref<1048576xf32, #tpu.memory_space<vmem_shared>>
      tpu.enqueue_indirect_dma source(%dma_start3A_292 : memref<1048576xf32, #tpu.memory_space<vmem_shared>>) target(%dma_start3A_283 : memref<72xf32, #tpu.memory_space<vmem>>) offsets(%dma_start3A_290 : memref<72xi32, #tpu.memory_space<vmem>>) semaphore(%arg10 : memref<!tpu.dma_semaphore, #tpu.memory_space<semaphore_mem>>)
      %dma_start3A_293 = arith.constant 0 : i32
      %dma_start3A_294 = arith.constant 5 : i32
      %dma_start3A_295 = arith.constant 0 : i32
      %dma_start3A_296 = arith.constant 5 : i32
      %dma_start3A_297 = arith.constant 0 : i32
      %dma_start3A_298 = arith.constant 0 : i32
      %dma_start3A_299 = tpu.memref_slice %arg7[%dma_start3A_295, %dma_start3A_297, %dma_start3A_298] : memref<2x8x200xf32, #tpu.memory_space<vmem>> -> memref<1x8x200xf32, #tpu.memory_space<vmem>>
      %dma_start3A_300 = tpu.memref_squeeze %dma_start3A_299 : memref<1x8x200xf32, #tpu.memory_space<vmem>> -> memref<8x200xf32, #tpu.memory_space<vmem>>
      %dma_start3A_301 = arith.constant 0 : i32
      %dma_start3A_302 = tpu.memref_slice %dma_start3A_300[%dma_start3A_296, %dma_start3A_301] : memref<8x200xf32, #tpu.memory_space<vmem>> -> memref<1x128xf32, #tpu.memory_space<vmem>>
      %dma_start3A_303 = tpu.memref_squeeze %dma_start3A_302 : memref<1x128xf32, #tpu.memory_space<vmem>> -> memref<128xf32, #tpu.memory_space<vmem>>
      %dma_start3A_304 = arith.constant 0 : i32
      %dma_start3A_305 = arith.constant 0 : i32
      %dma_start3A_306 = tpu.memref_slice %arg6[%dma_start3A_293, %dma_start3A_304, %dma_start3A_305] : memref<2x8x200xi32, #tpu.memory_space<vmem>> -> memref<1x8x200xi32, #tpu.memory_space<vmem>>
      %dma_start3A_307 = tpu.memref_squeeze %dma_start3A_306 : memref<1x8x200xi32, #tpu.memory_space<vmem>> -> memref<8x200xi32, #tpu.memory_space<vmem>>
      %dma_start3A_308 = arith.constant 0 : i32
      %dma_start3A_309 = tpu.memref_slice %dma_start3A_307[%dma_start3A_294, %dma_start3A_308] : memref<8x200xi32, #tpu.memory_space<vmem>> -> memref<1x128xi32, #tpu.memory_space<vmem>>
      %dma_start3A_310 = tpu.memref_squeeze %dma_start3A_309 : memref<1x128xi32, #tpu.memory_space<vmem>> -> memref<128xi32, #tpu.memory_space<vmem>>
      %dma_start3A_311 = arith.constant 0 : i32
      %dma_start3A_312 = tpu.memref_slice %arg5[%dma_start3A_311] : memref<1048576xf32, #tpu.memory_space<vmem_shared>> -> memref<1048576xf32, #tpu.memory_space<vmem_shared>>
      tpu.enqueue_indirect_dma source(%dma_start3A_312 : memref<1048576xf32, #tpu.memory_space<vmem_shared>>) target(%dma_start3A_303 : memref<128xf32, #tpu.memory_space<vmem>>) offsets(%dma_start3A_310 : memref<128xi32, #tpu.memory_space<vmem>>) semaphore(%arg10 : memref<!tpu.dma_semaphore, #tpu.memory_space<semaphore_mem>>)
      %dma_start3A_313 = arith.constant 0 : i32
      %dma_start3A_314 = arith.constant 5 : i32
      %dma_start3A_315 = arith.constant 0 : i32
      %dma_start3A_316 = arith.constant 5 : i32
      %dma_start3A_317 = arith.constant 0 : i32
      %dma_start3A_318 = arith.constant 0 : i32
      %dma_start3A_319 = tpu.memref_slice %arg7[%dma_start3A_315, %dma_start3A_317, %dma_start3A_318] : memref<2x8x200xf32, #tpu.memory_space<vmem>> -> memref<1x8x200xf32, #tpu.memory_space<vmem>>
      %dma_start3A_320 = tpu.memref_squeeze %dma_start3A_319 : memref<1x8x200xf32, #tpu.memory_space<vmem>> -> memref<8x200xf32, #tpu.memory_space<vmem>>
      %dma_start3A_321 = arith.constant 128 : i32
      %dma_start3A_322 = tpu.memref_slice %dma_start3A_320[%dma_start3A_316, %dma_start3A_321] : memref<8x200xf32, #tpu.memory_space<vmem>> -> memref<1x72xf32, #tpu.memory_space<vmem>>
      %dma_start3A_323 = tpu.memref_squeeze %dma_start3A_322 : memref<1x72xf32, #tpu.memory_space<vmem>> -> memref<72xf32, #tpu.memory_space<vmem>>
      %dma_start3A_324 = arith.constant 0 : i32
      %dma_start3A_325 = arith.constant 0 : i32
      %dma_start3A_326 = tpu.memref_slice %arg6[%dma_start3A_313, %dma_start3A_324, %dma_start3A_325] : memref<2x8x200xi32, #tpu.memory_space<vmem>> -> memref<1x8x200xi32, #tpu.memory_space<vmem>>
      %dma_start3A_327 = tpu.memref_squeeze %dma_start3A_326 : memref<1x8x200xi32, #tpu.memory_space<vmem>> -> memref<8x200xi32, #tpu.memory_space<vmem>>
      %dma_start3A_328 = arith.constant 128 : i32
      %dma_start3A_329 = tpu.memref_slice %dma_start3A_327[%dma_start3A_314, %dma_start3A_328] : memref<8x200xi32, #tpu.memory_space<vmem>> -> memref<1x72xi32, #tpu.memory_space<vmem>>
      %dma_start3A_330 = tpu.memref_squeeze %dma_start3A_329 : memref<1x72xi32, #tpu.memory_space<vmem>> -> memref<72xi32, #tpu.memory_space<vmem>>
      %dma_start3A_331 = arith.constant 0 : i32
      %dma_start3A_332 = tpu.memref_slice %arg5[%dma_start3A_331] : memref<1048576xf32, #tpu.memory_space<vmem_shared>> -> memref<1048576xf32, #tpu.memory_space<vmem_shared>>
      tpu.enqueue_indirect_dma source(%dma_start3A_332 : memref<1048576xf32, #tpu.memory_space<vmem_shared>>) target(%dma_start3A_323 : memref<72xf32, #tpu.memory_space<vmem>>) offsets(%dma_start3A_330 : memref<72xi32, #tpu.memory_space<vmem>>) semaphore(%arg10 : memref<!tpu.dma_semaphore, #tpu.memory_space<semaphore_mem>>)
      %dma_start3A_333 = arith.constant 0 : i32
      %dma_start3A_334 = arith.constant 6 : i32
      %dma_start3A_335 = arith.constant 0 : i32
      %dma_start3A_336 = arith.constant 6 : i32
      %dma_start3A_337 = arith.constant 0 : i32
      %dma_start3A_338 = arith.constant 0 : i32
      %dma_start3A_339 = tpu.memref_slice %arg7[%dma_start3A_335, %dma_start3A_337, %dma_start3A_338] : memref<2x8x200xf32, #tpu.memory_space<vmem>> -> memref<1x8x200xf32, #tpu.memory_space<vmem>>
      %dma_start3A_340 = tpu.memref_squeeze %dma_start3A_339 : memref<1x8x200xf32, #tpu.memory_space<vmem>> -> memref<8x200xf32, #tpu.memory_space<vmem>>
      %dma_start3A_341 = arith.constant 0 : i32
      %dma_start3A_342 = tpu.memref_slice %dma_start3A_340[%dma_start3A_336, %dma_start3A_341] : memref<8x200xf32, #tpu.memory_space<vmem>> -> memref<1x128xf32, #tpu.memory_space<vmem>>
      %dma_start3A_343 = tpu.memref_squeeze %dma_start3A_342 : memref<1x128xf32, #tpu.memory_space<vmem>> -> memref<128xf32, #tpu.memory_space<vmem>>
      %dma_start3A_344 = arith.constant 0 : i32
      %dma_start3A_345 = arith.constant 0 : i32
      %dma_start3A_346 = tpu.memref_slice %arg6[%dma_start3A_333, %dma_start3A_344, %dma_start3A_345] : memref<2x8x200xi32, #tpu.memory_space<vmem>> -> memref<1x8x200xi32, #tpu.memory_space<vmem>>
      %dma_start3A_347 = tpu.memref_squeeze %dma_start3A_346 : memref<1x8x200xi32, #tpu.memory_space<vmem>> -> memref<8x200xi32, #tpu.memory_space<vmem>>
      %dma_start3A_348 = arith.constant 0 : i32
      %dma_start3A_349 = tpu.memref_slice %dma_start3A_347[%dma_start3A_334, %dma_start3A_348] : memref<8x200xi32, #tpu.memory_space<vmem>> -> memref<1x128xi32, #tpu.memory_space<vmem>>
      %dma_start3A_350 = tpu.memref_squeeze %dma_start3A_349 : memref<1x128xi32, #tpu.memory_space<vmem>> -> memref<128xi32, #tpu.memory_space<vmem>>
      %dma_start3A_351 = arith.constant 0 : i32
      %dma_start3A_352 = tpu.memref_slice %arg5[%dma_start3A_351] : memref<1048576xf32, #tpu.memory_space<vmem_shared>> -> memref<1048576xf32, #tpu.memory_space<vmem_shared>>
      tpu.enqueue_indirect_dma source(%dma_start3A_352 : memref<1048576xf32, #tpu.memory_space<vmem_shared>>) target(%dma_start3A_343 : memref<128xf32, #tpu.memory_space<vmem>>) offsets(%dma_start3A_350 : memref<128xi32, #tpu.memory_space<vmem>>) semaphore(%arg10 : memref<!tpu.dma_semaphore, #tpu.memory_space<semaphore_mem>>)
      %dma_start3A_353 = arith.constant 0 : i32
      %dma_start3A_354 = arith.constant 6 : i32
      %dma_start3A_355 = arith.constant 0 : i32
      %dma_start3A_356 = arith.constant 6 : i32
      %dma_start3A_357 = arith.constant 0 : i32
      %dma_start3A_358 = arith.constant 0 : i32
      %dma_start3A_359 = tpu.memref_slice %arg7[%dma_start3A_355, %dma_start3A_357, %dma_start3A_358] : memref<2x8x200xf32, #tpu.memory_space<vmem>> -> memref<1x8x200xf32, #tpu.memory_space<vmem>>
      %dma_start3A_360 = tpu.memref_squeeze %dma_start3A_359 : memref<1x8x200xf32, #tpu.memory_space<vmem>> -> memref<8x200xf32, #tpu.memory_space<vmem>>
      %dma_start3A_361 = arith.constant 128 : i32
      %dma_start3A_362 = tpu.memref_slice %dma_start3A_360[%dma_start3A_356, %dma_start3A_361] : memref<8x200xf32, #tpu.memory_space<vmem>> -> memref<1x72xf32, #tpu.memory_space<vmem>>
      %dma_start3A_363 = tpu.memref_squeeze %dma_start3A_362 : memref<1x72xf32, #tpu.memory_space<vmem>> -> memref<72xf32, #tpu.memory_space<vmem>>
      %dma_start3A_364 = arith.constant 0 : i32
      %dma_start3A_365 = arith.constant 0 : i32
      %dma_start3A_366 = tpu.memref_slice %arg6[%dma_start3A_353, %dma_start3A_364, %dma_start3A_365] : memref<2x8x200xi32, #tpu.memory_space<vmem>> -> memref<1x8x200xi32, #tpu.memory_space<vmem>>
      %dma_start3A_367 = tpu.memref_squeeze %dma_start3A_366 : memref<1x8x200xi32, #tpu.memory_space<vmem>> -> memref<8x200xi32, #tpu.memory_space<vmem>>
      %dma_start3A_368 = arith.constant 128 : i32
      %dma_start3A_369 = tpu.memref_slice %dma_start3A_367[%dma_start3A_354, %dma_start3A_368] : memref<8x200xi32, #tpu.memory_space<vmem>> -> memref<1x72xi32, #tpu.memory_space<vmem>>
      %dma_start3A_370 = tpu.memref_squeeze %dma_start3A_369 : memref<1x72xi32, #tpu.memory_space<vmem>> -> memref<72xi32, #tpu.memory_space<vmem>>
      %dma_start3A_371 = arith.constant 0 : i32
      %dma_start3A_372 = tpu.memref_slice %arg5[%dma_start3A_371] : memref<1048576xf32, #tpu.memory_space<vmem_shared>> -> memref<1048576xf32, #tpu.memory_space<vmem_shared>>
      tpu.enqueue_indirect_dma source(%dma_start3A_372 : memref<1048576xf32, #tpu.memory_space<vmem_shared>>) target(%dma_start3A_363 : memref<72xf32, #tpu.memory_space<vmem>>) offsets(%dma_start3A_370 : memref<72xi32, #tpu.memory_space<vmem>>) semaphore(%arg10 : memref<!tpu.dma_semaphore, #tpu.memory_space<semaphore_mem>>)
      %dma_start3A_373 = arith.constant 0 : i32
      %dma_start3A_374 = arith.constant 7 : i32
      %dma_start3A_375 = arith.constant 0 : i32
      %dma_start3A_376 = arith.constant 7 : i32
      %dma_start3A_377 = arith.constant 0 : i32
      %dma_start3A_378 = arith.constant 0 : i32
      %dma_start3A_379 = tpu.memref_slice %arg7[%dma_start3A_375, %dma_start3A_377, %dma_start3A_378] : memref<2x8x200xf32, #tpu.memory_space<vmem>> -> memref<1x8x200xf32, #tpu.memory_space<vmem>>
      %dma_start3A_380 = tpu.memref_squeeze %dma_start3A_379 : memref<1x8x200xf32, #tpu.memory_space<vmem>> -> memref<8x200xf32, #tpu.memory_space<vmem>>
      %dma_start3A_381 = arith.constant 0 : i32
      %dma_start3A_382 = tpu.memref_slice %dma_start3A_380[%dma_start3A_376, %dma_start3A_381] : memref<8x200xf32, #tpu.memory_space<vmem>> -> memref<1x128xf32, #tpu.memory_space<vmem>>
      %dma_start3A_383 = tpu.memref_squeeze %dma_start3A_382 : memref<1x128xf32, #tpu.memory_space<vmem>> -> memref<128xf32, #tpu.memory_space<vmem>>
      %dma_start3A_384 = arith.constant 0 : i32
      %dma_start3A_385 = arith.constant 0 : i32
      %dma_start3A_386 = tpu.memref_slice %arg6[%dma_start3A_373, %dma_start3A_384, %dma_start3A_385] : memref<2x8x200xi32, #tpu.memory_space<vmem>> -> memref<1x8x200xi32, #tpu.memory_space<vmem>>
      %dma_start3A_387 = tpu.memref_squeeze %dma_start3A_386 : memref<1x8x200xi32, #tpu.memory_space<vmem>> -> memref<8x200xi32, #tpu.memory_space<vmem>>
      %dma_start3A_388 = arith.constant 0 : i32
      %dma_start3A_389 = tpu.memref_slice %dma_start3A_387[%dma_start3A_374, %dma_start3A_388] : memref<8x200xi32, #tpu.memory_space<vmem>> -> memref<1x128xi32, #tpu.memory_space<vmem>>
      %dma_start3A_390 = tpu.memref_squeeze %dma_start3A_389 : memref<1x128xi32, #tpu.memory_space<vmem>> -> memref<128xi32, #tpu.memory_space<vmem>>
      %dma_start3A_391 = arith.constant 0 : i32
      %dma_start3A_392 = tpu.memref_slice %arg5[%dma_start3A_391] : memref<1048576xf32, #tpu.memory_space<vmem_shared>> -> memref<1048576xf32, #tpu.memory_space<vmem_shared>>
      tpu.enqueue_indirect_dma source(%dma_start3A_392 : memref<1048576xf32, #tpu.memory_space<vmem_shared>>) target(%dma_start3A_383 : memref<128xf32, #tpu.memory_space<vmem>>) offsets(%dma_start3A_390 : memref<128xi32, #tpu.memory_space<vmem>>) semaphore(%arg10 : memref<!tpu.dma_semaphore, #tpu.memory_space<semaphore_mem>>)
      %dma_start3A_393 = arith.constant 0 : i32
      %dma_start3A_394 = arith.constant 7 : i32
      %dma_start3A_395 = arith.constant 0 : i32
      %dma_start3A_396 = arith.constant 7 : i32
      %dma_start3A_397 = arith.constant 0 : i32
      %dma_start3A_398 = arith.constant 0 : i32
      %dma_start3A_399 = tpu.memref_slice %arg7[%dma_start3A_395, %dma_start3A_397, %dma_start3A_398] : memref<2x8x200xf32, #tpu.memory_space<vmem>> -> memref<1x8x200xf32, #tpu.memory_space<vmem>>
      %dma_start3A_400 = tpu.memref_squeeze %dma_start3A_399 : memref<1x8x200xf32, #tpu.memory_space<vmem>> -> memref<8x200xf32, #tpu.memory_space<vmem>>
      %dma_start3A_401 = arith.constant 128 : i32
      %dma_start3A_402 = tpu.memref_slice %dma_start3A_400[%dma_start3A_396, %dma_start3A_401] : memref<8x200xf32, #tpu.memory_space<vmem>> -> memref<1x72xf32, #tpu.memory_space<vmem>>
      %dma_start3A_403 = tpu.memref_squeeze %dma_start3A_402 : memref<1x72xf32, #tpu.memory_space<vmem>> -> memref<72xf32, #tpu.memory_space<vmem>>
      %dma_start3A_404 = arith.constant 0 : i32
      %dma_start3A_405 = arith.constant 0 : i32
      %dma_start3A_406 = tpu.memref_slice %arg6[%dma_start3A_393, %dma_start3A_404, %dma_start3A_405] : memref<2x8x200xi32, #tpu.memory_space<vmem>> -> memref<1x8x200xi32, #tpu.memory_space<vmem>>
      %dma_start3A_407 = tpu.memref_squeeze %dma_start3A_406 : memref<1x8x200xi32, #tpu.memory_space<vmem>> -> memref<8x200xi32, #tpu.memory_space<vmem>>
      %dma_start3A_408 = arith.constant 128 : i32
      %dma_start3A_409 = tpu.memref_slice %dma_start3A_407[%dma_start3A_394, %dma_start3A_408] : memref<8x200xi32, #tpu.memory_space<vmem>> -> memref<1x72xi32, #tpu.memory_space<vmem>>
      %dma_start3A_410 = tpu.memref_squeeze %dma_start3A_409 : memref<1x72xi32, #tpu.memory_space<vmem>> -> memref<72xi32, #tpu.memory_space<vmem>>
      %dma_start3A_411 = arith.constant 0 : i32
      %dma_start3A_412 = tpu.memref_slice %arg5[%dma_start3A_411] : memref<1048576xf32, #tpu.memory_space<vmem_shared>> -> memref<1048576xf32, #tpu.memory_space<vmem_shared>>
      tpu.enqueue_indirect_dma source(%dma_start3A_412 : memref<1048576xf32, #tpu.memory_space<vmem_shared>>) target(%dma_start3A_403 : memref<72xf32, #tpu.memory_space<vmem>>) offsets(%dma_start3A_410 : memref<72xi32, #tpu.memory_space<vmem>>) semaphore(%arg10 : memref<!tpu.dma_semaphore, #tpu.memory_space<semaphore_mem>>)
      %dma_wait3A_413 = arith.constant 0 : i32
      %dma_wait3A_414 = arith.constant 0 : i32
      %dma_wait3A_415 = arith.constant 0 : i32
      %dma_wait3A_416 = arith.constant 0 : i32
      %dma_wait3A_417 = arith.constant 0 : i32
      %dma_wait3A_418 = arith.constant 0 : i32
      %dma_wait3A_419 = tpu.memref_slice %arg7[%dma_wait3A_415, %dma_wait3A_417, %dma_wait3A_418] : memref<2x8x200xf32, #tpu.memory_space<vmem>> -> memref<1x8x200xf32, #tpu.memory_space<vmem>>
      %dma_wait3A_420 = tpu.memref_squeeze %dma_wait3A_419 : memref<1x8x200xf32, #tpu.memory_space<vmem>> -> memref<8x200xf32, #tpu.memory_space<vmem>>
      %dma_wait3A_421 = arith.constant 0 : i32
      %dma_wait3A_422 = tpu.memref_slice %dma_wait3A_420[%dma_wait3A_416, %dma_wait3A_421] : memref<8x200xf32, #tpu.memory_space<vmem>> -> memref<1x128xf32, #tpu.memory_space<vmem>>
      %dma_wait3A_423 = tpu.memref_squeeze %dma_wait3A_422 : memref<1x128xf32, #tpu.memory_space<vmem>> -> memref<128xf32, #tpu.memory_space<vmem>>
      %dma_wait3A_424 = arith.constant 0 : i32
      %dma_wait3A_425 = arith.constant 0 : i32
      %dma_wait3A_426 = tpu.memref_slice %arg6[%dma_wait3A_413, %dma_wait3A_424, %dma_wait3A_425] : memref<2x8x200xi32, #tpu.memory_space<vmem>> -> memref<1x8x200xi32, #tpu.memory_space<vmem>>
      %dma_wait3A_427 = tpu.memref_squeeze %dma_wait3A_426 : memref<1x8x200xi32, #tpu.memory_space<vmem>> -> memref<8x200xi32, #tpu.memory_space<vmem>>
      %dma_wait3A_428 = arith.constant 0 : i32
      %dma_wait3A_429 = tpu.memref_slice %dma_wait3A_427[%dma_wait3A_414, %dma_wait3A_428] : memref<8x200xi32, #tpu.memory_space<vmem>> -> memref<1x128xi32, #tpu.memory_space<vmem>>
      %dma_wait3A_430 = tpu.memref_squeeze %dma_wait3A_429 : memref<1x128xi32, #tpu.memory_space<vmem>> -> memref<128xi32, #tpu.memory_space<vmem>>
      %dma_wait3A_431 = arith.constant 0 : i32
      %dma_wait3A_432 = tpu.memref_slice %arg5[%dma_wait3A_431] : memref<1048576xf32, #tpu.memory_space<vmem_shared>> -> memref<1048576xf32, #tpu.memory_space<vmem_shared>>
      tpu.wait_indirect_dma semaphore(%arg10 : memref<!tpu.dma_semaphore, #tpu.memory_space<semaphore_mem>>) src(%dma_wait3A_432 : memref<1048576xf32, #tpu.memory_space<vmem_shared>>) dst(%dma_wait3A_423 : memref<128xf32, #tpu.memory_space<vmem>>)
      %dma_wait3A_433 = arith.constant 0 : i32
      %dma_wait3A_434 = arith.constant 0 : i32
      %dma_wait3A_435 = arith.constant 0 : i32
      %dma_wait3A_436 = arith.constant 0 : i32
      %dma_wait3A_437 = arith.constant 0 : i32
      %dma_wait3A_438 = arith.constant 0 : i32
      %dma_wait3A_439 = tpu.memref_slice %arg7[%dma_wait3A_435, %dma_wait3A_437, %dma_wait3A_438] : memref<2x8x200xf32, #tpu.memory_space<vmem>> -> memref<1x8x200xf32, #tpu.memory_space<vmem>>
      %dma_wait3A_440 = tpu.memref_squeeze %dma_wait3A_439 : memref<1x8x200xf32, #tpu.memory_space<vmem>> -> memref<8x200xf32, #tpu.memory_space<vmem>>
      %dma_wait3A_441 = arith.constant 128 : i32
      %dma_wait3A_442 = tpu.memref_slice %dma_wait3A_440[%dma_wait3A_436, %dma_wait3A_441] : memref<8x200xf32, #tpu.memory_space<vmem>> -> memref<1x72xf32, #tpu.memory_space<vmem>>
      %dma_wait3A_443 = tpu.memref_squeeze %dma_wait3A_442 : memref<1x72xf32, #tpu.memory_space<vmem>> -> memref<72xf32, #tpu.memory_space<vmem>>
      %dma_wait3A_444 = arith.constant 0 : i32
      %dma_wait3A_445 = arith.constant 0 : i32
      %dma_wait3A_446 = tpu.memref_slice %arg6[%dma_wait3A_433, %dma_wait3A_444, %dma_wait3A_445] : memref<2x8x200xi32, #tpu.memory_space<vmem>> -> memref<1x8x200xi32, #tpu.memory_space<vmem>>
      %dma_wait3A_447 = tpu.memref_squeeze %dma_wait3A_446 : memref<1x8x200xi32, #tpu.memory_space<vmem>> -> memref<8x200xi32, #tpu.memory_space<vmem>>
      %dma_wait3A_448 = arith.constant 128 : i32
      %dma_wait3A_449 = tpu.memref_slice %dma_wait3A_447[%dma_wait3A_434, %dma_wait3A_448] : memref<8x200xi32, #tpu.memory_space<vmem>> -> memref<1x72xi32, #tpu.memory_space<vmem>>
      %dma_wait3A_450 = tpu.memref_squeeze %dma_wait3A_449 : memref<1x72xi32, #tpu.memory_space<vmem>> -> memref<72xi32, #tpu.memory_space<vmem>>
      %dma_wait3A_451 = arith.constant 0 : i32
      %dma_wait3A_452 = tpu.memref_slice %arg5[%dma_wait3A_451] : memref<1048576xf32, #tpu.memory_space<vmem_shared>> -> memref<1048576xf32, #tpu.memory_space<vmem_shared>>
      tpu.wait_indirect_dma semaphore(%arg10 : memref<!tpu.dma_semaphore, #tpu.memory_space<semaphore_mem>>) src(%dma_wait3A_452 : memref<1048576xf32, #tpu.memory_space<vmem_shared>>) dst(%dma_wait3A_443 : memref<72xf32, #tpu.memory_space<vmem>>)
      %dma_wait3A_453 = arith.constant 0 : i32
      %dma_wait3A_454 = arith.constant 1 : i32
      %dma_wait3A_455 = arith.constant 0 : i32
      %dma_wait3A_456 = arith.constant 1 : i32
      %dma_wait3A_457 = arith.constant 0 : i32
      %dma_wait3A_458 = arith.constant 0 : i32
      %dma_wait3A_459 = tpu.memref_slice %arg7[%dma_wait3A_455, %dma_wait3A_457, %dma_wait3A_458] : memref<2x8x200xf32, #tpu.memory_space<vmem>> -> memref<1x8x200xf32, #tpu.memory_space<vmem>>
      %dma_wait3A_460 = tpu.memref_squeeze %dma_wait3A_459 : memref<1x8x200xf32, #tpu.memory_space<vmem>> -> memref<8x200xf32, #tpu.memory_space<vmem>>
      %dma_wait3A_461 = arith.constant 0 : i32
      %dma_wait3A_462 = tpu.memref_slice %dma_wait3A_460[%dma_wait3A_456, %dma_wait3A_461] : memref<8x200xf32, #tpu.memory_space<vmem>> -> memref<1x128xf32, #tpu.memory_space<vmem>>
      %dma_wait3A_463 = tpu.memref_squeeze %dma_wait3A_462 : memref<1x128xf32, #tpu.memory_space<vmem>> -> memref<128xf32, #tpu.memory_space<vmem>>
      %dma_wait3A_464 = arith.constant 0 : i32
      %dma_wait3A_465 = arith.constant 0 : i32
      %dma_wait3A_466 = tpu.memref_slice %arg6[%dma_wait3A_453, %dma_wait3A_464, %dma_wait3A_465] : memref<2x8x200xi32, #tpu.memory_space<vmem>> -> memref<1x8x200xi32, #tpu.memory_space<vmem>>
      %dma_wait3A_467 = tpu.memref_squeeze %dma_wait3A_466 : memref<1x8x200xi32, #tpu.memory_space<vmem>> -> memref<8x200xi32, #tpu.memory_space<vmem>>
      %dma_wait3A_468 = arith.constant 0 : i32
      %dma_wait3A_469 = tpu.memref_slice %dma_wait3A_467[%dma_wait3A_454, %dma_wait3A_468] : memref<8x200xi32, #tpu.memory_space<vmem>> -> memref<1x128xi32, #tpu.memory_space<vmem>>
      %dma_wait3A_470 = tpu.memref_squeeze %dma_wait3A_469 : memref<1x128xi32, #tpu.memory_space<vmem>> -> memref<128xi32, #tpu.memory_space<vmem>>
      %dma_wait3A_471 = arith.constant 0 : i32
      %dma_wait3A_472 = tpu.memref_slice %arg5[%dma_wait3A_471] : memref<1048576xf32, #tpu.memory_space<vmem_shared>> -> memref<1048576xf32, #tpu.memory_space<vmem_shared>>
      tpu.wait_indirect_dma semaphore(%arg10 : memref<!tpu.dma_semaphore, #tpu.memory_space<semaphore_mem>>) src(%dma_wait3A_472 : memref<1048576xf32, #tpu.memory_space<vmem_shared>>) dst(%dma_wait3A_463 : memref<128xf32, #tpu.memory_space<vmem>>)
      %dma_wait3A_473 = arith.constant 0 : i32
      %dma_wait3A_474 = arith.constant 1 : i32
      %dma_wait3A_475 = arith.constant 0 : i32
      %dma_wait3A_476 = arith.constant 1 : i32
      %dma_wait3A_477 = arith.constant 0 : i32
      %dma_wait3A_478 = arith.constant 0 : i32
      %dma_wait3A_479 = tpu.memref_slice %arg7[%dma_wait3A_475, %dma_wait3A_477, %dma_wait3A_478] : memref<2x8x200xf32, #tpu.memory_space<vmem>> -> memref<1x8x200xf32, #tpu.memory_space<vmem>>
      %dma_wait3A_480 = tpu.memref_squeeze %dma_wait3A_479 : memref<1x8x200xf32, #tpu.memory_space<vmem>> -> memref<8x200xf32, #tpu.memory_space<vmem>>
      %dma_wait3A_481 = arith.constant 128 : i32
      %dma_wait3A_482 = tpu.memref_slice %dma_wait3A_480[%dma_wait3A_476, %dma_wait3A_481] : memref<8x200xf32, #tpu.memory_space<vmem>> -> memref<1x72xf32, #tpu.memory_space<vmem>>
      %dma_wait3A_483 = tpu.memref_squeeze %dma_wait3A_482 : memref<1x72xf32, #tpu.memory_space<vmem>> -> memref<72xf32, #tpu.memory_space<vmem>>
      %dma_wait3A_484 = arith.constant 0 : i32
      %dma_wait3A_485 = arith.constant 0 : i32
      %dma_wait3A_486 = tpu.memref_slice %arg6[%dma_wait3A_473, %dma_wait3A_484, %dma_wait3A_485] : memref<2x8x200xi32, #tpu.memory_space<vmem>> -> memref<1x8x200xi32, #tpu.memory_space<vmem>>
      %dma_wait3A_487 = tpu.memref_squeeze %dma_wait3A_486 : memref<1x8x200xi32, #tpu.memory_space<vmem>> -> memref<8x200xi32, #tpu.memory_space<vmem>>
      %dma_wait3A_488 = arith.constant 128 : i32
      %dma_wait3A_489 = tpu.memref_slice %dma_wait3A_487[%dma_wait3A_474, %dma_wait3A_488] : memref<8x200xi32, #tpu.memory_space<vmem>> -> memref<1x72xi32, #tpu.memory_space<vmem>>
      %dma_wait3A_490 = tpu.memref_squeeze %dma_wait3A_489 : memref<1x72xi32, #tpu.memory_space<vmem>> -> memref<72xi32, #tpu.memory_space<vmem>>
      %dma_wait3A_491 = arith.constant 0 : i32
      %dma_wait3A_492 = tpu.memref_slice %arg5[%dma_wait3A_491] : memref<1048576xf32, #tpu.memory_space<vmem_shared>> -> memref<1048576xf32, #tpu.memory_space<vmem_shared>>
      tpu.wait_indirect_dma semaphore(%arg10 : memref<!tpu.dma_semaphore, #tpu.memory_space<semaphore_mem>>) src(%dma_wait3A_492 : memref<1048576xf32, #tpu.memory_space<vmem_shared>>) dst(%dma_wait3A_483 : memref<72xf32, #tpu.memory_space<vmem>>)
      %dma_wait3A_493 = arith.constant 0 : i32
      %dma_wait3A_494 = arith.constant 2 : i32
      %dma_wait3A_495 = arith.constant 0 : i32
      %dma_wait3A_496 = arith.constant 2 : i32
      %dma_wait3A_497 = arith.constant 0 : i32
      %dma_wait3A_498 = arith.constant 0 : i32
      %dma_wait3A_499 = tpu.memref_slice %arg7[%dma_wait3A_495, %dma_wait3A_497, %dma_wait3A_498] : memref<2x8x200xf32, #tpu.memory_space<vmem>> -> memref<1x8x200xf32, #tpu.memory_space<vmem>>
      %dma_wait3A_500 = tpu.memref_squeeze %dma_wait3A_499 : memref<1x8x200xf32, #tpu.memory_space<vmem>> -> memref<8x200xf32, #tpu.memory_space<vmem>>
      %dma_wait3A_501 = arith.constant 0 : i32
      %dma_wait3A_502 = tpu.memref_slice %dma_wait3A_500[%dma_wait3A_496, %dma_wait3A_501] : memref<8x200xf32, #tpu.memory_space<vmem>> -> memref<1x128xf32, #tpu.memory_space<vmem>>
      %dma_wait3A_503 = tpu.memref_squeeze %dma_wait3A_502 : memref<1x128xf32, #tpu.memory_space<vmem>> -> memref<128xf32, #tpu.memory_space<vmem>>
      %dma_wait3A_504 = arith.constant 0 : i32
      %dma_wait3A_505 = arith.constant 0 : i32
      %dma_wait3A_506 = tpu.memref_slice %arg6[%dma_wait3A_493, %dma_wait3A_504, %dma_wait3A_505] : memref<2x8x200xi32, #tpu.memory_space<vmem>> -> memref<1x8x200xi32, #tpu.memory_space<vmem>>
      %dma_wait3A_507 = tpu.memref_squeeze %dma_wait3A_506 : memref<1x8x200xi32, #tpu.memory_space<vmem>> -> memref<8x200xi32, #tpu.memory_space<vmem>>
      %dma_wait3A_508 = arith.constant 0 : i32
      %dma_wait3A_509 = tpu.memref_slice %dma_wait3A_507[%dma_wait3A_494, %dma_wait3A_508] : memref<8x200xi32, #tpu.memory_space<vmem>> -> memref<1x128xi32, #tpu.memory_space<vmem>>
      %dma_wait3A_510 = tpu.memref_squeeze %dma_wait3A_509 : memref<1x128xi32, #tpu.memory_space<vmem>> -> memref<128xi32, #tpu.memory_space<vmem>>
      %dma_wait3A_511 = arith.constant 0 : i32
      %dma_wait3A_512 = tpu.memref_slice %arg5[%dma_wait3A_511] : memref<1048576xf32, #tpu.memory_space<vmem_shared>> -> memref<1048576xf32, #tpu.memory_space<vmem_shared>>
      tpu.wait_indirect_dma semaphore(%arg10 : memref<!tpu.dma_semaphore, #tpu.memory_space<semaphore_mem>>) src(%dma_wait3A_512 : memref<1048576xf32, #tpu.memory_space<vmem_shared>>) dst(%dma_wait3A_503 : memref<128xf32, #tpu.memory_space<vmem>>)
      %dma_wait3A_513 = arith.constant 0 : i32
      %dma_wait3A_514 = arith.constant 2 : i32
      %dma_wait3A_515 = arith.constant 0 : i32
      %dma_wait3A_516 = arith.constant 2 : i32
      %dma_wait3A_517 = arith.constant 0 : i32
      %dma_wait3A_518 = arith.constant 0 : i32
      %dma_wait3A_519 = tpu.memref_slice %arg7[%dma_wait3A_515, %dma_wait3A_517, %dma_wait3A_518] : memref<2x8x200xf32, #tpu.memory_space<vmem>> -> memref<1x8x200xf32, #tpu.memory_space<vmem>>
      %dma_wait3A_520 = tpu.memref_squeeze %dma_wait3A_519 : memref<1x8x200xf32, #tpu.memory_space<vmem>> -> memref<8x200xf32, #tpu.memory_space<vmem>>
      %dma_wait3A_521 = arith.constant 128 : i32
      %dma_wait3A_522 = tpu.memref_slice %dma_wait3A_520[%dma_wait3A_516, %dma_wait3A_521] : memref<8x200xf32, #tpu.memory_space<vmem>> -> memref<1x72xf32, #tpu.memory_space<vmem>>
      %dma_wait3A_523 = tpu.memref_squeeze %dma_wait3A_522 : memref<1x72xf32, #tpu.memory_space<vmem>> -> memref<72xf32, #tpu.memory_space<vmem>>
      %dma_wait3A_524 = arith.constant 0 : i32
      %dma_wait3A_525 = arith.constant 0 : i32
      %dma_wait3A_526 = tpu.memref_slice %arg6[%dma_wait3A_513, %dma_wait3A_524, %dma_wait3A_525] : memref<2x8x200xi32, #tpu.memory_space<vmem>> -> memref<1x8x200xi32, #tpu.memory_space<vmem>>
      %dma_wait3A_527 = tpu.memref_squeeze %dma_wait3A_526 : memref<1x8x200xi32, #tpu.memory_space<vmem>> -> memref<8x200xi32, #tpu.memory_space<vmem>>
      %dma_wait3A_528 = arith.constant 128 : i32
      %dma_wait3A_529 = tpu.memref_slice %dma_wait3A_527[%dma_wait3A_514, %dma_wait3A_528] : memref<8x200xi32, #tpu.memory_space<vmem>> -> memref<1x72xi32, #tpu.memory_space<vmem>>
      %dma_wait3A_530 = tpu.memref_squeeze %dma_wait3A_529 : memref<1x72xi32, #tpu.memory_space<vmem>> -> memref<72xi32, #tpu.memory_space<vmem>>
      %dma_wait3A_531 = arith.constant 0 : i32
      %dma_wait3A_532 = tpu.memref_slice %arg5[%dma_wait3A_531] : memref<1048576xf32, #tpu.memory_space<vmem_shared>> -> memref<1048576xf32, #tpu.memory_space<vmem_shared>>
      tpu.wait_indirect_dma semaphore(%arg10 : memref<!tpu.dma_semaphore, #tpu.memory_space<semaphore_mem>>) src(%dma_wait3A_532 : memref<1048576xf32, #tpu.memory_space<vmem_shared>>) dst(%dma_wait3A_523 : memref<72xf32, #tpu.memory_space<vmem>>)
      %dma_wait3A_533 = arith.constant 0 : i32
      %dma_wait3A_534 = arith.constant 3 : i32
      %dma_wait3A_535 = arith.constant 0 : i32
      %dma_wait3A_536 = arith.constant 3 : i32
      %dma_wait3A_537 = arith.constant 0 : i32
      %dma_wait3A_538 = arith.constant 0 : i32
      %dma_wait3A_539 = tpu.memref_slice %arg7[%dma_wait3A_535, %dma_wait3A_537, %dma_wait3A_538] : memref<2x8x200xf32, #tpu.memory_space<vmem>> -> memref<1x8x200xf32, #tpu.memory_space<vmem>>
      %dma_wait3A_540 = tpu.memref_squeeze %dma_wait3A_539 : memref<1x8x200xf32, #tpu.memory_space<vmem>> -> memref<8x200xf32, #tpu.memory_space<vmem>>
      %dma_wait3A_541 = arith.constant 0 : i32
      %dma_wait3A_542 = tpu.memref_slice %dma_wait3A_540[%dma_wait3A_536, %dma_wait3A_541] : memref<8x200xf32, #tpu.memory_space<vmem>> -> memref<1x128xf32, #tpu.memory_space<vmem>>
      %dma_wait3A_543 = tpu.memref_squeeze %dma_wait3A_542 : memref<1x128xf32, #tpu.memory_space<vmem>> -> memref<128xf32, #tpu.memory_space<vmem>>
      %dma_wait3A_544 = arith.constant 0 : i32
      %dma_wait3A_545 = arith.constant 0 : i32
      %dma_wait3A_546 = tpu.memref_slice %arg6[%dma_wait3A_533, %dma_wait3A_544, %dma_wait3A_545] : memref<2x8x200xi32, #tpu.memory_space<vmem>> -> memref<1x8x200xi32, #tpu.memory_space<vmem>>
      %dma_wait3A_547 = tpu.memref_squeeze %dma_wait3A_546 : memref<1x8x200xi32, #tpu.memory_space<vmem>> -> memref<8x200xi32, #tpu.memory_space<vmem>>
      %dma_wait3A_548 = arith.constant 0 : i32
      %dma_wait3A_549 = tpu.memref_slice %dma_wait3A_547[%dma_wait3A_534, %dma_wait3A_548] : memref<8x200xi32, #tpu.memory_space<vmem>> -> memref<1x128xi32, #tpu.memory_space<vmem>>
      %dma_wait3A_550 = tpu.memref_squeeze %dma_wait3A_549 : memref<1x128xi32, #tpu.memory_space<vmem>> -> memref<128xi32, #tpu.memory_space<vmem>>
      %dma_wait3A_551 = arith.constant 0 : i32
      %dma_wait3A_552 = tpu.memref_slice %arg5[%dma_wait3A_551] : memref<1048576xf32, #tpu.memory_space<vmem_shared>> -> memref<1048576xf32, #tpu.memory_space<vmem_shared>>
      tpu.wait_indirect_dma semaphore(%arg10 : memref<!tpu.dma_semaphore, #tpu.memory_space<semaphore_mem>>) src(%dma_wait3A_552 : memref<1048576xf32, #tpu.memory_space<vmem_shared>>) dst(%dma_wait3A_543 : memref<128xf32, #tpu.memory_space<vmem>>)
      %dma_wait3A_553 = arith.constant 0 : i32
      %dma_wait3A_554 = arith.constant 3 : i32
      %dma_wait3A_555 = arith.constant 0 : i32
      %dma_wait3A_556 = arith.constant 3 : i32
      %dma_wait3A_557 = arith.constant 0 : i32
      %dma_wait3A_558 = arith.constant 0 : i32
      %dma_wait3A_559 = tpu.memref_slice %arg7[%dma_wait3A_555, %dma_wait3A_557, %dma_wait3A_558] : memref<2x8x200xf32, #tpu.memory_space<vmem>> -> memref<1x8x200xf32, #tpu.memory_space<vmem>>
      %dma_wait3A_560 = tpu.memref_squeeze %dma_wait3A_559 : memref<1x8x200xf32, #tpu.memory_space<vmem>> -> memref<8x200xf32, #tpu.memory_space<vmem>>
      %dma_wait3A_561 = arith.constant 128 : i32
      %dma_wait3A_562 = tpu.memref_slice %dma_wait3A_560[%dma_wait3A_556, %dma_wait3A_561] : memref<8x200xf32, #tpu.memory_space<vmem>> -> memref<1x72xf32, #tpu.memory_space<vmem>>
      %dma_wait3A_563 = tpu.memref_squeeze %dma_wait3A_562 : memref<1x72xf32, #tpu.memory_space<vmem>> -> memref<72xf32, #tpu.memory_space<vmem>>
      %dma_wait3A_564 = arith.constant 0 : i32
      %dma_wait3A_565 = arith.constant 0 : i32
      %dma_wait3A_566 = tpu.memref_slice %arg6[%dma_wait3A_553, %dma_wait3A_564, %dma_wait3A_565] : memref<2x8x200xi32, #tpu.memory_space<vmem>> -> memref<1x8x200xi32, #tpu.memory_space<vmem>>
      %dma_wait3A_567 = tpu.memref_squeeze %dma_wait3A_566 : memref<1x8x200xi32, #tpu.memory_space<vmem>> -> memref<8x200xi32, #tpu.memory_space<vmem>>
      %dma_wait3A_568 = arith.constant 128 : i32
      %dma_wait3A_569 = tpu.memref_slice %dma_wait3A_567[%dma_wait3A_554, %dma_wait3A_568] : memref<8x200xi32, #tpu.memory_space<vmem>> -> memref<1x72xi32, #tpu.memory_space<vmem>>
      %dma_wait3A_570 = tpu.memref_squeeze %dma_wait3A_569 : memref<1x72xi32, #tpu.memory_space<vmem>> -> memref<72xi32, #tpu.memory_space<vmem>>
      %dma_wait3A_571 = arith.constant 0 : i32
      %dma_wait3A_572 = tpu.memref_slice %arg5[%dma_wait3A_571] : memref<1048576xf32, #tpu.memory_space<vmem_shared>> -> memref<1048576xf32, #tpu.memory_space<vmem_shared>>
      tpu.wait_indirect_dma semaphore(%arg10 : memref<!tpu.dma_semaphore, #tpu.memory_space<semaphore_mem>>) src(%dma_wait3A_572 : memref<1048576xf32, #tpu.memory_space<vmem_shared>>) dst(%dma_wait3A_563 : memref<72xf32, #tpu.memory_space<vmem>>)
      %dma_wait3A_573 = arith.constant 0 : i32
      %dma_wait3A_574 = arith.constant 4 : i32
      %dma_wait3A_575 = arith.constant 0 : i32
      %dma_wait3A_576 = arith.constant 4 : i32
      %dma_wait3A_577 = arith.constant 0 : i32
      %dma_wait3A_578 = arith.constant 0 : i32
      %dma_wait3A_579 = tpu.memref_slice %arg7[%dma_wait3A_575, %dma_wait3A_577, %dma_wait3A_578] : memref<2x8x200xf32, #tpu.memory_space<vmem>> -> memref<1x8x200xf32, #tpu.memory_space<vmem>>
      %dma_wait3A_580 = tpu.memref_squeeze %dma_wait3A_579 : memref<1x8x200xf32, #tpu.memory_space<vmem>> -> memref<8x200xf32, #tpu.memory_space<vmem>>
      %dma_wait3A_581 = arith.constant 0 : i32
      %dma_wait3A_582 = tpu.memref_slice %dma_wait3A_580[%dma_wait3A_576, %dma_wait3A_581] : memref<8x200xf32, #tpu.memory_space<vmem>> -> memref<1x128xf32, #tpu.memory_space<vmem>>
      %dma_wait3A_583 = tpu.memref_squeeze %dma_wait3A_582 : memref<1x128xf32, #tpu.memory_space<vmem>> -> memref<128xf32, #tpu.memory_space<vmem>>
      %dma_wait3A_584 = arith.constant 0 : i32
      %dma_wait3A_585 = arith.constant 0 : i32
      %dma_wait3A_586 = tpu.memref_slice %arg6[%dma_wait3A_573, %dma_wait3A_584, %dma_wait3A_585] : memref<2x8x200xi32, #tpu.memory_space<vmem>> -> memref<1x8x200xi32, #tpu.memory_space<vmem>>
      %dma_wait3A_587 = tpu.memref_squeeze %dma_wait3A_586 : memref<1x8x200xi32, #tpu.memory_space<vmem>> -> memref<8x200xi32, #tpu.memory_space<vmem>>
      %dma_wait3A_588 = arith.constant 0 : i32
      %dma_wait3A_589 = tpu.memref_slice %dma_wait3A_587[%dma_wait3A_574, %dma_wait3A_588] : memref<8x200xi32, #tpu.memory_space<vmem>> -> memref<1x128xi32, #tpu.memory_space<vmem>>
      %dma_wait3A_590 = tpu.memref_squeeze %dma_wait3A_589 : memref<1x128xi32, #tpu.memory_space<vmem>> -> memref<128xi32, #tpu.memory_space<vmem>>
      %dma_wait3A_591 = arith.constant 0 : i32
      %dma_wait3A_592 = tpu.memref_slice %arg5[%dma_wait3A_591] : memref<1048576xf32, #tpu.memory_space<vmem_shared>> -> memref<1048576xf32, #tpu.memory_space<vmem_shared>>
      tpu.wait_indirect_dma semaphore(%arg10 : memref<!tpu.dma_semaphore, #tpu.memory_space<semaphore_mem>>) src(%dma_wait3A_592 : memref<1048576xf32, #tpu.memory_space<vmem_shared>>) dst(%dma_wait3A_583 : memref<128xf32, #tpu.memory_space<vmem>>)
      %dma_wait3A_593 = arith.constant 0 : i32
      %dma_wait3A_594 = arith.constant 4 : i32
      %dma_wait3A_595 = arith.constant 0 : i32
      %dma_wait3A_596 = arith.constant 4 : i32
      %dma_wait3A_597 = arith.constant 0 : i32
      %dma_wait3A_598 = arith.constant 0 : i32
      %dma_wait3A_599 = tpu.memref_slice %arg7[%dma_wait3A_595, %dma_wait3A_597, %dma_wait3A_598] : memref<2x8x200xf32, #tpu.memory_space<vmem>> -> memref<1x8x200xf32, #tpu.memory_space<vmem>>
      %dma_wait3A_600 = tpu.memref_squeeze %dma_wait3A_599 : memref<1x8x200xf32, #tpu.memory_space<vmem>> -> memref<8x200xf32, #tpu.memory_space<vmem>>
      %dma_wait3A_601 = arith.constant 128 : i32
      %dma_wait3A_602 = tpu.memref_slice %dma_wait3A_600[%dma_wait3A_596, %dma_wait3A_601] : memref<8x200xf32, #tpu.memory_space<vmem>> -> memref<1x72xf32, #tpu.memory_space<vmem>>
      %dma_wait3A_603 = tpu.memref_squeeze %dma_wait3A_602 : memref<1x72xf32, #tpu.memory_space<vmem>> -> memref<72xf32, #tpu.memory_space<vmem>>
      %dma_wait3A_604 = arith.constant 0 : i32
      %dma_wait3A_605 = arith.constant 0 : i32
      %dma_wait3A_606 = tpu.memref_slice %arg6[%dma_wait3A_593, %dma_wait3A_604, %dma_wait3A_605] : memref<2x8x200xi32, #tpu.memory_space<vmem>> -> memref<1x8x200xi32, #tpu.memory_space<vmem>>
      %dma_wait3A_607 = tpu.memref_squeeze %dma_wait3A_606 : memref<1x8x200xi32, #tpu.memory_space<vmem>> -> memref<8x200xi32, #tpu.memory_space<vmem>>
      %dma_wait3A_608 = arith.constant 128 : i32
      %dma_wait3A_609 = tpu.memref_slice %dma_wait3A_607[%dma_wait3A_594, %dma_wait3A_608] : memref<8x200xi32, #tpu.memory_space<vmem>> -> memref<1x72xi32, #tpu.memory_space<vmem>>
      %dma_wait3A_610 = tpu.memref_squeeze %dma_wait3A_609 : memref<1x72xi32, #tpu.memory_space<vmem>> -> memref<72xi32, #tpu.memory_space<vmem>>
      %dma_wait3A_611 = arith.constant 0 : i32
      %dma_wait3A_612 = tpu.memref_slice %arg5[%dma_wait3A_611] : memref<1048576xf32, #tpu.memory_space<vmem_shared>> -> memref<1048576xf32, #tpu.memory_space<vmem_shared>>
      tpu.wait_indirect_dma semaphore(%arg10 : memref<!tpu.dma_semaphore, #tpu.memory_space<semaphore_mem>>) src(%dma_wait3A_612 : memref<1048576xf32, #tpu.memory_space<vmem_shared>>) dst(%dma_wait3A_603 : memref<72xf32, #tpu.memory_space<vmem>>)
      %dma_wait3A_613 = arith.constant 0 : i32
      %dma_wait3A_614 = arith.constant 5 : i32
      %dma_wait3A_615 = arith.constant 0 : i32
      %dma_wait3A_616 = arith.constant 5 : i32
      %dma_wait3A_617 = arith.constant 0 : i32
      %dma_wait3A_618 = arith.constant 0 : i32
      %dma_wait3A_619 = tpu.memref_slice %arg7[%dma_wait3A_615, %dma_wait3A_617, %dma_wait3A_618] : memref<2x8x200xf32, #tpu.memory_space<vmem>> -> memref<1x8x200xf32, #tpu.memory_space<vmem>>
      %dma_wait3A_620 = tpu.memref_squeeze %dma_wait3A_619 : memref<1x8x200xf32, #tpu.memory_space<vmem>> -> memref<8x200xf32, #tpu.memory_space<vmem>>
      %dma_wait3A_621 = arith.constant 0 : i32
      %dma_wait3A_622 = tpu.memref_slice %dma_wait3A_620[%dma_wait3A_616, %dma_wait3A_621] : memref<8x200xf32, #tpu.memory_space<vmem>> -> memref<1x128xf32, #tpu.memory_space<vmem>>
      %dma_wait3A_623 = tpu.memref_squeeze %dma_wait3A_622 : memref<1x128xf32, #tpu.memory_space<vmem>> -> memref<128xf32, #tpu.memory_space<vmem>>
      %dma_wait3A_624 = arith.constant 0 : i32
      %dma_wait3A_625 = arith.constant 0 : i32
      %dma_wait3A_626 = tpu.memref_slice %arg6[%dma_wait3A_613, %dma_wait3A_624, %dma_wait3A_625] : memref<2x8x200xi32, #tpu.memory_space<vmem>> -> memref<1x8x200xi32, #tpu.memory_space<vmem>>
      %dma_wait3A_627 = tpu.memref_squeeze %dma_wait3A_626 : memref<1x8x200xi32, #tpu.memory_space<vmem>> -> memref<8x200xi32, #tpu.memory_space<vmem>>
      %dma_wait3A_628 = arith.constant 0 : i32
      %dma_wait3A_629 = tpu.memref_slice %dma_wait3A_627[%dma_wait3A_614, %dma_wait3A_628] : memref<8x200xi32, #tpu.memory_space<vmem>> -> memref<1x128xi32, #tpu.memory_space<vmem>>
      %dma_wait3A_630 = tpu.memref_squeeze %dma_wait3A_629 : memref<1x128xi32, #tpu.memory_space<vmem>> -> memref<128xi32, #tpu.memory_space<vmem>>
      %dma_wait3A_631 = arith.constant 0 : i32
      %dma_wait3A_632 = tpu.memref_slice %arg5[%dma_wait3A_631] : memref<1048576xf32, #tpu.memory_space<vmem_shared>> -> memref<1048576xf32, #tpu.memory_space<vmem_shared>>
      tpu.wait_indirect_dma semaphore(%arg10 : memref<!tpu.dma_semaphore, #tpu.memory_space<semaphore_mem>>) src(%dma_wait3A_632 : memref<1048576xf32, #tpu.memory_space<vmem_shared>>) dst(%dma_wait3A_623 : memref<128xf32, #tpu.memory_space<vmem>>)
      %dma_wait3A_633 = arith.constant 0 : i32
      %dma_wait3A_634 = arith.constant 5 : i32
      %dma_wait3A_635 = arith.constant 0 : i32
      %dma_wait3A_636 = arith.constant 5 : i32
      %dma_wait3A_637 = arith.constant 0 : i32
      %dma_wait3A_638 = arith.constant 0 : i32
      %dma_wait3A_639 = tpu.memref_slice %arg7[%dma_wait3A_635, %dma_wait3A_637, %dma_wait3A_638] : memref<2x8x200xf32, #tpu.memory_space<vmem>> -> memref<1x8x200xf32, #tpu.memory_space<vmem>>
      %dma_wait3A_640 = tpu.memref_squeeze %dma_wait3A_639 : memref<1x8x200xf32, #tpu.memory_space<vmem>> -> memref<8x200xf32, #tpu.memory_space<vmem>>
      %dma_wait3A_641 = arith.constant 128 : i32
      %dma_wait3A_642 = tpu.memref_slice %dma_wait3A_640[%dma_wait3A_636, %dma_wait3A_641] : memref<8x200xf32, #tpu.memory_space<vmem>> -> memref<1x72xf32, #tpu.memory_space<vmem>>
      %dma_wait3A_643 = tpu.memref_squeeze %dma_wait3A_642 : memref<1x72xf32, #tpu.memory_space<vmem>> -> memref<72xf32, #tpu.memory_space<vmem>>
      %dma_wait3A_644 = arith.constant 0 : i32
      %dma_wait3A_645 = arith.constant 0 : i32
      %dma_wait3A_646 = tpu.memref_slice %arg6[%dma_wait3A_633, %dma_wait3A_644, %dma_wait3A_645] : memref<2x8x200xi32, #tpu.memory_space<vmem>> -> memref<1x8x200xi32, #tpu.memory_space<vmem>>
      %dma_wait3A_647 = tpu.memref_squeeze %dma_wait3A_646 : memref<1x8x200xi32, #tpu.memory_space<vmem>> -> memref<8x200xi32, #tpu.memory_space<vmem>>
      %dma_wait3A_648 = arith.constant 128 : i32
      %dma_wait3A_649 = tpu.memref_slice %dma_wait3A_647[%dma_wait3A_634, %dma_wait3A_648] : memref<8x200xi32, #tpu.memory_space<vmem>> -> memref<1x72xi32, #tpu.memory_space<vmem>>
      %dma_wait3A_650 = tpu.memref_squeeze %dma_wait3A_649 : memref<1x72xi32, #tpu.memory_space<vmem>> -> memref<72xi32, #tpu.memory_space<vmem>>
      %dma_wait3A_651 = arith.constant 0 : i32
      %dma_wait3A_652 = tpu.memref_slice %arg5[%dma_wait3A_651] : memref<1048576xf32, #tpu.memory_space<vmem_shared>> -> memref<1048576xf32, #tpu.memory_space<vmem_shared>>
      tpu.wait_indirect_dma semaphore(%arg10 : memref<!tpu.dma_semaphore, #tpu.memory_space<semaphore_mem>>) src(%dma_wait3A_652 : memref<1048576xf32, #tpu.memory_space<vmem_shared>>) dst(%dma_wait3A_643 : memref<72xf32, #tpu.memory_space<vmem>>)
      %dma_wait3A_653 = arith.constant 0 : i32
      %dma_wait3A_654 = arith.constant 6 : i32
      %dma_wait3A_655 = arith.constant 0 : i32
      %dma_wait3A_656 = arith.constant 6 : i32
      %dma_wait3A_657 = arith.constant 0 : i32
      %dma_wait3A_658 = arith.constant 0 : i32
      %dma_wait3A_659 = tpu.memref_slice %arg7[%dma_wait3A_655, %dma_wait3A_657, %dma_wait3A_658] : memref<2x8x200xf32, #tpu.memory_space<vmem>> -> memref<1x8x200xf32, #tpu.memory_space<vmem>>
      %dma_wait3A_660 = tpu.memref_squeeze %dma_wait3A_659 : memref<1x8x200xf32, #tpu.memory_space<vmem>> -> memref<8x200xf32, #tpu.memory_space<vmem>>
      %dma_wait3A_661 = arith.constant 0 : i32
      %dma_wait3A_662 = tpu.memref_slice %dma_wait3A_660[%dma_wait3A_656, %dma_wait3A_661] : memref<8x200xf32, #tpu.memory_space<vmem>> -> memref<1x128xf32, #tpu.memory_space<vmem>>
      %dma_wait3A_663 = tpu.memref_squeeze %dma_wait3A_662 : memref<1x128xf32, #tpu.memory_space<vmem>> -> memref<128xf32, #tpu.memory_space<vmem>>
      %dma_wait3A_664 = arith.constant 0 : i32
      %dma_wait3A_665 = arith.constant 0 : i32
      %dma_wait3A_666 = tpu.memref_slice %arg6[%dma_wait3A_653, %dma_wait3A_664, %dma_wait3A_665] : memref<2x8x200xi32, #tpu.memory_space<vmem>> -> memref<1x8x200xi32, #tpu.memory_space<vmem>>
      %dma_wait3A_667 = tpu.memref_squeeze %dma_wait3A_666 : memref<1x8x200xi32, #tpu.memory_space<vmem>> -> memref<8x200xi32, #tpu.memory_space<vmem>>
      %dma_wait3A_668 = arith.constant 0 : i32
      %dma_wait3A_669 = tpu.memref_slice %dma_wait3A_667[%dma_wait3A_654, %dma_wait3A_668] : memref<8x200xi32, #tpu.memory_space<vmem>> -> memref<1x128xi32, #tpu.memory_space<vmem>>
      %dma_wait3A_670 = tpu.memref_squeeze %dma_wait3A_669 : memref<1x128xi32, #tpu.memory_space<vmem>> -> memref<128xi32, #tpu.memory_space<vmem>>
      %dma_wait3A_671 = arith.constant 0 : i32
      %dma_wait3A_672 = tpu.memref_slice %arg5[%dma_wait3A_671] : memref<1048576xf32, #tpu.memory_space<vmem_shared>> -> memref<1048576xf32, #tpu.memory_space<vmem_shared>>
      tpu.wait_indirect_dma semaphore(%arg10 : memref<!tpu.dma_semaphore, #tpu.memory_space<semaphore_mem>>) src(%dma_wait3A_672 : memref<1048576xf32, #tpu.memory_space<vmem_shared>>) dst(%dma_wait3A_663 : memref<128xf32, #tpu.memory_space<vmem>>)
      %dma_wait3A_673 = arith.constant 0 : i32
      %dma_wait3A_674 = arith.constant 6 : i32
      %dma_wait3A_675 = arith.constant 0 : i32
      %dma_wait3A_676 = arith.constant 6 : i32
      %dma_wait3A_677 = arith.constant 0 : i32
      %dma_wait3A_678 = arith.constant 0 : i32
      %dma_wait3A_679 = tpu.memref_slice %arg7[%dma_wait3A_675, %dma_wait3A_677, %dma_wait3A_678] : memref<2x8x200xf32, #tpu.memory_space<vmem>> -> memref<1x8x200xf32, #tpu.memory_space<vmem>>
      %dma_wait3A_680 = tpu.memref_squeeze %dma_wait3A_679 : memref<1x8x200xf32, #tpu.memory_space<vmem>> -> memref<8x200xf32, #tpu.memory_space<vmem>>
      %dma_wait3A_681 = arith.constant 128 : i32
      %dma_wait3A_682 = tpu.memref_slice %dma_wait3A_680[%dma_wait3A_676, %dma_wait3A_681] : memref<8x200xf32, #tpu.memory_space<vmem>> -> memref<1x72xf32, #tpu.memory_space<vmem>>
      %dma_wait3A_683 = tpu.memref_squeeze %dma_wait3A_682 : memref<1x72xf32, #tpu.memory_space<vmem>> -> memref<72xf32, #tpu.memory_space<vmem>>
      %dma_wait3A_684 = arith.constant 0 : i32
      %dma_wait3A_685 = arith.constant 0 : i32
      %dma_wait3A_686 = tpu.memref_slice %arg6[%dma_wait3A_673, %dma_wait3A_684, %dma_wait3A_685] : memref<2x8x200xi32, #tpu.memory_space<vmem>> -> memref<1x8x200xi32, #tpu.memory_space<vmem>>
      %dma_wait3A_687 = tpu.memref_squeeze %dma_wait3A_686 : memref<1x8x200xi32, #tpu.memory_space<vmem>> -> memref<8x200xi32, #tpu.memory_space<vmem>>
      %dma_wait3A_688 = arith.constant 128 : i32
      %dma_wait3A_689 = tpu.memref_slice %dma_wait3A_687[%dma_wait3A_674, %dma_wait3A_688] : memref<8x200xi32, #tpu.memory_space<vmem>> -> memref<1x72xi32, #tpu.memory_space<vmem>>
      %dma_wait3A_690 = tpu.memref_squeeze %dma_wait3A_689 : memref<1x72xi32, #tpu.memory_space<vmem>> -> memref<72xi32, #tpu.memory_space<vmem>>
      %dma_wait3A_691 = arith.constant 0 : i32
      %dma_wait3A_692 = tpu.memref_slice %arg5[%dma_wait3A_691] : memref<1048576xf32, #tpu.memory_space<vmem_shared>> -> memref<1048576xf32, #tpu.memory_space<vmem_shared>>
      tpu.wait_indirect_dma semaphore(%arg10 : memref<!tpu.dma_semaphore, #tpu.memory_space<semaphore_mem>>) src(%dma_wait3A_692 : memref<1048576xf32, #tpu.memory_space<vmem_shared>>) dst(%dma_wait3A_683 : memref<72xf32, #tpu.memory_space<vmem>>)
      %dma_wait3A_693 = arith.constant 0 : i32
      %dma_wait3A_694 = arith.constant 7 : i32
      %dma_wait3A_695 = arith.constant 0 : i32
      %dma_wait3A_696 = arith.constant 7 : i32
      %dma_wait3A_697 = arith.constant 0 : i32
      %dma_wait3A_698 = arith.constant 0 : i32
      %dma_wait3A_699 = tpu.memref_slice %arg7[%dma_wait3A_695, %dma_wait3A_697, %dma_wait3A_698] : memref<2x8x200xf32, #tpu.memory_space<vmem>> -> memref<1x8x200xf32, #tpu.memory_space<vmem>>
      %dma_wait3A_700 = tpu.memref_squeeze %dma_wait3A_699 : memref<1x8x200xf32, #tpu.memory_space<vmem>> -> memref<8x200xf32, #tpu.memory_space<vmem>>
      %dma_wait3A_701 = arith.constant 0 : i32
      %dma_wait3A_702 = tpu.memref_slice %dma_wait3A_700[%dma_wait3A_696, %dma_wait3A_701] : memref<8x200xf32, #tpu.memory_space<vmem>> -> memref<1x128xf32, #tpu.memory_space<vmem>>
      %dma_wait3A_703 = tpu.memref_squeeze %dma_wait3A_702 : memref<1x128xf32, #tpu.memory_space<vmem>> -> memref<128xf32, #tpu.memory_space<vmem>>
      %dma_wait3A_704 = arith.constant 0 : i32
      %dma_wait3A_705 = arith.constant 0 : i32
      %dma_wait3A_706 = tpu.memref_slice %arg6[%dma_wait3A_693, %dma_wait3A_704, %dma_wait3A_705] : memref<2x8x200xi32, #tpu.memory_space<vmem>> -> memref<1x8x200xi32, #tpu.memory_space<vmem>>
      %dma_wait3A_707 = tpu.memref_squeeze %dma_wait3A_706 : memref<1x8x200xi32, #tpu.memory_space<vmem>> -> memref<8x200xi32, #tpu.memory_space<vmem>>
      %dma_wait3A_708 = arith.constant 0 : i32
      %dma_wait3A_709 = tpu.memref_slice %dma_wait3A_707[%dma_wait3A_694, %dma_wait3A_708] : memref<8x200xi32, #tpu.memory_space<vmem>> -> memref<1x128xi32, #tpu.memory_space<vmem>>
      %dma_wait3A_710 = tpu.memref_squeeze %dma_wait3A_709 : memref<1x128xi32, #tpu.memory_space<vmem>> -> memref<128xi32, #tpu.memory_space<vmem>>
      %dma_wait3A_711 = arith.constant 0 : i32
      %dma_wait3A_712 = tpu.memref_slice %arg5[%dma_wait3A_711] : memref<1048576xf32, #tpu.memory_space<vmem_shared>> -> memref<1048576xf32, #tpu.memory_space<vmem_shared>>
      tpu.wait_indirect_dma semaphore(%arg10 : memref<!tpu.dma_semaphore, #tpu.memory_space<semaphore_mem>>) src(%dma_wait3A_712 : memref<1048576xf32, #tpu.memory_space<vmem_shared>>) dst(%dma_wait3A_703 : memref<128xf32, #tpu.memory_space<vmem>>)
      %dma_wait3A_713 = arith.constant 0 : i32
      %dma_wait3A_714 = arith.constant 7 : i32
      %dma_wait3A_715 = arith.constant 0 : i32
      %dma_wait3A_716 = arith.constant 7 : i32
      %dma_wait3A_717 = arith.constant 0 : i32
      %dma_wait3A_718 = arith.constant 0 : i32
      %dma_wait3A_719 = tpu.memref_slice %arg7[%dma_wait3A_715, %dma_wait3A_717, %dma_wait3A_718] : memref<2x8x200xf32, #tpu.memory_space<vmem>> -> memref<1x8x200xf32, #tpu.memory_space<vmem>>
      %dma_wait3A_720 = tpu.memref_squeeze %dma_wait3A_719 : memref<1x8x200xf32, #tpu.memory_space<vmem>> -> memref<8x200xf32, #tpu.memory_space<vmem>>
      %dma_wait3A_721 = arith.constant 128 : i32
      %dma_wait3A_722 = tpu.memref_slice %dma_wait3A_720[%dma_wait3A_716, %dma_wait3A_721] : memref<8x200xf32, #tpu.memory_space<vmem>> -> memref<1x72xf32, #tpu.memory_space<vmem>>
      %dma_wait3A_723 = tpu.memref_squeeze %dma_wait3A_722 : memref<1x72xf32, #tpu.memory_space<vmem>> -> memref<72xf32, #tpu.memory_space<vmem>>
      %dma_wait3A_724 = arith.constant 0 : i32
      %dma_wait3A_725 = arith.constant 0 : i32
      %dma_wait3A_726 = tpu.memref_slice %arg6[%dma_wait3A_713, %dma_wait3A_724, %dma_wait3A_725] : memref<2x8x200xi32, #tpu.memory_space<vmem>> -> memref<1x8x200xi32, #tpu.memory_space<vmem>>
      %dma_wait3A_727 = tpu.memref_squeeze %dma_wait3A_726 : memref<1x8x200xi32, #tpu.memory_space<vmem>> -> memref<8x200xi32, #tpu.memory_space<vmem>>
      %dma_wait3A_728 = arith.constant 128 : i32
      %dma_wait3A_729 = tpu.memref_slice %dma_wait3A_727[%dma_wait3A_714, %dma_wait3A_728] : memref<8x200xi32, #tpu.memory_space<vmem>> -> memref<1x72xi32, #tpu.memory_space<vmem>>
      %dma_wait3A_730 = tpu.memref_squeeze %dma_wait3A_729 : memref<1x72xi32, #tpu.memory_space<vmem>> -> memref<72xi32, #tpu.memory_space<vmem>>
      %dma_wait3A_731 = arith.constant 0 : i32
      %dma_wait3A_732 = tpu.memref_slice %arg5[%dma_wait3A_731] : memref<1048576xf32, #tpu.memory_space<vmem_shared>> -> memref<1048576xf32, #tpu.memory_space<vmem_shared>>
      tpu.wait_indirect_dma semaphore(%arg10 : memref<!tpu.dma_semaphore, #tpu.memory_space<semaphore_mem>>) src(%dma_wait3A_732 : memref<1048576xf32, #tpu.memory_space<vmem_shared>>) dst(%dma_wait3A_723 : memref<72xf32, #tpu.memory_space<vmem>>)
      %lt3A = arith.constant 31 : i32
      %lt3A_733 = arith.cmpi slt, %scan3A_70, %lt3A : i32
      %convert_element_type3A_734 = arith.extui %lt3A_733 : i1 to i32
      %cond3A_735 = arith.constant 0 : i32
      %cond3A_736 = arith.cmpi ne, %convert_element_type3A_734, %cond3A_735 : i32
      scf.if %cond3A_736 {
        %add3A_1439 = arith.constant 2 : i32
        %add3A_1440 = arith.addi %add3A_74, %add3A_1439 : i32
        %mul3A_1441 = arith.constant 8 : i32
        %mul3A_1442 = arith.muli %add3A_1440, %mul3A_1441 : i32
        %add3A_1443 = arith.addi %mul3A_2, %mul3A_1442 : i32
        %dma_start3A_1444 = arith.constant 0 : i32
        %dma_start3A_1445 = arith.constant 0 : i32
        %dma_start3A_1446 = arith.constant 0 : i32
        %dma_start3A_1447 = tpu.memref_slice %arg6[%dma_start3A_1444, %dma_start3A_1445, %dma_start3A_1446] : memref<2x8x200xi32, #tpu.memory_space<vmem>> -> memref<1x8x200xi32, #tpu.memory_space<vmem>>
        %dma_start3A_1448 = tpu.memref_squeeze %dma_start3A_1447 : memref<1x8x200xi32, #tpu.memory_space<vmem>> -> memref<8x200xi32, #tpu.memory_space<vmem>>
        %dma_start3A_1449 = arith.constant 0 : i32
        %dma_start3A_1450 = tpu.memref_slice %arg3[%add3A_1443, %dma_start3A_1449] : memref<16384x200xi32, #tpu.memory_space<hbm>> -> memref<8x200xi32, #tpu.memory_space<hbm>>
        %dma_start3A_1451 = arith.constant 0 : i32
        %dma_start3A_1452 = arith.constant 0 : i32
        %dma_start3A_1453 = tpu.memref_slice %arg6[%dma_start3A_1444, %dma_start3A_1451, %dma_start3A_1452] : memref<2x8x200xi32, #tpu.memory_space<vmem>> -> memref<1x8x200xi32, #tpu.memory_space<vmem>>
        %dma_start3A_1454 = tpu.memref_squeeze %dma_start3A_1453 : memref<1x8x200xi32, #tpu.memory_space<vmem>> -> memref<8x200xi32, #tpu.memory_space<vmem>>
        %dma_start3A_1455 = arith.constant 0 : i32
        %dma_start3A_1456 = tpu.memref_slice %arg3[%add3A_1443, %dma_start3A_1455] : memref<16384x200xi32, #tpu.memory_space<hbm>> -> memref<8x200xi32, #tpu.memory_space<hbm>>
        tpu.enqueue_dma source(%dma_start3A_1456 : memref<8x200xi32, #tpu.memory_space<hbm>>) target(%dma_start3A_1454 : memref<8x200xi32, #tpu.memory_space<vmem>>) target_semaphore(%arg8 : memref<!tpu.dma_semaphore, #tpu.memory_space<semaphore_mem>>)
      } else {
      }
      %mul3A_737 = arith.constant 8 : i32
      %mul3A_738 = arith.muli %add3A_74, %mul3A_737 : i32
      %add3A_739 = arith.addi %mul3A_2, %mul3A_738 : i32
      %dma_start3A_740 = arith.constant 0 : i32
      %dma_start3A_741 = arith.constant 0 : i32
      %dma_start3A_742 = arith.constant 0 : i32
      %dma_start3A_743 = tpu.memref_slice %arg7[%dma_start3A_740, %dma_start3A_741, %dma_start3A_742] : memref<2x8x200xf32, #tpu.memory_space<vmem>> -> memref<1x8x200xf32, #tpu.memory_space<vmem>>
      %dma_start3A_744 = tpu.memref_squeeze %dma_start3A_743 : memref<1x8x200xf32, #tpu.memory_space<vmem>> -> memref<8x200xf32, #tpu.memory_space<vmem>>
      %dma_start3A_745 = arith.constant 0 : i32
      %dma_start3A_746 = tpu.memref_slice %arg4[%add3A_739, %dma_start3A_745] : memref<16384x200xf32, #tpu.memory_space<hbm>> -> memref<8x200xf32, #tpu.memory_space<hbm>>
      %dma_start3A_747 = arith.constant 0 : i32
      %dma_start3A_748 = tpu.memref_slice %arg4[%add3A_739, %dma_start3A_747] : memref<16384x200xf32, #tpu.memory_space<hbm>> -> memref<8x200xf32, #tpu.memory_space<hbm>>
      %dma_start3A_749 = arith.constant 0 : i32
      %dma_start3A_750 = arith.constant 0 : i32
      %dma_start3A_751 = tpu.memref_slice %arg7[%dma_start3A_740, %dma_start3A_749, %dma_start3A_750] : memref<2x8x200xf32, #tpu.memory_space<vmem>> -> memref<1x8x200xf32, #tpu.memory_space<vmem>>
      %dma_start3A_752 = tpu.memref_squeeze %dma_start3A_751 : memref<1x8x200xf32, #tpu.memory_space<vmem>> -> memref<8x200xf32, #tpu.memory_space<vmem>>
      tpu.enqueue_dma source(%dma_start3A_752 : memref<8x200xf32, #tpu.memory_space<vmem>>) target(%dma_start3A_748 : memref<8x200xf32, #tpu.memory_space<hbm>>) target_semaphore(%arg12 : memref<!tpu.dma_semaphore, #tpu.memory_space<semaphore_mem>>)
      %mul3A_753 = arith.constant 2 : i32
      %mul3A_754 = arith.muli %mul3A_753, %scan3A_70 : i32
      %add3A_755 = arith.constant 1 : i32
      %add3A_756 = arith.addi %mul3A_754, %add3A_755 : i32
      %mul3A_757 = arith.constant 8 : i32
      %mul3A_758 = arith.muli %add3A_756, %mul3A_757 : i32
      %add3A_759 = arith.addi %mul3A_2, %mul3A_758 : i32
      %dma_wait3A_760 = arith.constant 1 : i32
      %dma_wait3A_761 = arith.constant 0 : i32
      %dma_wait3A_762 = arith.constant 0 : i32
      %dma_wait3A_763 = tpu.memref_slice %arg6[%dma_wait3A_760, %dma_wait3A_761, %dma_wait3A_762] : memref<2x8x200xi32, #tpu.memory_space<vmem>> -> memref<1x8x200xi32, #tpu.memory_space<vmem>>
      %dma_wait3A_764 = tpu.memref_squeeze %dma_wait3A_763 : memref<1x8x200xi32, #tpu.memory_space<vmem>> -> memref<8x200xi32, #tpu.memory_space<vmem>>
      %dma_wait3A_765 = arith.constant 0 : i32
      %dma_wait3A_766 = tpu.memref_slice %arg3[%add3A_759, %dma_wait3A_765] : memref<16384x200xi32, #tpu.memory_space<hbm>> -> memref<8x200xi32, #tpu.memory_space<hbm>>
      %dma_wait3A_767 = arith.constant 0 : i32
      %dma_wait3A_768 = arith.constant 0 : i32
      %dma_wait3A_769 = tpu.memref_slice %arg6[%dma_wait3A_760, %dma_wait3A_767, %dma_wait3A_768] : memref<2x8x200xi32, #tpu.memory_space<vmem>> -> memref<1x8x200xi32, #tpu.memory_space<vmem>>
      %dma_wait3A_770 = tpu.memref_squeeze %dma_wait3A_769 : memref<1x8x200xi32, #tpu.memory_space<vmem>> -> memref<8x200xi32, #tpu.memory_space<vmem>>
      %dma_wait3A_771 = arith.constant 0 : i32
      %dma_wait3A_772 = tpu.memref_slice %arg3[%add3A_759, %dma_wait3A_771] : memref<16384x200xi32, #tpu.memory_space<hbm>> -> memref<8x200xi32, #tpu.memory_space<hbm>>
      tpu.wait_dma2 semaphore(%arg9 : memref<!tpu.dma_semaphore, #tpu.memory_space<semaphore_mem>>) src(%dma_wait3A_772 : memref<8x200xi32, #tpu.memory_space<hbm>>) dst(%dma_wait3A_770 : memref<8x200xi32, #tpu.memory_space<vmem>>)
      %ge3A_773 = arith.constant 2 : i32
      %ge3A_774 = arith.cmpi sge, %add3A_756, %ge3A_773 : i32
      %convert_element_type3A_775 = arith.extui %ge3A_774 : i1 to i32
      %cond3A_776 = arith.constant 0 : i32
      %cond3A_777 = arith.cmpi ne, %convert_element_type3A_775, %cond3A_776 : i32
      scf.if %cond3A_777 {
        %sub3A = arith.constant 2 : i32
        %sub3A_1439 = arith.subi %add3A_756, %sub3A : i32
        %mul3A_1440 = arith.constant 8 : i32
        %mul3A_1441 = arith.muli %sub3A_1439, %mul3A_1440 : i32
        %add3A_1442 = arith.addi %mul3A_2, %mul3A_1441 : i32
        %dma_wait3A_1443 = arith.constant 1 : i32
        %dma_wait3A_1444 = arith.constant 0 : i32
        %dma_wait3A_1445 = arith.constant 0 : i32
        %dma_wait3A_1446 = tpu.memref_slice %arg7[%dma_wait3A_1443, %dma_wait3A_1444, %dma_wait3A_1445] : memref<2x8x200xf32, #tpu.memory_space<vmem>> -> memref<1x8x200xf32, #tpu.memory_space<vmem>>
        %dma_wait3A_1447 = tpu.memref_squeeze %dma_wait3A_1446 : memref<1x8x200xf32, #tpu.memory_space<vmem>> -> memref<8x200xf32, #tpu.memory_space<vmem>>
        %dma_wait3A_1448 = arith.constant 0 : i32
        %dma_wait3A_1449 = tpu.memref_slice %arg4[%add3A_1442, %dma_wait3A_1448] : memref<16384x200xf32, #tpu.memory_space<hbm>> -> memref<8x200xf32, #tpu.memory_space<hbm>>
        %dma_wait3A_1450 = arith.constant 0 : i32
        %dma_wait3A_1451 = tpu.memref_slice %arg4[%add3A_1442, %dma_wait3A_1450] : memref<16384x200xf32, #tpu.memory_space<hbm>> -> memref<8x200xf32, #tpu.memory_space<hbm>>
        %dma_wait3A_1452 = arith.constant 0 : i32
        %dma_wait3A_1453 = arith.constant 0 : i32
        %dma_wait3A_1454 = tpu.memref_slice %arg7[%dma_wait3A_1443, %dma_wait3A_1452, %dma_wait3A_1453] : memref<2x8x200xf32, #tpu.memory_space<vmem>> -> memref<1x8x200xf32, #tpu.memory_space<vmem>>
        %dma_wait3A_1455 = tpu.memref_squeeze %dma_wait3A_1454 : memref<1x8x200xf32, #tpu.memory_space<vmem>> -> memref<8x200xf32, #tpu.memory_space<vmem>>
        tpu.wait_dma2 semaphore(%arg13 : memref<!tpu.dma_semaphore, #tpu.memory_space<semaphore_mem>>) src(%dma_wait3A_1455 : memref<8x200xf32, #tpu.memory_space<vmem>>) dst(%dma_wait3A_1451 : memref<8x200xf32, #tpu.memory_space<hbm>>)
      } else {
      }
      %dma_start3A_778 = arith.constant 1 : i32
      %dma_start3A_779 = arith.constant 0 : i32
      %dma_start3A_780 = arith.constant 1 : i32
      %dma_start3A_781 = arith.constant 0 : i32
      %dma_start3A_782 = arith.constant 0 : i32
      %dma_start3A_783 = arith.constant 0 : i32
      %dma_start3A_784 = tpu.memref_slice %arg7[%dma_start3A_780, %dma_start3A_782, %dma_start3A_783] : memref<2x8x200xf32, #tpu.memory_space<vmem>> -> memref<1x8x200xf32, #tpu.memory_space<vmem>>
      %dma_start3A_785 = tpu.memref_squeeze %dma_start3A_784 : memref<1x8x200xf32, #tpu.memory_space<vmem>> -> memref<8x200xf32, #tpu.memory_space<vmem>>
      %dma_start3A_786 = arith.constant 0 : i32
      %dma_start3A_787 = tpu.memref_slice %dma_start3A_785[%dma_start3A_781, %dma_start3A_786] : memref<8x200xf32, #tpu.memory_space<vmem>> -> memref<1x128xf32, #tpu.memory_space<vmem>>
      %dma_start3A_788 = tpu.memref_squeeze %dma_start3A_787 : memref<1x128xf32, #tpu.memory_space<vmem>> -> memref<128xf32, #tpu.memory_space<vmem>>
      %dma_start3A_789 = arith.constant 0 : i32
      %dma_start3A_790 = arith.constant 0 : i32
      %dma_start3A_791 = tpu.memref_slice %arg6[%dma_start3A_778, %dma_start3A_789, %dma_start3A_790] : memref<2x8x200xi32, #tpu.memory_space<vmem>> -> memref<1x8x200xi32, #tpu.memory_space<vmem>>
      %dma_start3A_792 = tpu.memref_squeeze %dma_start3A_791 : memref<1x8x200xi32, #tpu.memory_space<vmem>> -> memref<8x200xi32, #tpu.memory_space<vmem>>
      %dma_start3A_793 = arith.constant 0 : i32
      %dma_start3A_794 = tpu.memref_slice %dma_start3A_792[%dma_start3A_779, %dma_start3A_793] : memref<8x200xi32, #tpu.memory_space<vmem>> -> memref<1x128xi32, #tpu.memory_space<vmem>>
      %dma_start3A_795 = tpu.memref_squeeze %dma_start3A_794 : memref<1x128xi32, #tpu.memory_space<vmem>> -> memref<128xi32, #tpu.memory_space<vmem>>
      %dma_start3A_796 = arith.constant 0 : i32
      %dma_start3A_797 = tpu.memref_slice %arg5[%dma_start3A_796] : memref<1048576xf32, #tpu.memory_space<vmem_shared>> -> memref<1048576xf32, #tpu.memory_space<vmem_shared>>
      tpu.enqueue_indirect_dma source(%dma_start3A_797 : memref<1048576xf32, #tpu.memory_space<vmem_shared>>) target(%dma_start3A_788 : memref<128xf32, #tpu.memory_space<vmem>>) offsets(%dma_start3A_795 : memref<128xi32, #tpu.memory_space<vmem>>) semaphore(%arg11 : memref<!tpu.dma_semaphore, #tpu.memory_space<semaphore_mem>>)
      %dma_start3A_798 = arith.constant 1 : i32
      %dma_start3A_799 = arith.constant 0 : i32
      %dma_start3A_800 = arith.constant 1 : i32
      %dma_start3A_801 = arith.constant 0 : i32
      %dma_start3A_802 = arith.constant 0 : i32
      %dma_start3A_803 = arith.constant 0 : i32
      %dma_start3A_804 = tpu.memref_slice %arg7[%dma_start3A_800, %dma_start3A_802, %dma_start3A_803] : memref<2x8x200xf32, #tpu.memory_space<vmem>> -> memref<1x8x200xf32, #tpu.memory_space<vmem>>
      %dma_start3A_805 = tpu.memref_squeeze %dma_start3A_804 : memref<1x8x200xf32, #tpu.memory_space<vmem>> -> memref<8x200xf32, #tpu.memory_space<vmem>>
      %dma_start3A_806 = arith.constant 128 : i32
      %dma_start3A_807 = tpu.memref_slice %dma_start3A_805[%dma_start3A_801, %dma_start3A_806] : memref<8x200xf32, #tpu.memory_space<vmem>> -> memref<1x72xf32, #tpu.memory_space<vmem>>
      %dma_start3A_808 = tpu.memref_squeeze %dma_start3A_807 : memref<1x72xf32, #tpu.memory_space<vmem>> -> memref<72xf32, #tpu.memory_space<vmem>>
      %dma_start3A_809 = arith.constant 0 : i32
      %dma_start3A_810 = arith.constant 0 : i32
      %dma_start3A_811 = tpu.memref_slice %arg6[%dma_start3A_798, %dma_start3A_809, %dma_start3A_810] : memref<2x8x200xi32, #tpu.memory_space<vmem>> -> memref<1x8x200xi32, #tpu.memory_space<vmem>>
      %dma_start3A_812 = tpu.memref_squeeze %dma_start3A_811 : memref<1x8x200xi32, #tpu.memory_space<vmem>> -> memref<8x200xi32, #tpu.memory_space<vmem>>
      %dma_start3A_813 = arith.constant 128 : i32
      %dma_start3A_814 = tpu.memref_slice %dma_start3A_812[%dma_start3A_799, %dma_start3A_813] : memref<8x200xi32, #tpu.memory_space<vmem>> -> memref<1x72xi32, #tpu.memory_space<vmem>>
      %dma_start3A_815 = tpu.memref_squeeze %dma_start3A_814 : memref<1x72xi32, #tpu.memory_space<vmem>> -> memref<72xi32, #tpu.memory_space<vmem>>
      %dma_start3A_816 = arith.constant 0 : i32
      %dma_start3A_817 = tpu.memref_slice %arg5[%dma_start3A_816] : memref<1048576xf32, #tpu.memory_space<vmem_shared>> -> memref<1048576xf32, #tpu.memory_space<vmem_shared>>
      tpu.enqueue_indirect_dma source(%dma_start3A_817 : memref<1048576xf32, #tpu.memory_space<vmem_shared>>) target(%dma_start3A_808 : memref<72xf32, #tpu.memory_space<vmem>>) offsets(%dma_start3A_815 : memref<72xi32, #tpu.memory_space<vmem>>) semaphore(%arg11 : memref<!tpu.dma_semaphore, #tpu.memory_space<semaphore_mem>>)
      %dma_start3A_818 = arith.constant 1 : i32
      %dma_start3A_819 = arith.constant 1 : i32
      %dma_start3A_820 = arith.constant 1 : i32
      %dma_start3A_821 = arith.constant 1 : i32
      %dma_start3A_822 = arith.constant 0 : i32
      %dma_start3A_823 = arith.constant 0 : i32
      %dma_start3A_824 = tpu.memref_slice %arg7[%dma_start3A_820, %dma_start3A_822, %dma_start3A_823] : memref<2x8x200xf32, #tpu.memory_space<vmem>> -> memref<1x8x200xf32, #tpu.memory_space<vmem>>
      %dma_start3A_825 = tpu.memref_squeeze %dma_start3A_824 : memref<1x8x200xf32, #tpu.memory_space<vmem>> -> memref<8x200xf32, #tpu.memory_space<vmem>>
      %dma_start3A_826 = arith.constant 0 : i32
      %dma_start3A_827 = tpu.memref_slice %dma_start3A_825[%dma_start3A_821, %dma_start3A_826] : memref<8x200xf32, #tpu.memory_space<vmem>> -> memref<1x128xf32, #tpu.memory_space<vmem>>
      %dma_start3A_828 = tpu.memref_squeeze %dma_start3A_827 : memref<1x128xf32, #tpu.memory_space<vmem>> -> memref<128xf32, #tpu.memory_space<vmem>>
      %dma_start3A_829 = arith.constant 0 : i32
      %dma_start3A_830 = arith.constant 0 : i32
      %dma_start3A_831 = tpu.memref_slice %arg6[%dma_start3A_818, %dma_start3A_829, %dma_start3A_830] : memref<2x8x200xi32, #tpu.memory_space<vmem>> -> memref<1x8x200xi32, #tpu.memory_space<vmem>>
      %dma_start3A_832 = tpu.memref_squeeze %dma_start3A_831 : memref<1x8x200xi32, #tpu.memory_space<vmem>> -> memref<8x200xi32, #tpu.memory_space<vmem>>
      %dma_start3A_833 = arith.constant 0 : i32
      %dma_start3A_834 = tpu.memref_slice %dma_start3A_832[%dma_start3A_819, %dma_start3A_833] : memref<8x200xi32, #tpu.memory_space<vmem>> -> memref<1x128xi32, #tpu.memory_space<vmem>>
      %dma_start3A_835 = tpu.memref_squeeze %dma_start3A_834 : memref<1x128xi32, #tpu.memory_space<vmem>> -> memref<128xi32, #tpu.memory_space<vmem>>
      %dma_start3A_836 = arith.constant 0 : i32
      %dma_start3A_837 = tpu.memref_slice %arg5[%dma_start3A_836] : memref<1048576xf32, #tpu.memory_space<vmem_shared>> -> memref<1048576xf32, #tpu.memory_space<vmem_shared>>
      tpu.enqueue_indirect_dma source(%dma_start3A_837 : memref<1048576xf32, #tpu.memory_space<vmem_shared>>) target(%dma_start3A_828 : memref<128xf32, #tpu.memory_space<vmem>>) offsets(%dma_start3A_835 : memref<128xi32, #tpu.memory_space<vmem>>) semaphore(%arg11 : memref<!tpu.dma_semaphore, #tpu.memory_space<semaphore_mem>>)
      %dma_start3A_838 = arith.constant 1 : i32
      %dma_start3A_839 = arith.constant 1 : i32
      %dma_start3A_840 = arith.constant 1 : i32
      %dma_start3A_841 = arith.constant 1 : i32
      %dma_start3A_842 = arith.constant 0 : i32
      %dma_start3A_843 = arith.constant 0 : i32
      %dma_start3A_844 = tpu.memref_slice %arg7[%dma_start3A_840, %dma_start3A_842, %dma_start3A_843] : memref<2x8x200xf32, #tpu.memory_space<vmem>> -> memref<1x8x200xf32, #tpu.memory_space<vmem>>
      %dma_start3A_845 = tpu.memref_squeeze %dma_start3A_844 : memref<1x8x200xf32, #tpu.memory_space<vmem>> -> memref<8x200xf32, #tpu.memory_space<vmem>>
      %dma_start3A_846 = arith.constant 128 : i32
      %dma_start3A_847 = tpu.memref_slice %dma_start3A_845[%dma_start3A_841, %dma_start3A_846] : memref<8x200xf32, #tpu.memory_space<vmem>> -> memref<1x72xf32, #tpu.memory_space<vmem>>
      %dma_start3A_848 = tpu.memref_squeeze %dma_start3A_847 : memref<1x72xf32, #tpu.memory_space<vmem>> -> memref<72xf32, #tpu.memory_space<vmem>>
      %dma_start3A_849 = arith.constant 0 : i32
      %dma_start3A_850 = arith.constant 0 : i32
      %dma_start3A_851 = tpu.memref_slice %arg6[%dma_start3A_838, %dma_start3A_849, %dma_start3A_850] : memref<2x8x200xi32, #tpu.memory_space<vmem>> -> memref<1x8x200xi32, #tpu.memory_space<vmem>>
      %dma_start3A_852 = tpu.memref_squeeze %dma_start3A_851 : memref<1x8x200xi32, #tpu.memory_space<vmem>> -> memref<8x200xi32, #tpu.memory_space<vmem>>
      %dma_start3A_853 = arith.constant 128 : i32
      %dma_start3A_854 = tpu.memref_slice %dma_start3A_852[%dma_start3A_839, %dma_start3A_853] : memref<8x200xi32, #tpu.memory_space<vmem>> -> memref<1x72xi32, #tpu.memory_space<vmem>>
      %dma_start3A_855 = tpu.memref_squeeze %dma_start3A_854 : memref<1x72xi32, #tpu.memory_space<vmem>> -> memref<72xi32, #tpu.memory_space<vmem>>
      %dma_start3A_856 = arith.constant 0 : i32
      %dma_start3A_857 = tpu.memref_slice %arg5[%dma_start3A_856] : memref<1048576xf32, #tpu.memory_space<vmem_shared>> -> memref<1048576xf32, #tpu.memory_space<vmem_shared>>
      tpu.enqueue_indirect_dma source(%dma_start3A_857 : memref<1048576xf32, #tpu.memory_space<vmem_shared>>) target(%dma_start3A_848 : memref<72xf32, #tpu.memory_space<vmem>>) offsets(%dma_start3A_855 : memref<72xi32, #tpu.memory_space<vmem>>) semaphore(%arg11 : memref<!tpu.dma_semaphore, #tpu.memory_space<semaphore_mem>>)
      %dma_start3A_858 = arith.constant 1 : i32
      %dma_start3A_859 = arith.constant 2 : i32
      %dma_start3A_860 = arith.constant 1 : i32
      %dma_start3A_861 = arith.constant 2 : i32
      %dma_start3A_862 = arith.constant 0 : i32
      %dma_start3A_863 = arith.constant 0 : i32
      %dma_start3A_864 = tpu.memref_slice %arg7[%dma_start3A_860, %dma_start3A_862, %dma_start3A_863] : memref<2x8x200xf32, #tpu.memory_space<vmem>> -> memref<1x8x200xf32, #tpu.memory_space<vmem>>
      %dma_start3A_865 = tpu.memref_squeeze %dma_start3A_864 : memref<1x8x200xf32, #tpu.memory_space<vmem>> -> memref<8x200xf32, #tpu.memory_space<vmem>>
      %dma_start3A_866 = arith.constant 0 : i32
      %dma_start3A_867 = tpu.memref_slice %dma_start3A_865[%dma_start3A_861, %dma_start3A_866] : memref<8x200xf32, #tpu.memory_space<vmem>> -> memref<1x128xf32, #tpu.memory_space<vmem>>
      %dma_start3A_868 = tpu.memref_squeeze %dma_start3A_867 : memref<1x128xf32, #tpu.memory_space<vmem>> -> memref<128xf32, #tpu.memory_space<vmem>>
      %dma_start3A_869 = arith.constant 0 : i32
      %dma_start3A_870 = arith.constant 0 : i32
      %dma_start3A_871 = tpu.memref_slice %arg6[%dma_start3A_858, %dma_start3A_869, %dma_start3A_870] : memref<2x8x200xi32, #tpu.memory_space<vmem>> -> memref<1x8x200xi32, #tpu.memory_space<vmem>>
      %dma_start3A_872 = tpu.memref_squeeze %dma_start3A_871 : memref<1x8x200xi32, #tpu.memory_space<vmem>> -> memref<8x200xi32, #tpu.memory_space<vmem>>
      %dma_start3A_873 = arith.constant 0 : i32
      %dma_start3A_874 = tpu.memref_slice %dma_start3A_872[%dma_start3A_859, %dma_start3A_873] : memref<8x200xi32, #tpu.memory_space<vmem>> -> memref<1x128xi32, #tpu.memory_space<vmem>>
      %dma_start3A_875 = tpu.memref_squeeze %dma_start3A_874 : memref<1x128xi32, #tpu.memory_space<vmem>> -> memref<128xi32, #tpu.memory_space<vmem>>
      %dma_start3A_876 = arith.constant 0 : i32
      %dma_start3A_877 = tpu.memref_slice %arg5[%dma_start3A_876] : memref<1048576xf32, #tpu.memory_space<vmem_shared>> -> memref<1048576xf32, #tpu.memory_space<vmem_shared>>
      tpu.enqueue_indirect_dma source(%dma_start3A_877 : memref<1048576xf32, #tpu.memory_space<vmem_shared>>) target(%dma_start3A_868 : memref<128xf32, #tpu.memory_space<vmem>>) offsets(%dma_start3A_875 : memref<128xi32, #tpu.memory_space<vmem>>) semaphore(%arg11 : memref<!tpu.dma_semaphore, #tpu.memory_space<semaphore_mem>>)
      %dma_start3A_878 = arith.constant 1 : i32
      %dma_start3A_879 = arith.constant 2 : i32
      %dma_start3A_880 = arith.constant 1 : i32
      %dma_start3A_881 = arith.constant 2 : i32
      %dma_start3A_882 = arith.constant 0 : i32
      %dma_start3A_883 = arith.constant 0 : i32
      %dma_start3A_884 = tpu.memref_slice %arg7[%dma_start3A_880, %dma_start3A_882, %dma_start3A_883] : memref<2x8x200xf32, #tpu.memory_space<vmem>> -> memref<1x8x200xf32, #tpu.memory_space<vmem>>
      %dma_start3A_885 = tpu.memref_squeeze %dma_start3A_884 : memref<1x8x200xf32, #tpu.memory_space<vmem>> -> memref<8x200xf32, #tpu.memory_space<vmem>>
      %dma_start3A_886 = arith.constant 128 : i32
      %dma_start3A_887 = tpu.memref_slice %dma_start3A_885[%dma_start3A_881, %dma_start3A_886] : memref<8x200xf32, #tpu.memory_space<vmem>> -> memref<1x72xf32, #tpu.memory_space<vmem>>
      %dma_start3A_888 = tpu.memref_squeeze %dma_start3A_887 : memref<1x72xf32, #tpu.memory_space<vmem>> -> memref<72xf32, #tpu.memory_space<vmem>>
      %dma_start3A_889 = arith.constant 0 : i32
      %dma_start3A_890 = arith.constant 0 : i32
      %dma_start3A_891 = tpu.memref_slice %arg6[%dma_start3A_878, %dma_start3A_889, %dma_start3A_890] : memref<2x8x200xi32, #tpu.memory_space<vmem>> -> memref<1x8x200xi32, #tpu.memory_space<vmem>>
      %dma_start3A_892 = tpu.memref_squeeze %dma_start3A_891 : memref<1x8x200xi32, #tpu.memory_space<vmem>> -> memref<8x200xi32, #tpu.memory_space<vmem>>
      %dma_start3A_893 = arith.constant 128 : i32
      %dma_start3A_894 = tpu.memref_slice %dma_start3A_892[%dma_start3A_879, %dma_start3A_893] : memref<8x200xi32, #tpu.memory_space<vmem>> -> memref<1x72xi32, #tpu.memory_space<vmem>>
      %dma_start3A_895 = tpu.memref_squeeze %dma_start3A_894 : memref<1x72xi32, #tpu.memory_space<vmem>> -> memref<72xi32, #tpu.memory_space<vmem>>
      %dma_start3A_896 = arith.constant 0 : i32
      %dma_start3A_897 = tpu.memref_slice %arg5[%dma_start3A_896] : memref<1048576xf32, #tpu.memory_space<vmem_shared>> -> memref<1048576xf32, #tpu.memory_space<vmem_shared>>
      tpu.enqueue_indirect_dma source(%dma_start3A_897 : memref<1048576xf32, #tpu.memory_space<vmem_shared>>) target(%dma_start3A_888 : memref<72xf32, #tpu.memory_space<vmem>>) offsets(%dma_start3A_895 : memref<72xi32, #tpu.memory_space<vmem>>) semaphore(%arg11 : memref<!tpu.dma_semaphore, #tpu.memory_space<semaphore_mem>>)
      %dma_start3A_898 = arith.constant 1 : i32
      %dma_start3A_899 = arith.constant 3 : i32
      %dma_start3A_900 = arith.constant 1 : i32
      %dma_start3A_901 = arith.constant 3 : i32
      %dma_start3A_902 = arith.constant 0 : i32
      %dma_start3A_903 = arith.constant 0 : i32
      %dma_start3A_904 = tpu.memref_slice %arg7[%dma_start3A_900, %dma_start3A_902, %dma_start3A_903] : memref<2x8x200xf32, #tpu.memory_space<vmem>> -> memref<1x8x200xf32, #tpu.memory_space<vmem>>
      %dma_start3A_905 = tpu.memref_squeeze %dma_start3A_904 : memref<1x8x200xf32, #tpu.memory_space<vmem>> -> memref<8x200xf32, #tpu.memory_space<vmem>>
      %dma_start3A_906 = arith.constant 0 : i32
      %dma_start3A_907 = tpu.memref_slice %dma_start3A_905[%dma_start3A_901, %dma_start3A_906] : memref<8x200xf32, #tpu.memory_space<vmem>> -> memref<1x128xf32, #tpu.memory_space<vmem>>
      %dma_start3A_908 = tpu.memref_squeeze %dma_start3A_907 : memref<1x128xf32, #tpu.memory_space<vmem>> -> memref<128xf32, #tpu.memory_space<vmem>>
      %dma_start3A_909 = arith.constant 0 : i32
      %dma_start3A_910 = arith.constant 0 : i32
      %dma_start3A_911 = tpu.memref_slice %arg6[%dma_start3A_898, %dma_start3A_909, %dma_start3A_910] : memref<2x8x200xi32, #tpu.memory_space<vmem>> -> memref<1x8x200xi32, #tpu.memory_space<vmem>>
      %dma_start3A_912 = tpu.memref_squeeze %dma_start3A_911 : memref<1x8x200xi32, #tpu.memory_space<vmem>> -> memref<8x200xi32, #tpu.memory_space<vmem>>
      %dma_start3A_913 = arith.constant 0 : i32
      %dma_start3A_914 = tpu.memref_slice %dma_start3A_912[%dma_start3A_899, %dma_start3A_913] : memref<8x200xi32, #tpu.memory_space<vmem>> -> memref<1x128xi32, #tpu.memory_space<vmem>>
      %dma_start3A_915 = tpu.memref_squeeze %dma_start3A_914 : memref<1x128xi32, #tpu.memory_space<vmem>> -> memref<128xi32, #tpu.memory_space<vmem>>
      %dma_start3A_916 = arith.constant 0 : i32
      %dma_start3A_917 = tpu.memref_slice %arg5[%dma_start3A_916] : memref<1048576xf32, #tpu.memory_space<vmem_shared>> -> memref<1048576xf32, #tpu.memory_space<vmem_shared>>
      tpu.enqueue_indirect_dma source(%dma_start3A_917 : memref<1048576xf32, #tpu.memory_space<vmem_shared>>) target(%dma_start3A_908 : memref<128xf32, #tpu.memory_space<vmem>>) offsets(%dma_start3A_915 : memref<128xi32, #tpu.memory_space<vmem>>) semaphore(%arg11 : memref<!tpu.dma_semaphore, #tpu.memory_space<semaphore_mem>>)
      %dma_start3A_918 = arith.constant 1 : i32
      %dma_start3A_919 = arith.constant 3 : i32
      %dma_start3A_920 = arith.constant 1 : i32
      %dma_start3A_921 = arith.constant 3 : i32
      %dma_start3A_922 = arith.constant 0 : i32
      %dma_start3A_923 = arith.constant 0 : i32
      %dma_start3A_924 = tpu.memref_slice %arg7[%dma_start3A_920, %dma_start3A_922, %dma_start3A_923] : memref<2x8x200xf32, #tpu.memory_space<vmem>> -> memref<1x8x200xf32, #tpu.memory_space<vmem>>
      %dma_start3A_925 = tpu.memref_squeeze %dma_start3A_924 : memref<1x8x200xf32, #tpu.memory_space<vmem>> -> memref<8x200xf32, #tpu.memory_space<vmem>>
      %dma_start3A_926 = arith.constant 128 : i32
      %dma_start3A_927 = tpu.memref_slice %dma_start3A_925[%dma_start3A_921, %dma_start3A_926] : memref<8x200xf32, #tpu.memory_space<vmem>> -> memref<1x72xf32, #tpu.memory_space<vmem>>
      %dma_start3A_928 = tpu.memref_squeeze %dma_start3A_927 : memref<1x72xf32, #tpu.memory_space<vmem>> -> memref<72xf32, #tpu.memory_space<vmem>>
      %dma_start3A_929 = arith.constant 0 : i32
      %dma_start3A_930 = arith.constant 0 : i32
      %dma_start3A_931 = tpu.memref_slice %arg6[%dma_start3A_918, %dma_start3A_929, %dma_start3A_930] : memref<2x8x200xi32, #tpu.memory_space<vmem>> -> memref<1x8x200xi32, #tpu.memory_space<vmem>>
      %dma_start3A_932 = tpu.memref_squeeze %dma_start3A_931 : memref<1x8x200xi32, #tpu.memory_space<vmem>> -> memref<8x200xi32, #tpu.memory_space<vmem>>
      %dma_start3A_933 = arith.constant 128 : i32
      %dma_start3A_934 = tpu.memref_slice %dma_start3A_932[%dma_start3A_919, %dma_start3A_933] : memref<8x200xi32, #tpu.memory_space<vmem>> -> memref<1x72xi32, #tpu.memory_space<vmem>>
      %dma_start3A_935 = tpu.memref_squeeze %dma_start3A_934 : memref<1x72xi32, #tpu.memory_space<vmem>> -> memref<72xi32, #tpu.memory_space<vmem>>
      %dma_start3A_936 = arith.constant 0 : i32
      %dma_start3A_937 = tpu.memref_slice %arg5[%dma_start3A_936] : memref<1048576xf32, #tpu.memory_space<vmem_shared>> -> memref<1048576xf32, #tpu.memory_space<vmem_shared>>
      tpu.enqueue_indirect_dma source(%dma_start3A_937 : memref<1048576xf32, #tpu.memory_space<vmem_shared>>) target(%dma_start3A_928 : memref<72xf32, #tpu.memory_space<vmem>>) offsets(%dma_start3A_935 : memref<72xi32, #tpu.memory_space<vmem>>) semaphore(%arg11 : memref<!tpu.dma_semaphore, #tpu.memory_space<semaphore_mem>>)
      %dma_start3A_938 = arith.constant 1 : i32
      %dma_start3A_939 = arith.constant 4 : i32
      %dma_start3A_940 = arith.constant 1 : i32
      %dma_start3A_941 = arith.constant 4 : i32
      %dma_start3A_942 = arith.constant 0 : i32
      %dma_start3A_943 = arith.constant 0 : i32
      %dma_start3A_944 = tpu.memref_slice %arg7[%dma_start3A_940, %dma_start3A_942, %dma_start3A_943] : memref<2x8x200xf32, #tpu.memory_space<vmem>> -> memref<1x8x200xf32, #tpu.memory_space<vmem>>
      %dma_start3A_945 = tpu.memref_squeeze %dma_start3A_944 : memref<1x8x200xf32, #tpu.memory_space<vmem>> -> memref<8x200xf32, #tpu.memory_space<vmem>>
      %dma_start3A_946 = arith.constant 0 : i32
      %dma_start3A_947 = tpu.memref_slice %dma_start3A_945[%dma_start3A_941, %dma_start3A_946] : memref<8x200xf32, #tpu.memory_space<vmem>> -> memref<1x128xf32, #tpu.memory_space<vmem>>
      %dma_start3A_948 = tpu.memref_squeeze %dma_start3A_947 : memref<1x128xf32, #tpu.memory_space<vmem>> -> memref<128xf32, #tpu.memory_space<vmem>>
      %dma_start3A_949 = arith.constant 0 : i32
      %dma_start3A_950 = arith.constant 0 : i32
      %dma_start3A_951 = tpu.memref_slice %arg6[%dma_start3A_938, %dma_start3A_949, %dma_start3A_950] : memref<2x8x200xi32, #tpu.memory_space<vmem>> -> memref<1x8x200xi32, #tpu.memory_space<vmem>>
      %dma_start3A_952 = tpu.memref_squeeze %dma_start3A_951 : memref<1x8x200xi32, #tpu.memory_space<vmem>> -> memref<8x200xi32, #tpu.memory_space<vmem>>
      %dma_start3A_953 = arith.constant 0 : i32
      %dma_start3A_954 = tpu.memref_slice %dma_start3A_952[%dma_start3A_939, %dma_start3A_953] : memref<8x200xi32, #tpu.memory_space<vmem>> -> memref<1x128xi32, #tpu.memory_space<vmem>>
      %dma_start3A_955 = tpu.memref_squeeze %dma_start3A_954 : memref<1x128xi32, #tpu.memory_space<vmem>> -> memref<128xi32, #tpu.memory_space<vmem>>
      %dma_start3A_956 = arith.constant 0 : i32
      %dma_start3A_957 = tpu.memref_slice %arg5[%dma_start3A_956] : memref<1048576xf32, #tpu.memory_space<vmem_shared>> -> memref<1048576xf32, #tpu.memory_space<vmem_shared>>
      tpu.enqueue_indirect_dma source(%dma_start3A_957 : memref<1048576xf32, #tpu.memory_space<vmem_shared>>) target(%dma_start3A_948 : memref<128xf32, #tpu.memory_space<vmem>>) offsets(%dma_start3A_955 : memref<128xi32, #tpu.memory_space<vmem>>) semaphore(%arg11 : memref<!tpu.dma_semaphore, #tpu.memory_space<semaphore_mem>>)
      %dma_start3A_958 = arith.constant 1 : i32
      %dma_start3A_959 = arith.constant 4 : i32
      %dma_start3A_960 = arith.constant 1 : i32
      %dma_start3A_961 = arith.constant 4 : i32
      %dma_start3A_962 = arith.constant 0 : i32
      %dma_start3A_963 = arith.constant 0 : i32
      %dma_start3A_964 = tpu.memref_slice %arg7[%dma_start3A_960, %dma_start3A_962, %dma_start3A_963] : memref<2x8x200xf32, #tpu.memory_space<vmem>> -> memref<1x8x200xf32, #tpu.memory_space<vmem>>
      %dma_start3A_965 = tpu.memref_squeeze %dma_start3A_964 : memref<1x8x200xf32, #tpu.memory_space<vmem>> -> memref<8x200xf32, #tpu.memory_space<vmem>>
      %dma_start3A_966 = arith.constant 128 : i32
      %dma_start3A_967 = tpu.memref_slice %dma_start3A_965[%dma_start3A_961, %dma_start3A_966] : memref<8x200xf32, #tpu.memory_space<vmem>> -> memref<1x72xf32, #tpu.memory_space<vmem>>
      %dma_start3A_968 = tpu.memref_squeeze %dma_start3A_967 : memref<1x72xf32, #tpu.memory_space<vmem>> -> memref<72xf32, #tpu.memory_space<vmem>>
      %dma_start3A_969 = arith.constant 0 : i32
      %dma_start3A_970 = arith.constant 0 : i32
      %dma_start3A_971 = tpu.memref_slice %arg6[%dma_start3A_958, %dma_start3A_969, %dma_start3A_970] : memref<2x8x200xi32, #tpu.memory_space<vmem>> -> memref<1x8x200xi32, #tpu.memory_space<vmem>>
      %dma_start3A_972 = tpu.memref_squeeze %dma_start3A_971 : memref<1x8x200xi32, #tpu.memory_space<vmem>> -> memref<8x200xi32, #tpu.memory_space<vmem>>
      %dma_start3A_973 = arith.constant 128 : i32
      %dma_start3A_974 = tpu.memref_slice %dma_start3A_972[%dma_start3A_959, %dma_start3A_973] : memref<8x200xi32, #tpu.memory_space<vmem>> -> memref<1x72xi32, #tpu.memory_space<vmem>>
      %dma_start3A_975 = tpu.memref_squeeze %dma_start3A_974 : memref<1x72xi32, #tpu.memory_space<vmem>> -> memref<72xi32, #tpu.memory_space<vmem>>
      %dma_start3A_976 = arith.constant 0 : i32
      %dma_start3A_977 = tpu.memref_slice %arg5[%dma_start3A_976] : memref<1048576xf32, #tpu.memory_space<vmem_shared>> -> memref<1048576xf32, #tpu.memory_space<vmem_shared>>
      tpu.enqueue_indirect_dma source(%dma_start3A_977 : memref<1048576xf32, #tpu.memory_space<vmem_shared>>) target(%dma_start3A_968 : memref<72xf32, #tpu.memory_space<vmem>>) offsets(%dma_start3A_975 : memref<72xi32, #tpu.memory_space<vmem>>) semaphore(%arg11 : memref<!tpu.dma_semaphore, #tpu.memory_space<semaphore_mem>>)
      %dma_start3A_978 = arith.constant 1 : i32
      %dma_start3A_979 = arith.constant 5 : i32
      %dma_start3A_980 = arith.constant 1 : i32
      %dma_start3A_981 = arith.constant 5 : i32
      %dma_start3A_982 = arith.constant 0 : i32
      %dma_start3A_983 = arith.constant 0 : i32
      %dma_start3A_984 = tpu.memref_slice %arg7[%dma_start3A_980, %dma_start3A_982, %dma_start3A_983] : memref<2x8x200xf32, #tpu.memory_space<vmem>> -> memref<1x8x200xf32, #tpu.memory_space<vmem>>
      %dma_start3A_985 = tpu.memref_squeeze %dma_start3A_984 : memref<1x8x200xf32, #tpu.memory_space<vmem>> -> memref<8x200xf32, #tpu.memory_space<vmem>>
      %dma_start3A_986 = arith.constant 0 : i32
      %dma_start3A_987 = tpu.memref_slice %dma_start3A_985[%dma_start3A_981, %dma_start3A_986] : memref<8x200xf32, #tpu.memory_space<vmem>> -> memref<1x128xf32, #tpu.memory_space<vmem>>
      %dma_start3A_988 = tpu.memref_squeeze %dma_start3A_987 : memref<1x128xf32, #tpu.memory_space<vmem>> -> memref<128xf32, #tpu.memory_space<vmem>>
      %dma_start3A_989 = arith.constant 0 : i32
      %dma_start3A_990 = arith.constant 0 : i32
      %dma_start3A_991 = tpu.memref_slice %arg6[%dma_start3A_978, %dma_start3A_989, %dma_start3A_990] : memref<2x8x200xi32, #tpu.memory_space<vmem>> -> memref<1x8x200xi32, #tpu.memory_space<vmem>>
      %dma_start3A_992 = tpu.memref_squeeze %dma_start3A_991 : memref<1x8x200xi32, #tpu.memory_space<vmem>> -> memref<8x200xi32, #tpu.memory_space<vmem>>
      %dma_start3A_993 = arith.constant 0 : i32
      %dma_start3A_994 = tpu.memref_slice %dma_start3A_992[%dma_start3A_979, %dma_start3A_993] : memref<8x200xi32, #tpu.memory_space<vmem>> -> memref<1x128xi32, #tpu.memory_space<vmem>>
      %dma_start3A_995 = tpu.memref_squeeze %dma_start3A_994 : memref<1x128xi32, #tpu.memory_space<vmem>> -> memref<128xi32, #tpu.memory_space<vmem>>
      %dma_start3A_996 = arith.constant 0 : i32
      %dma_start3A_997 = tpu.memref_slice %arg5[%dma_start3A_996] : memref<1048576xf32, #tpu.memory_space<vmem_shared>> -> memref<1048576xf32, #tpu.memory_space<vmem_shared>>
      tpu.enqueue_indirect_dma source(%dma_start3A_997 : memref<1048576xf32, #tpu.memory_space<vmem_shared>>) target(%dma_start3A_988 : memref<128xf32, #tpu.memory_space<vmem>>) offsets(%dma_start3A_995 : memref<128xi32, #tpu.memory_space<vmem>>) semaphore(%arg11 : memref<!tpu.dma_semaphore, #tpu.memory_space<semaphore_mem>>)
      %dma_start3A_998 = arith.constant 1 : i32
      %dma_start3A_999 = arith.constant 5 : i32
      %dma_start3A_1000 = arith.constant 1 : i32
      %dma_start3A_1001 = arith.constant 5 : i32
      %dma_start3A_1002 = arith.constant 0 : i32
      %dma_start3A_1003 = arith.constant 0 : i32
      %dma_start3A_1004 = tpu.memref_slice %arg7[%dma_start3A_1000, %dma_start3A_1002, %dma_start3A_1003] : memref<2x8x200xf32, #tpu.memory_space<vmem>> -> memref<1x8x200xf32, #tpu.memory_space<vmem>>
      %dma_start3A_1005 = tpu.memref_squeeze %dma_start3A_1004 : memref<1x8x200xf32, #tpu.memory_space<vmem>> -> memref<8x200xf32, #tpu.memory_space<vmem>>
      %dma_start3A_1006 = arith.constant 128 : i32
      %dma_start3A_1007 = tpu.memref_slice %dma_start3A_1005[%dma_start3A_1001, %dma_start3A_1006] : memref<8x200xf32, #tpu.memory_space<vmem>> -> memref<1x72xf32, #tpu.memory_space<vmem>>
      %dma_start3A_1008 = tpu.memref_squeeze %dma_start3A_1007 : memref<1x72xf32, #tpu.memory_space<vmem>> -> memref<72xf32, #tpu.memory_space<vmem>>
      %dma_start3A_1009 = arith.constant 0 : i32
      %dma_start3A_1010 = arith.constant 0 : i32
      %dma_start3A_1011 = tpu.memref_slice %arg6[%dma_start3A_998, %dma_start3A_1009, %dma_start3A_1010] : memref<2x8x200xi32, #tpu.memory_space<vmem>> -> memref<1x8x200xi32, #tpu.memory_space<vmem>>
      %dma_start3A_1012 = tpu.memref_squeeze %dma_start3A_1011 : memref<1x8x200xi32, #tpu.memory_space<vmem>> -> memref<8x200xi32, #tpu.memory_space<vmem>>
      %dma_start3A_1013 = arith.constant 128 : i32
      %dma_start3A_1014 = tpu.memref_slice %dma_start3A_1012[%dma_start3A_999, %dma_start3A_1013] : memref<8x200xi32, #tpu.memory_space<vmem>> -> memref<1x72xi32, #tpu.memory_space<vmem>>
      %dma_start3A_1015 = tpu.memref_squeeze %dma_start3A_1014 : memref<1x72xi32, #tpu.memory_space<vmem>> -> memref<72xi32, #tpu.memory_space<vmem>>
      %dma_start3A_1016 = arith.constant 0 : i32
      %dma_start3A_1017 = tpu.memref_slice %arg5[%dma_start3A_1016] : memref<1048576xf32, #tpu.memory_space<vmem_shared>> -> memref<1048576xf32, #tpu.memory_space<vmem_shared>>
      tpu.enqueue_indirect_dma source(%dma_start3A_1017 : memref<1048576xf32, #tpu.memory_space<vmem_shared>>) target(%dma_start3A_1008 : memref<72xf32, #tpu.memory_space<vmem>>) offsets(%dma_start3A_1015 : memref<72xi32, #tpu.memory_space<vmem>>) semaphore(%arg11 : memref<!tpu.dma_semaphore, #tpu.memory_space<semaphore_mem>>)
      %dma_start3A_1018 = arith.constant 1 : i32
      %dma_start3A_1019 = arith.constant 6 : i32
      %dma_start3A_1020 = arith.constant 1 : i32
      %dma_start3A_1021 = arith.constant 6 : i32
      %dma_start3A_1022 = arith.constant 0 : i32
      %dma_start3A_1023 = arith.constant 0 : i32
      %dma_start3A_1024 = tpu.memref_slice %arg7[%dma_start3A_1020, %dma_start3A_1022, %dma_start3A_1023] : memref<2x8x200xf32, #tpu.memory_space<vmem>> -> memref<1x8x200xf32, #tpu.memory_space<vmem>>
      %dma_start3A_1025 = tpu.memref_squeeze %dma_start3A_1024 : memref<1x8x200xf32, #tpu.memory_space<vmem>> -> memref<8x200xf32, #tpu.memory_space<vmem>>
      %dma_start3A_1026 = arith.constant 0 : i32
      %dma_start3A_1027 = tpu.memref_slice %dma_start3A_1025[%dma_start3A_1021, %dma_start3A_1026] : memref<8x200xf32, #tpu.memory_space<vmem>> -> memref<1x128xf32, #tpu.memory_space<vmem>>
      %dma_start3A_1028 = tpu.memref_squeeze %dma_start3A_1027 : memref<1x128xf32, #tpu.memory_space<vmem>> -> memref<128xf32, #tpu.memory_space<vmem>>
      %dma_start3A_1029 = arith.constant 0 : i32
      %dma_start3A_1030 = arith.constant 0 : i32
      %dma_start3A_1031 = tpu.memref_slice %arg6[%dma_start3A_1018, %dma_start3A_1029, %dma_start3A_1030] : memref<2x8x200xi32, #tpu.memory_space<vmem>> -> memref<1x8x200xi32, #tpu.memory_space<vmem>>
      %dma_start3A_1032 = tpu.memref_squeeze %dma_start3A_1031 : memref<1x8x200xi32, #tpu.memory_space<vmem>> -> memref<8x200xi32, #tpu.memory_space<vmem>>
      %dma_start3A_1033 = arith.constant 0 : i32
      %dma_start3A_1034 = tpu.memref_slice %dma_start3A_1032[%dma_start3A_1019, %dma_start3A_1033] : memref<8x200xi32, #tpu.memory_space<vmem>> -> memref<1x128xi32, #tpu.memory_space<vmem>>
      %dma_start3A_1035 = tpu.memref_squeeze %dma_start3A_1034 : memref<1x128xi32, #tpu.memory_space<vmem>> -> memref<128xi32, #tpu.memory_space<vmem>>
      %dma_start3A_1036 = arith.constant 0 : i32
      %dma_start3A_1037 = tpu.memref_slice %arg5[%dma_start3A_1036] : memref<1048576xf32, #tpu.memory_space<vmem_shared>> -> memref<1048576xf32, #tpu.memory_space<vmem_shared>>
      tpu.enqueue_indirect_dma source(%dma_start3A_1037 : memref<1048576xf32, #tpu.memory_space<vmem_shared>>) target(%dma_start3A_1028 : memref<128xf32, #tpu.memory_space<vmem>>) offsets(%dma_start3A_1035 : memref<128xi32, #tpu.memory_space<vmem>>) semaphore(%arg11 : memref<!tpu.dma_semaphore, #tpu.memory_space<semaphore_mem>>)
      %dma_start3A_1038 = arith.constant 1 : i32
      %dma_start3A_1039 = arith.constant 6 : i32
      %dma_start3A_1040 = arith.constant 1 : i32
      %dma_start3A_1041 = arith.constant 6 : i32
      %dma_start3A_1042 = arith.constant 0 : i32
      %dma_start3A_1043 = arith.constant 0 : i32
      %dma_start3A_1044 = tpu.memref_slice %arg7[%dma_start3A_1040, %dma_start3A_1042, %dma_start3A_1043] : memref<2x8x200xf32, #tpu.memory_space<vmem>> -> memref<1x8x200xf32, #tpu.memory_space<vmem>>
      %dma_start3A_1045 = tpu.memref_squeeze %dma_start3A_1044 : memref<1x8x200xf32, #tpu.memory_space<vmem>> -> memref<8x200xf32, #tpu.memory_space<vmem>>
      %dma_start3A_1046 = arith.constant 128 : i32
      %dma_start3A_1047 = tpu.memref_slice %dma_start3A_1045[%dma_start3A_1041, %dma_start3A_1046] : memref<8x200xf32, #tpu.memory_space<vmem>> -> memref<1x72xf32, #tpu.memory_space<vmem>>
      %dma_start3A_1048 = tpu.memref_squeeze %dma_start3A_1047 : memref<1x72xf32, #tpu.memory_space<vmem>> -> memref<72xf32, #tpu.memory_space<vmem>>
      %dma_start3A_1049 = arith.constant 0 : i32
      %dma_start3A_1050 = arith.constant 0 : i32
      %dma_start3A_1051 = tpu.memref_slice %arg6[%dma_start3A_1038, %dma_start3A_1049, %dma_start3A_1050] : memref<2x8x200xi32, #tpu.memory_space<vmem>> -> memref<1x8x200xi32, #tpu.memory_space<vmem>>
      %dma_start3A_1052 = tpu.memref_squeeze %dma_start3A_1051 : memref<1x8x200xi32, #tpu.memory_space<vmem>> -> memref<8x200xi32, #tpu.memory_space<vmem>>
      %dma_start3A_1053 = arith.constant 128 : i32
      %dma_start3A_1054 = tpu.memref_slice %dma_start3A_1052[%dma_start3A_1039, %dma_start3A_1053] : memref<8x200xi32, #tpu.memory_space<vmem>> -> memref<1x72xi32, #tpu.memory_space<vmem>>
      %dma_start3A_1055 = tpu.memref_squeeze %dma_start3A_1054 : memref<1x72xi32, #tpu.memory_space<vmem>> -> memref<72xi32, #tpu.memory_space<vmem>>
      %dma_start3A_1056 = arith.constant 0 : i32
      %dma_start3A_1057 = tpu.memref_slice %arg5[%dma_start3A_1056] : memref<1048576xf32, #tpu.memory_space<vmem_shared>> -> memref<1048576xf32, #tpu.memory_space<vmem_shared>>
      tpu.enqueue_indirect_dma source(%dma_start3A_1057 : memref<1048576xf32, #tpu.memory_space<vmem_shared>>) target(%dma_start3A_1048 : memref<72xf32, #tpu.memory_space<vmem>>) offsets(%dma_start3A_1055 : memref<72xi32, #tpu.memory_space<vmem>>) semaphore(%arg11 : memref<!tpu.dma_semaphore, #tpu.memory_space<semaphore_mem>>)
      %dma_start3A_1058 = arith.constant 1 : i32
      %dma_start3A_1059 = arith.constant 7 : i32
      %dma_start3A_1060 = arith.constant 1 : i32
      %dma_start3A_1061 = arith.constant 7 : i32
      %dma_start3A_1062 = arith.constant 0 : i32
      %dma_start3A_1063 = arith.constant 0 : i32
      %dma_start3A_1064 = tpu.memref_slice %arg7[%dma_start3A_1060, %dma_start3A_1062, %dma_start3A_1063] : memref<2x8x200xf32, #tpu.memory_space<vmem>> -> memref<1x8x200xf32, #tpu.memory_space<vmem>>
      %dma_start3A_1065 = tpu.memref_squeeze %dma_start3A_1064 : memref<1x8x200xf32, #tpu.memory_space<vmem>> -> memref<8x200xf32, #tpu.memory_space<vmem>>
      %dma_start3A_1066 = arith.constant 0 : i32
      %dma_start3A_1067 = tpu.memref_slice %dma_start3A_1065[%dma_start3A_1061, %dma_start3A_1066] : memref<8x200xf32, #tpu.memory_space<vmem>> -> memref<1x128xf32, #tpu.memory_space<vmem>>
      %dma_start3A_1068 = tpu.memref_squeeze %dma_start3A_1067 : memref<1x128xf32, #tpu.memory_space<vmem>> -> memref<128xf32, #tpu.memory_space<vmem>>
      %dma_start3A_1069 = arith.constant 0 : i32
      %dma_start3A_1070 = arith.constant 0 : i32
      %dma_start3A_1071 = tpu.memref_slice %arg6[%dma_start3A_1058, %dma_start3A_1069, %dma_start3A_1070] : memref<2x8x200xi32, #tpu.memory_space<vmem>> -> memref<1x8x200xi32, #tpu.memory_space<vmem>>
      %dma_start3A_1072 = tpu.memref_squeeze %dma_start3A_1071 : memref<1x8x200xi32, #tpu.memory_space<vmem>> -> memref<8x200xi32, #tpu.memory_space<vmem>>
      %dma_start3A_1073 = arith.constant 0 : i32
      %dma_start3A_1074 = tpu.memref_slice %dma_start3A_1072[%dma_start3A_1059, %dma_start3A_1073] : memref<8x200xi32, #tpu.memory_space<vmem>> -> memref<1x128xi32, #tpu.memory_space<vmem>>
      %dma_start3A_1075 = tpu.memref_squeeze %dma_start3A_1074 : memref<1x128xi32, #tpu.memory_space<vmem>> -> memref<128xi32, #tpu.memory_space<vmem>>
      %dma_start3A_1076 = arith.constant 0 : i32
      %dma_start3A_1077 = tpu.memref_slice %arg5[%dma_start3A_1076] : memref<1048576xf32, #tpu.memory_space<vmem_shared>> -> memref<1048576xf32, #tpu.memory_space<vmem_shared>>
      tpu.enqueue_indirect_dma source(%dma_start3A_1077 : memref<1048576xf32, #tpu.memory_space<vmem_shared>>) target(%dma_start3A_1068 : memref<128xf32, #tpu.memory_space<vmem>>) offsets(%dma_start3A_1075 : memref<128xi32, #tpu.memory_space<vmem>>) semaphore(%arg11 : memref<!tpu.dma_semaphore, #tpu.memory_space<semaphore_mem>>)
      %dma_start3A_1078 = arith.constant 1 : i32
      %dma_start3A_1079 = arith.constant 7 : i32
      %dma_start3A_1080 = arith.constant 1 : i32
      %dma_start3A_1081 = arith.constant 7 : i32
      %dma_start3A_1082 = arith.constant 0 : i32
      %dma_start3A_1083 = arith.constant 0 : i32
      %dma_start3A_1084 = tpu.memref_slice %arg7[%dma_start3A_1080, %dma_start3A_1082, %dma_start3A_1083] : memref<2x8x200xf32, #tpu.memory_space<vmem>> -> memref<1x8x200xf32, #tpu.memory_space<vmem>>
      %dma_start3A_1085 = tpu.memref_squeeze %dma_start3A_1084 : memref<1x8x200xf32, #tpu.memory_space<vmem>> -> memref<8x200xf32, #tpu.memory_space<vmem>>
      %dma_start3A_1086 = arith.constant 128 : i32
      %dma_start3A_1087 = tpu.memref_slice %dma_start3A_1085[%dma_start3A_1081, %dma_start3A_1086] : memref<8x200xf32, #tpu.memory_space<vmem>> -> memref<1x72xf32, #tpu.memory_space<vmem>>
      %dma_start3A_1088 = tpu.memref_squeeze %dma_start3A_1087 : memref<1x72xf32, #tpu.memory_space<vmem>> -> memref<72xf32, #tpu.memory_space<vmem>>
      %dma_start3A_1089 = arith.constant 0 : i32
      %dma_start3A_1090 = arith.constant 0 : i32
      %dma_start3A_1091 = tpu.memref_slice %arg6[%dma_start3A_1078, %dma_start3A_1089, %dma_start3A_1090] : memref<2x8x200xi32, #tpu.memory_space<vmem>> -> memref<1x8x200xi32, #tpu.memory_space<vmem>>
      %dma_start3A_1092 = tpu.memref_squeeze %dma_start3A_1091 : memref<1x8x200xi32, #tpu.memory_space<vmem>> -> memref<8x200xi32, #tpu.memory_space<vmem>>
      %dma_start3A_1093 = arith.constant 128 : i32
      %dma_start3A_1094 = tpu.memref_slice %dma_start3A_1092[%dma_start3A_1079, %dma_start3A_1093] : memref<8x200xi32, #tpu.memory_space<vmem>> -> memref<1x72xi32, #tpu.memory_space<vmem>>
      %dma_start3A_1095 = tpu.memref_squeeze %dma_start3A_1094 : memref<1x72xi32, #tpu.memory_space<vmem>> -> memref<72xi32, #tpu.memory_space<vmem>>
      %dma_start3A_1096 = arith.constant 0 : i32
      %dma_start3A_1097 = tpu.memref_slice %arg5[%dma_start3A_1096] : memref<1048576xf32, #tpu.memory_space<vmem_shared>> -> memref<1048576xf32, #tpu.memory_space<vmem_shared>>
      tpu.enqueue_indirect_dma source(%dma_start3A_1097 : memref<1048576xf32, #tpu.memory_space<vmem_shared>>) target(%dma_start3A_1088 : memref<72xf32, #tpu.memory_space<vmem>>) offsets(%dma_start3A_1095 : memref<72xi32, #tpu.memory_space<vmem>>) semaphore(%arg11 : memref<!tpu.dma_semaphore, #tpu.memory_space<semaphore_mem>>)
      %dma_wait3A_1098 = arith.constant 1 : i32
      %dma_wait3A_1099 = arith.constant 0 : i32
      %dma_wait3A_1100 = arith.constant 1 : i32
      %dma_wait3A_1101 = arith.constant 0 : i32
      %dma_wait3A_1102 = arith.constant 0 : i32
      %dma_wait3A_1103 = arith.constant 0 : i32
      %dma_wait3A_1104 = tpu.memref_slice %arg7[%dma_wait3A_1100, %dma_wait3A_1102, %dma_wait3A_1103] : memref<2x8x200xf32, #tpu.memory_space<vmem>> -> memref<1x8x200xf32, #tpu.memory_space<vmem>>
      %dma_wait3A_1105 = tpu.memref_squeeze %dma_wait3A_1104 : memref<1x8x200xf32, #tpu.memory_space<vmem>> -> memref<8x200xf32, #tpu.memory_space<vmem>>
      %dma_wait3A_1106 = arith.constant 0 : i32
      %dma_wait3A_1107 = tpu.memref_slice %dma_wait3A_1105[%dma_wait3A_1101, %dma_wait3A_1106] : memref<8x200xf32, #tpu.memory_space<vmem>> -> memref<1x128xf32, #tpu.memory_space<vmem>>
      %dma_wait3A_1108 = tpu.memref_squeeze %dma_wait3A_1107 : memref<1x128xf32, #tpu.memory_space<vmem>> -> memref<128xf32, #tpu.memory_space<vmem>>
      %dma_wait3A_1109 = arith.constant 0 : i32
      %dma_wait3A_1110 = arith.constant 0 : i32
      %dma_wait3A_1111 = tpu.memref_slice %arg6[%dma_wait3A_1098, %dma_wait3A_1109, %dma_wait3A_1110] : memref<2x8x200xi32, #tpu.memory_space<vmem>> -> memref<1x8x200xi32, #tpu.memory_space<vmem>>
      %dma_wait3A_1112 = tpu.memref_squeeze %dma_wait3A_1111 : memref<1x8x200xi32, #tpu.memory_space<vmem>> -> memref<8x200xi32, #tpu.memory_space<vmem>>
      %dma_wait3A_1113 = arith.constant 0 : i32
      %dma_wait3A_1114 = tpu.memref_slice %dma_wait3A_1112[%dma_wait3A_1099, %dma_wait3A_1113] : memref<8x200xi32, #tpu.memory_space<vmem>> -> memref<1x128xi32, #tpu.memory_space<vmem>>
      %dma_wait3A_1115 = tpu.memref_squeeze %dma_wait3A_1114 : memref<1x128xi32, #tpu.memory_space<vmem>> -> memref<128xi32, #tpu.memory_space<vmem>>
      %dma_wait3A_1116 = arith.constant 0 : i32
      %dma_wait3A_1117 = tpu.memref_slice %arg5[%dma_wait3A_1116] : memref<1048576xf32, #tpu.memory_space<vmem_shared>> -> memref<1048576xf32, #tpu.memory_space<vmem_shared>>
      tpu.wait_indirect_dma semaphore(%arg11 : memref<!tpu.dma_semaphore, #tpu.memory_space<semaphore_mem>>) src(%dma_wait3A_1117 : memref<1048576xf32, #tpu.memory_space<vmem_shared>>) dst(%dma_wait3A_1108 : memref<128xf32, #tpu.memory_space<vmem>>)
      %dma_wait3A_1118 = arith.constant 1 : i32
      %dma_wait3A_1119 = arith.constant 0 : i32
      %dma_wait3A_1120 = arith.constant 1 : i32
      %dma_wait3A_1121 = arith.constant 0 : i32
      %dma_wait3A_1122 = arith.constant 0 : i32
      %dma_wait3A_1123 = arith.constant 0 : i32
      %dma_wait3A_1124 = tpu.memref_slice %arg7[%dma_wait3A_1120, %dma_wait3A_1122, %dma_wait3A_1123] : memref<2x8x200xf32, #tpu.memory_space<vmem>> -> memref<1x8x200xf32, #tpu.memory_space<vmem>>
      %dma_wait3A_1125 = tpu.memref_squeeze %dma_wait3A_1124 : memref<1x8x200xf32, #tpu.memory_space<vmem>> -> memref<8x200xf32, #tpu.memory_space<vmem>>
      %dma_wait3A_1126 = arith.constant 128 : i32
      %dma_wait3A_1127 = tpu.memref_slice %dma_wait3A_1125[%dma_wait3A_1121, %dma_wait3A_1126] : memref<8x200xf32, #tpu.memory_space<vmem>> -> memref<1x72xf32, #tpu.memory_space<vmem>>
      %dma_wait3A_1128 = tpu.memref_squeeze %dma_wait3A_1127 : memref<1x72xf32, #tpu.memory_space<vmem>> -> memref<72xf32, #tpu.memory_space<vmem>>
      %dma_wait3A_1129 = arith.constant 0 : i32
      %dma_wait3A_1130 = arith.constant 0 : i32
      %dma_wait3A_1131 = tpu.memref_slice %arg6[%dma_wait3A_1118, %dma_wait3A_1129, %dma_wait3A_1130] : memref<2x8x200xi32, #tpu.memory_space<vmem>> -> memref<1x8x200xi32, #tpu.memory_space<vmem>>
      %dma_wait3A_1132 = tpu.memref_squeeze %dma_wait3A_1131 : memref<1x8x200xi32, #tpu.memory_space<vmem>> -> memref<8x200xi32, #tpu.memory_space<vmem>>
      %dma_wait3A_1133 = arith.constant 128 : i32
      %dma_wait3A_1134 = tpu.memref_slice %dma_wait3A_1132[%dma_wait3A_1119, %dma_wait3A_1133] : memref<8x200xi32, #tpu.memory_space<vmem>> -> memref<1x72xi32, #tpu.memory_space<vmem>>
      %dma_wait3A_1135 = tpu.memref_squeeze %dma_wait3A_1134 : memref<1x72xi32, #tpu.memory_space<vmem>> -> memref<72xi32, #tpu.memory_space<vmem>>
      %dma_wait3A_1136 = arith.constant 0 : i32
      %dma_wait3A_1137 = tpu.memref_slice %arg5[%dma_wait3A_1136] : memref<1048576xf32, #tpu.memory_space<vmem_shared>> -> memref<1048576xf32, #tpu.memory_space<vmem_shared>>
      tpu.wait_indirect_dma semaphore(%arg11 : memref<!tpu.dma_semaphore, #tpu.memory_space<semaphore_mem>>) src(%dma_wait3A_1137 : memref<1048576xf32, #tpu.memory_space<vmem_shared>>) dst(%dma_wait3A_1128 : memref<72xf32, #tpu.memory_space<vmem>>)
      %dma_wait3A_1138 = arith.constant 1 : i32
      %dma_wait3A_1139 = arith.constant 1 : i32
      %dma_wait3A_1140 = arith.constant 1 : i32
      %dma_wait3A_1141 = arith.constant 1 : i32
      %dma_wait3A_1142 = arith.constant 0 : i32
      %dma_wait3A_1143 = arith.constant 0 : i32
      %dma_wait3A_1144 = tpu.memref_slice %arg7[%dma_wait3A_1140, %dma_wait3A_1142, %dma_wait3A_1143] : memref<2x8x200xf32, #tpu.memory_space<vmem>> -> memref<1x8x200xf32, #tpu.memory_space<vmem>>
      %dma_wait3A_1145 = tpu.memref_squeeze %dma_wait3A_1144 : memref<1x8x200xf32, #tpu.memory_space<vmem>> -> memref<8x200xf32, #tpu.memory_space<vmem>>
      %dma_wait3A_1146 = arith.constant 0 : i32
      %dma_wait3A_1147 = tpu.memref_slice %dma_wait3A_1145[%dma_wait3A_1141, %dma_wait3A_1146] : memref<8x200xf32, #tpu.memory_space<vmem>> -> memref<1x128xf32, #tpu.memory_space<vmem>>
      %dma_wait3A_1148 = tpu.memref_squeeze %dma_wait3A_1147 : memref<1x128xf32, #tpu.memory_space<vmem>> -> memref<128xf32, #tpu.memory_space<vmem>>
      %dma_wait3A_1149 = arith.constant 0 : i32
      %dma_wait3A_1150 = arith.constant 0 : i32
      %dma_wait3A_1151 = tpu.memref_slice %arg6[%dma_wait3A_1138, %dma_wait3A_1149, %dma_wait3A_1150] : memref<2x8x200xi32, #tpu.memory_space<vmem>> -> memref<1x8x200xi32, #tpu.memory_space<vmem>>
      %dma_wait3A_1152 = tpu.memref_squeeze %dma_wait3A_1151 : memref<1x8x200xi32, #tpu.memory_space<vmem>> -> memref<8x200xi32, #tpu.memory_space<vmem>>
      %dma_wait3A_1153 = arith.constant 0 : i32
      %dma_wait3A_1154 = tpu.memref_slice %dma_wait3A_1152[%dma_wait3A_1139, %dma_wait3A_1153] : memref<8x200xi32, #tpu.memory_space<vmem>> -> memref<1x128xi32, #tpu.memory_space<vmem>>
      %dma_wait3A_1155 = tpu.memref_squeeze %dma_wait3A_1154 : memref<1x128xi32, #tpu.memory_space<vmem>> -> memref<128xi32, #tpu.memory_space<vmem>>
      %dma_wait3A_1156 = arith.constant 0 : i32
      %dma_wait3A_1157 = tpu.memref_slice %arg5[%dma_wait3A_1156] : memref<1048576xf32, #tpu.memory_space<vmem_shared>> -> memref<1048576xf32, #tpu.memory_space<vmem_shared>>
      tpu.wait_indirect_dma semaphore(%arg11 : memref<!tpu.dma_semaphore, #tpu.memory_space<semaphore_mem>>) src(%dma_wait3A_1157 : memref<1048576xf32, #tpu.memory_space<vmem_shared>>) dst(%dma_wait3A_1148 : memref<128xf32, #tpu.memory_space<vmem>>)
      %dma_wait3A_1158 = arith.constant 1 : i32
      %dma_wait3A_1159 = arith.constant 1 : i32
      %dma_wait3A_1160 = arith.constant 1 : i32
      %dma_wait3A_1161 = arith.constant 1 : i32
      %dma_wait3A_1162 = arith.constant 0 : i32
      %dma_wait3A_1163 = arith.constant 0 : i32
      %dma_wait3A_1164 = tpu.memref_slice %arg7[%dma_wait3A_1160, %dma_wait3A_1162, %dma_wait3A_1163] : memref<2x8x200xf32, #tpu.memory_space<vmem>> -> memref<1x8x200xf32, #tpu.memory_space<vmem>>
      %dma_wait3A_1165 = tpu.memref_squeeze %dma_wait3A_1164 : memref<1x8x200xf32, #tpu.memory_space<vmem>> -> memref<8x200xf32, #tpu.memory_space<vmem>>
      %dma_wait3A_1166 = arith.constant 128 : i32
      %dma_wait3A_1167 = tpu.memref_slice %dma_wait3A_1165[%dma_wait3A_1161, %dma_wait3A_1166] : memref<8x200xf32, #tpu.memory_space<vmem>> -> memref<1x72xf32, #tpu.memory_space<vmem>>
      %dma_wait3A_1168 = tpu.memref_squeeze %dma_wait3A_1167 : memref<1x72xf32, #tpu.memory_space<vmem>> -> memref<72xf32, #tpu.memory_space<vmem>>
      %dma_wait3A_1169 = arith.constant 0 : i32
      %dma_wait3A_1170 = arith.constant 0 : i32
      %dma_wait3A_1171 = tpu.memref_slice %arg6[%dma_wait3A_1158, %dma_wait3A_1169, %dma_wait3A_1170] : memref<2x8x200xi32, #tpu.memory_space<vmem>> -> memref<1x8x200xi32, #tpu.memory_space<vmem>>
      %dma_wait3A_1172 = tpu.memref_squeeze %dma_wait3A_1171 : memref<1x8x200xi32, #tpu.memory_space<vmem>> -> memref<8x200xi32, #tpu.memory_space<vmem>>
      %dma_wait3A_1173 = arith.constant 128 : i32
      %dma_wait3A_1174 = tpu.memref_slice %dma_wait3A_1172[%dma_wait3A_1159, %dma_wait3A_1173] : memref<8x200xi32, #tpu.memory_space<vmem>> -> memref<1x72xi32, #tpu.memory_space<vmem>>
      %dma_wait3A_1175 = tpu.memref_squeeze %dma_wait3A_1174 : memref<1x72xi32, #tpu.memory_space<vmem>> -> memref<72xi32, #tpu.memory_space<vmem>>
      %dma_wait3A_1176 = arith.constant 0 : i32
      %dma_wait3A_1177 = tpu.memref_slice %arg5[%dma_wait3A_1176] : memref<1048576xf32, #tpu.memory_space<vmem_shared>> -> memref<1048576xf32, #tpu.memory_space<vmem_shared>>
      tpu.wait_indirect_dma semaphore(%arg11 : memref<!tpu.dma_semaphore, #tpu.memory_space<semaphore_mem>>) src(%dma_wait3A_1177 : memref<1048576xf32, #tpu.memory_space<vmem_shared>>) dst(%dma_wait3A_1168 : memref<72xf32, #tpu.memory_space<vmem>>)
      %dma_wait3A_1178 = arith.constant 1 : i32
      %dma_wait3A_1179 = arith.constant 2 : i32
      %dma_wait3A_1180 = arith.constant 1 : i32
      %dma_wait3A_1181 = arith.constant 2 : i32
      %dma_wait3A_1182 = arith.constant 0 : i32
      %dma_wait3A_1183 = arith.constant 0 : i32
      %dma_wait3A_1184 = tpu.memref_slice %arg7[%dma_wait3A_1180, %dma_wait3A_1182, %dma_wait3A_1183] : memref<2x8x200xf32, #tpu.memory_space<vmem>> -> memref<1x8x200xf32, #tpu.memory_space<vmem>>
      %dma_wait3A_1185 = tpu.memref_squeeze %dma_wait3A_1184 : memref<1x8x200xf32, #tpu.memory_space<vmem>> -> memref<8x200xf32, #tpu.memory_space<vmem>>
      %dma_wait3A_1186 = arith.constant 0 : i32
      %dma_wait3A_1187 = tpu.memref_slice %dma_wait3A_1185[%dma_wait3A_1181, %dma_wait3A_1186] : memref<8x200xf32, #tpu.memory_space<vmem>> -> memref<1x128xf32, #tpu.memory_space<vmem>>
      %dma_wait3A_1188 = tpu.memref_squeeze %dma_wait3A_1187 : memref<1x128xf32, #tpu.memory_space<vmem>> -> memref<128xf32, #tpu.memory_space<vmem>>
      %dma_wait3A_1189 = arith.constant 0 : i32
      %dma_wait3A_1190 = arith.constant 0 : i32
      %dma_wait3A_1191 = tpu.memref_slice %arg6[%dma_wait3A_1178, %dma_wait3A_1189, %dma_wait3A_1190] : memref<2x8x200xi32, #tpu.memory_space<vmem>> -> memref<1x8x200xi32, #tpu.memory_space<vmem>>
      %dma_wait3A_1192 = tpu.memref_squeeze %dma_wait3A_1191 : memref<1x8x200xi32, #tpu.memory_space<vmem>> -> memref<8x200xi32, #tpu.memory_space<vmem>>
      %dma_wait3A_1193 = arith.constant 0 : i32
      %dma_wait3A_1194 = tpu.memref_slice %dma_wait3A_1192[%dma_wait3A_1179, %dma_wait3A_1193] : memref<8x200xi32, #tpu.memory_space<vmem>> -> memref<1x128xi32, #tpu.memory_space<vmem>>
      %dma_wait3A_1195 = tpu.memref_squeeze %dma_wait3A_1194 : memref<1x128xi32, #tpu.memory_space<vmem>> -> memref<128xi32, #tpu.memory_space<vmem>>
      %dma_wait3A_1196 = arith.constant 0 : i32
      %dma_wait3A_1197 = tpu.memref_slice %arg5[%dma_wait3A_1196] : memref<1048576xf32, #tpu.memory_space<vmem_shared>> -> memref<1048576xf32, #tpu.memory_space<vmem_shared>>
      tpu.wait_indirect_dma semaphore(%arg11 : memref<!tpu.dma_semaphore, #tpu.memory_space<semaphore_mem>>) src(%dma_wait3A_1197 : memref<1048576xf32, #tpu.memory_space<vmem_shared>>) dst(%dma_wait3A_1188 : memref<128xf32, #tpu.memory_space<vmem>>)
      %dma_wait3A_1198 = arith.constant 1 : i32
      %dma_wait3A_1199 = arith.constant 2 : i32
      %dma_wait3A_1200 = arith.constant 1 : i32
      %dma_wait3A_1201 = arith.constant 2 : i32
      %dma_wait3A_1202 = arith.constant 0 : i32
      %dma_wait3A_1203 = arith.constant 0 : i32
      %dma_wait3A_1204 = tpu.memref_slice %arg7[%dma_wait3A_1200, %dma_wait3A_1202, %dma_wait3A_1203] : memref<2x8x200xf32, #tpu.memory_space<vmem>> -> memref<1x8x200xf32, #tpu.memory_space<vmem>>
      %dma_wait3A_1205 = tpu.memref_squeeze %dma_wait3A_1204 : memref<1x8x200xf32, #tpu.memory_space<vmem>> -> memref<8x200xf32, #tpu.memory_space<vmem>>
      %dma_wait3A_1206 = arith.constant 128 : i32
      %dma_wait3A_1207 = tpu.memref_slice %dma_wait3A_1205[%dma_wait3A_1201, %dma_wait3A_1206] : memref<8x200xf32, #tpu.memory_space<vmem>> -> memref<1x72xf32, #tpu.memory_space<vmem>>
      %dma_wait3A_1208 = tpu.memref_squeeze %dma_wait3A_1207 : memref<1x72xf32, #tpu.memory_space<vmem>> -> memref<72xf32, #tpu.memory_space<vmem>>
      %dma_wait3A_1209 = arith.constant 0 : i32
      %dma_wait3A_1210 = arith.constant 0 : i32
      %dma_wait3A_1211 = tpu.memref_slice %arg6[%dma_wait3A_1198, %dma_wait3A_1209, %dma_wait3A_1210] : memref<2x8x200xi32, #tpu.memory_space<vmem>> -> memref<1x8x200xi32, #tpu.memory_space<vmem>>
      %dma_wait3A_1212 = tpu.memref_squeeze %dma_wait3A_1211 : memref<1x8x200xi32, #tpu.memory_space<vmem>> -> memref<8x200xi32, #tpu.memory_space<vmem>>
      %dma_wait3A_1213 = arith.constant 128 : i32
      %dma_wait3A_1214 = tpu.memref_slice %dma_wait3A_1212[%dma_wait3A_1199, %dma_wait3A_1213] : memref<8x200xi32, #tpu.memory_space<vmem>> -> memref<1x72xi32, #tpu.memory_space<vmem>>
      %dma_wait3A_1215 = tpu.memref_squeeze %dma_wait3A_1214 : memref<1x72xi32, #tpu.memory_space<vmem>> -> memref<72xi32, #tpu.memory_space<vmem>>
      %dma_wait3A_1216 = arith.constant 0 : i32
      %dma_wait3A_1217 = tpu.memref_slice %arg5[%dma_wait3A_1216] : memref<1048576xf32, #tpu.memory_space<vmem_shared>> -> memref<1048576xf32, #tpu.memory_space<vmem_shared>>
      tpu.wait_indirect_dma semaphore(%arg11 : memref<!tpu.dma_semaphore, #tpu.memory_space<semaphore_mem>>) src(%dma_wait3A_1217 : memref<1048576xf32, #tpu.memory_space<vmem_shared>>) dst(%dma_wait3A_1208 : memref<72xf32, #tpu.memory_space<vmem>>)
      %dma_wait3A_1218 = arith.constant 1 : i32
      %dma_wait3A_1219 = arith.constant 3 : i32
      %dma_wait3A_1220 = arith.constant 1 : i32
      %dma_wait3A_1221 = arith.constant 3 : i32
      %dma_wait3A_1222 = arith.constant 0 : i32
      %dma_wait3A_1223 = arith.constant 0 : i32
      %dma_wait3A_1224 = tpu.memref_slice %arg7[%dma_wait3A_1220, %dma_wait3A_1222, %dma_wait3A_1223] : memref<2x8x200xf32, #tpu.memory_space<vmem>> -> memref<1x8x200xf32, #tpu.memory_space<vmem>>
      %dma_wait3A_1225 = tpu.memref_squeeze %dma_wait3A_1224 : memref<1x8x200xf32, #tpu.memory_space<vmem>> -> memref<8x200xf32, #tpu.memory_space<vmem>>
      %dma_wait3A_1226 = arith.constant 0 : i32
      %dma_wait3A_1227 = tpu.memref_slice %dma_wait3A_1225[%dma_wait3A_1221, %dma_wait3A_1226] : memref<8x200xf32, #tpu.memory_space<vmem>> -> memref<1x128xf32, #tpu.memory_space<vmem>>
      %dma_wait3A_1228 = tpu.memref_squeeze %dma_wait3A_1227 : memref<1x128xf32, #tpu.memory_space<vmem>> -> memref<128xf32, #tpu.memory_space<vmem>>
      %dma_wait3A_1229 = arith.constant 0 : i32
      %dma_wait3A_1230 = arith.constant 0 : i32
      %dma_wait3A_1231 = tpu.memref_slice %arg6[%dma_wait3A_1218, %dma_wait3A_1229, %dma_wait3A_1230] : memref<2x8x200xi32, #tpu.memory_space<vmem>> -> memref<1x8x200xi32, #tpu.memory_space<vmem>>
      %dma_wait3A_1232 = tpu.memref_squeeze %dma_wait3A_1231 : memref<1x8x200xi32, #tpu.memory_space<vmem>> -> memref<8x200xi32, #tpu.memory_space<vmem>>
      %dma_wait3A_1233 = arith.constant 0 : i32
      %dma_wait3A_1234 = tpu.memref_slice %dma_wait3A_1232[%dma_wait3A_1219, %dma_wait3A_1233] : memref<8x200xi32, #tpu.memory_space<vmem>> -> memref<1x128xi32, #tpu.memory_space<vmem>>
      %dma_wait3A_1235 = tpu.memref_squeeze %dma_wait3A_1234 : memref<1x128xi32, #tpu.memory_space<vmem>> -> memref<128xi32, #tpu.memory_space<vmem>>
      %dma_wait3A_1236 = arith.constant 0 : i32
      %dma_wait3A_1237 = tpu.memref_slice %arg5[%dma_wait3A_1236] : memref<1048576xf32, #tpu.memory_space<vmem_shared>> -> memref<1048576xf32, #tpu.memory_space<vmem_shared>>
      tpu.wait_indirect_dma semaphore(%arg11 : memref<!tpu.dma_semaphore, #tpu.memory_space<semaphore_mem>>) src(%dma_wait3A_1237 : memref<1048576xf32, #tpu.memory_space<vmem_shared>>) dst(%dma_wait3A_1228 : memref<128xf32, #tpu.memory_space<vmem>>)
      %dma_wait3A_1238 = arith.constant 1 : i32
      %dma_wait3A_1239 = arith.constant 3 : i32
      %dma_wait3A_1240 = arith.constant 1 : i32
      %dma_wait3A_1241 = arith.constant 3 : i32
      %dma_wait3A_1242 = arith.constant 0 : i32
      %dma_wait3A_1243 = arith.constant 0 : i32
      %dma_wait3A_1244 = tpu.memref_slice %arg7[%dma_wait3A_1240, %dma_wait3A_1242, %dma_wait3A_1243] : memref<2x8x200xf32, #tpu.memory_space<vmem>> -> memref<1x8x200xf32, #tpu.memory_space<vmem>>
      %dma_wait3A_1245 = tpu.memref_squeeze %dma_wait3A_1244 : memref<1x8x200xf32, #tpu.memory_space<vmem>> -> memref<8x200xf32, #tpu.memory_space<vmem>>
      %dma_wait3A_1246 = arith.constant 128 : i32
      %dma_wait3A_1247 = tpu.memref_slice %dma_wait3A_1245[%dma_wait3A_1241, %dma_wait3A_1246] : memref<8x200xf32, #tpu.memory_space<vmem>> -> memref<1x72xf32, #tpu.memory_space<vmem>>
      %dma_wait3A_1248 = tpu.memref_squeeze %dma_wait3A_1247 : memref<1x72xf32, #tpu.memory_space<vmem>> -> memref<72xf32, #tpu.memory_space<vmem>>
      %dma_wait3A_1249 = arith.constant 0 : i32
      %dma_wait3A_1250 = arith.constant 0 : i32
      %dma_wait3A_1251 = tpu.memref_slice %arg6[%dma_wait3A_1238, %dma_wait3A_1249, %dma_wait3A_1250] : memref<2x8x200xi32, #tpu.memory_space<vmem>> -> memref<1x8x200xi32, #tpu.memory_space<vmem>>
      %dma_wait3A_1252 = tpu.memref_squeeze %dma_wait3A_1251 : memref<1x8x200xi32, #tpu.memory_space<vmem>> -> memref<8x200xi32, #tpu.memory_space<vmem>>
      %dma_wait3A_1253 = arith.constant 128 : i32
      %dma_wait3A_1254 = tpu.memref_slice %dma_wait3A_1252[%dma_wait3A_1239, %dma_wait3A_1253] : memref<8x200xi32, #tpu.memory_space<vmem>> -> memref<1x72xi32, #tpu.memory_space<vmem>>
      %dma_wait3A_1255 = tpu.memref_squeeze %dma_wait3A_1254 : memref<1x72xi32, #tpu.memory_space<vmem>> -> memref<72xi32, #tpu.memory_space<vmem>>
      %dma_wait3A_1256 = arith.constant 0 : i32
      %dma_wait3A_1257 = tpu.memref_slice %arg5[%dma_wait3A_1256] : memref<1048576xf32, #tpu.memory_space<vmem_shared>> -> memref<1048576xf32, #tpu.memory_space<vmem_shared>>
      tpu.wait_indirect_dma semaphore(%arg11 : memref<!tpu.dma_semaphore, #tpu.memory_space<semaphore_mem>>) src(%dma_wait3A_1257 : memref<1048576xf32, #tpu.memory_space<vmem_shared>>) dst(%dma_wait3A_1248 : memref<72xf32, #tpu.memory_space<vmem>>)
      %dma_wait3A_1258 = arith.constant 1 : i32
      %dma_wait3A_1259 = arith.constant 4 : i32
      %dma_wait3A_1260 = arith.constant 1 : i32
      %dma_wait3A_1261 = arith.constant 4 : i32
      %dma_wait3A_1262 = arith.constant 0 : i32
      %dma_wait3A_1263 = arith.constant 0 : i32
      %dma_wait3A_1264 = tpu.memref_slice %arg7[%dma_wait3A_1260, %dma_wait3A_1262, %dma_wait3A_1263] : memref<2x8x200xf32, #tpu.memory_space<vmem>> -> memref<1x8x200xf32, #tpu.memory_space<vmem>>
      %dma_wait3A_1265 = tpu.memref_squeeze %dma_wait3A_1264 : memref<1x8x200xf32, #tpu.memory_space<vmem>> -> memref<8x200xf32, #tpu.memory_space<vmem>>
      %dma_wait3A_1266 = arith.constant 0 : i32
      %dma_wait3A_1267 = tpu.memref_slice %dma_wait3A_1265[%dma_wait3A_1261, %dma_wait3A_1266] : memref<8x200xf32, #tpu.memory_space<vmem>> -> memref<1x128xf32, #tpu.memory_space<vmem>>
      %dma_wait3A_1268 = tpu.memref_squeeze %dma_wait3A_1267 : memref<1x128xf32, #tpu.memory_space<vmem>> -> memref<128xf32, #tpu.memory_space<vmem>>
      %dma_wait3A_1269 = arith.constant 0 : i32
      %dma_wait3A_1270 = arith.constant 0 : i32
      %dma_wait3A_1271 = tpu.memref_slice %arg6[%dma_wait3A_1258, %dma_wait3A_1269, %dma_wait3A_1270] : memref<2x8x200xi32, #tpu.memory_space<vmem>> -> memref<1x8x200xi32, #tpu.memory_space<vmem>>
      %dma_wait3A_1272 = tpu.memref_squeeze %dma_wait3A_1271 : memref<1x8x200xi32, #tpu.memory_space<vmem>> -> memref<8x200xi32, #tpu.memory_space<vmem>>
      %dma_wait3A_1273 = arith.constant 0 : i32
      %dma_wait3A_1274 = tpu.memref_slice %dma_wait3A_1272[%dma_wait3A_1259, %dma_wait3A_1273] : memref<8x200xi32, #tpu.memory_space<vmem>> -> memref<1x128xi32, #tpu.memory_space<vmem>>
      %dma_wait3A_1275 = tpu.memref_squeeze %dma_wait3A_1274 : memref<1x128xi32, #tpu.memory_space<vmem>> -> memref<128xi32, #tpu.memory_space<vmem>>
      %dma_wait3A_1276 = arith.constant 0 : i32
      %dma_wait3A_1277 = tpu.memref_slice %arg5[%dma_wait3A_1276] : memref<1048576xf32, #tpu.memory_space<vmem_shared>> -> memref<1048576xf32, #tpu.memory_space<vmem_shared>>
      tpu.wait_indirect_dma semaphore(%arg11 : memref<!tpu.dma_semaphore, #tpu.memory_space<semaphore_mem>>) src(%dma_wait3A_1277 : memref<1048576xf32, #tpu.memory_space<vmem_shared>>) dst(%dma_wait3A_1268 : memref<128xf32, #tpu.memory_space<vmem>>)
      %dma_wait3A_1278 = arith.constant 1 : i32
      %dma_wait3A_1279 = arith.constant 4 : i32
      %dma_wait3A_1280 = arith.constant 1 : i32
      %dma_wait3A_1281 = arith.constant 4 : i32
      %dma_wait3A_1282 = arith.constant 0 : i32
      %dma_wait3A_1283 = arith.constant 0 : i32
      %dma_wait3A_1284 = tpu.memref_slice %arg7[%dma_wait3A_1280, %dma_wait3A_1282, %dma_wait3A_1283] : memref<2x8x200xf32, #tpu.memory_space<vmem>> -> memref<1x8x200xf32, #tpu.memory_space<vmem>>
      %dma_wait3A_1285 = tpu.memref_squeeze %dma_wait3A_1284 : memref<1x8x200xf32, #tpu.memory_space<vmem>> -> memref<8x200xf32, #tpu.memory_space<vmem>>
      %dma_wait3A_1286 = arith.constant 128 : i32
      %dma_wait3A_1287 = tpu.memref_slice %dma_wait3A_1285[%dma_wait3A_1281, %dma_wait3A_1286] : memref<8x200xf32, #tpu.memory_space<vmem>> -> memref<1x72xf32, #tpu.memory_space<vmem>>
      %dma_wait3A_1288 = tpu.memref_squeeze %dma_wait3A_1287 : memref<1x72xf32, #tpu.memory_space<vmem>> -> memref<72xf32, #tpu.memory_space<vmem>>
      %dma_wait3A_1289 = arith.constant 0 : i32
      %dma_wait3A_1290 = arith.constant 0 : i32
      %dma_wait3A_1291 = tpu.memref_slice %arg6[%dma_wait3A_1278, %dma_wait3A_1289, %dma_wait3A_1290] : memref<2x8x200xi32, #tpu.memory_space<vmem>> -> memref<1x8x200xi32, #tpu.memory_space<vmem>>
      %dma_wait3A_1292 = tpu.memref_squeeze %dma_wait3A_1291 : memref<1x8x200xi32, #tpu.memory_space<vmem>> -> memref<8x200xi32, #tpu.memory_space<vmem>>
      %dma_wait3A_1293 = arith.constant 128 : i32
      %dma_wait3A_1294 = tpu.memref_slice %dma_wait3A_1292[%dma_wait3A_1279, %dma_wait3A_1293] : memref<8x200xi32, #tpu.memory_space<vmem>> -> memref<1x72xi32, #tpu.memory_space<vmem>>
      %dma_wait3A_1295 = tpu.memref_squeeze %dma_wait3A_1294 : memref<1x72xi32, #tpu.memory_space<vmem>> -> memref<72xi32, #tpu.memory_space<vmem>>
      %dma_wait3A_1296 = arith.constant 0 : i32
      %dma_wait3A_1297 = tpu.memref_slice %arg5[%dma_wait3A_1296] : memref<1048576xf32, #tpu.memory_space<vmem_shared>> -> memref<1048576xf32, #tpu.memory_space<vmem_shared>>
      tpu.wait_indirect_dma semaphore(%arg11 : memref<!tpu.dma_semaphore, #tpu.memory_space<semaphore_mem>>) src(%dma_wait3A_1297 : memref<1048576xf32, #tpu.memory_space<vmem_shared>>) dst(%dma_wait3A_1288 : memref<72xf32, #tpu.memory_space<vmem>>)
      %dma_wait3A_1298 = arith.constant 1 : i32
      %dma_wait3A_1299 = arith.constant 5 : i32
      %dma_wait3A_1300 = arith.constant 1 : i32
      %dma_wait3A_1301 = arith.constant 5 : i32
      %dma_wait3A_1302 = arith.constant 0 : i32
      %dma_wait3A_1303 = arith.constant 0 : i32
      %dma_wait3A_1304 = tpu.memref_slice %arg7[%dma_wait3A_1300, %dma_wait3A_1302, %dma_wait3A_1303] : memref<2x8x200xf32, #tpu.memory_space<vmem>> -> memref<1x8x200xf32, #tpu.memory_space<vmem>>
      %dma_wait3A_1305 = tpu.memref_squeeze %dma_wait3A_1304 : memref<1x8x200xf32, #tpu.memory_space<vmem>> -> memref<8x200xf32, #tpu.memory_space<vmem>>
      %dma_wait3A_1306 = arith.constant 0 : i32
      %dma_wait3A_1307 = tpu.memref_slice %dma_wait3A_1305[%dma_wait3A_1301, %dma_wait3A_1306] : memref<8x200xf32, #tpu.memory_space<vmem>> -> memref<1x128xf32, #tpu.memory_space<vmem>>
      %dma_wait3A_1308 = tpu.memref_squeeze %dma_wait3A_1307 : memref<1x128xf32, #tpu.memory_space<vmem>> -> memref<128xf32, #tpu.memory_space<vmem>>
      %dma_wait3A_1309 = arith.constant 0 : i32
      %dma_wait3A_1310 = arith.constant 0 : i32
      %dma_wait3A_1311 = tpu.memref_slice %arg6[%dma_wait3A_1298, %dma_wait3A_1309, %dma_wait3A_1310] : memref<2x8x200xi32, #tpu.memory_space<vmem>> -> memref<1x8x200xi32, #tpu.memory_space<vmem>>
      %dma_wait3A_1312 = tpu.memref_squeeze %dma_wait3A_1311 : memref<1x8x200xi32, #tpu.memory_space<vmem>> -> memref<8x200xi32, #tpu.memory_space<vmem>>
      %dma_wait3A_1313 = arith.constant 0 : i32
      %dma_wait3A_1314 = tpu.memref_slice %dma_wait3A_1312[%dma_wait3A_1299, %dma_wait3A_1313] : memref<8x200xi32, #tpu.memory_space<vmem>> -> memref<1x128xi32, #tpu.memory_space<vmem>>
      %dma_wait3A_1315 = tpu.memref_squeeze %dma_wait3A_1314 : memref<1x128xi32, #tpu.memory_space<vmem>> -> memref<128xi32, #tpu.memory_space<vmem>>
      %dma_wait3A_1316 = arith.constant 0 : i32
      %dma_wait3A_1317 = tpu.memref_slice %arg5[%dma_wait3A_1316] : memref<1048576xf32, #tpu.memory_space<vmem_shared>> -> memref<1048576xf32, #tpu.memory_space<vmem_shared>>
      tpu.wait_indirect_dma semaphore(%arg11 : memref<!tpu.dma_semaphore, #tpu.memory_space<semaphore_mem>>) src(%dma_wait3A_1317 : memref<1048576xf32, #tpu.memory_space<vmem_shared>>) dst(%dma_wait3A_1308 : memref<128xf32, #tpu.memory_space<vmem>>)
      %dma_wait3A_1318 = arith.constant 1 : i32
      %dma_wait3A_1319 = arith.constant 5 : i32
      %dma_wait3A_1320 = arith.constant 1 : i32
      %dma_wait3A_1321 = arith.constant 5 : i32
      %dma_wait3A_1322 = arith.constant 0 : i32
      %dma_wait3A_1323 = arith.constant 0 : i32
      %dma_wait3A_1324 = tpu.memref_slice %arg7[%dma_wait3A_1320, %dma_wait3A_1322, %dma_wait3A_1323] : memref<2x8x200xf32, #tpu.memory_space<vmem>> -> memref<1x8x200xf32, #tpu.memory_space<vmem>>
      %dma_wait3A_1325 = tpu.memref_squeeze %dma_wait3A_1324 : memref<1x8x200xf32, #tpu.memory_space<vmem>> -> memref<8x200xf32, #tpu.memory_space<vmem>>
      %dma_wait3A_1326 = arith.constant 128 : i32
      %dma_wait3A_1327 = tpu.memref_slice %dma_wait3A_1325[%dma_wait3A_1321, %dma_wait3A_1326] : memref<8x200xf32, #tpu.memory_space<vmem>> -> memref<1x72xf32, #tpu.memory_space<vmem>>
      %dma_wait3A_1328 = tpu.memref_squeeze %dma_wait3A_1327 : memref<1x72xf32, #tpu.memory_space<vmem>> -> memref<72xf32, #tpu.memory_space<vmem>>
      %dma_wait3A_1329 = arith.constant 0 : i32
      %dma_wait3A_1330 = arith.constant 0 : i32
      %dma_wait3A_1331 = tpu.memref_slice %arg6[%dma_wait3A_1318, %dma_wait3A_1329, %dma_wait3A_1330] : memref<2x8x200xi32, #tpu.memory_space<vmem>> -> memref<1x8x200xi32, #tpu.memory_space<vmem>>
      %dma_wait3A_1332 = tpu.memref_squeeze %dma_wait3A_1331 : memref<1x8x200xi32, #tpu.memory_space<vmem>> -> memref<8x200xi32, #tpu.memory_space<vmem>>
      %dma_wait3A_1333 = arith.constant 128 : i32
      %dma_wait3A_1334 = tpu.memref_slice %dma_wait3A_1332[%dma_wait3A_1319, %dma_wait3A_1333] : memref<8x200xi32, #tpu.memory_space<vmem>> -> memref<1x72xi32, #tpu.memory_space<vmem>>
      %dma_wait3A_1335 = tpu.memref_squeeze %dma_wait3A_1334 : memref<1x72xi32, #tpu.memory_space<vmem>> -> memref<72xi32, #tpu.memory_space<vmem>>
      %dma_wait3A_1336 = arith.constant 0 : i32
      %dma_wait3A_1337 = tpu.memref_slice %arg5[%dma_wait3A_1336] : memref<1048576xf32, #tpu.memory_space<vmem_shared>> -> memref<1048576xf32, #tpu.memory_space<vmem_shared>>
      tpu.wait_indirect_dma semaphore(%arg11 : memref<!tpu.dma_semaphore, #tpu.memory_space<semaphore_mem>>) src(%dma_wait3A_1337 : memref<1048576xf32, #tpu.memory_space<vmem_shared>>) dst(%dma_wait3A_1328 : memref<72xf32, #tpu.memory_space<vmem>>)
      %dma_wait3A_1338 = arith.constant 1 : i32
      %dma_wait3A_1339 = arith.constant 6 : i32
      %dma_wait3A_1340 = arith.constant 1 : i32
      %dma_wait3A_1341 = arith.constant 6 : i32
      %dma_wait3A_1342 = arith.constant 0 : i32
      %dma_wait3A_1343 = arith.constant 0 : i32
      %dma_wait3A_1344 = tpu.memref_slice %arg7[%dma_wait3A_1340, %dma_wait3A_1342, %dma_wait3A_1343] : memref<2x8x200xf32, #tpu.memory_space<vmem>> -> memref<1x8x200xf32, #tpu.memory_space<vmem>>
      %dma_wait3A_1345 = tpu.memref_squeeze %dma_wait3A_1344 : memref<1x8x200xf32, #tpu.memory_space<vmem>> -> memref<8x200xf32, #tpu.memory_space<vmem>>
      %dma_wait3A_1346 = arith.constant 0 : i32
      %dma_wait3A_1347 = tpu.memref_slice %dma_wait3A_1345[%dma_wait3A_1341, %dma_wait3A_1346] : memref<8x200xf32, #tpu.memory_space<vmem>> -> memref<1x128xf32, #tpu.memory_space<vmem>>
      %dma_wait3A_1348 = tpu.memref_squeeze %dma_wait3A_1347 : memref<1x128xf32, #tpu.memory_space<vmem>> -> memref<128xf32, #tpu.memory_space<vmem>>
      %dma_wait3A_1349 = arith.constant 0 : i32
      %dma_wait3A_1350 = arith.constant 0 : i32
      %dma_wait3A_1351 = tpu.memref_slice %arg6[%dma_wait3A_1338, %dma_wait3A_1349, %dma_wait3A_1350] : memref<2x8x200xi32, #tpu.memory_space<vmem>> -> memref<1x8x200xi32, #tpu.memory_space<vmem>>
      %dma_wait3A_1352 = tpu.memref_squeeze %dma_wait3A_1351 : memref<1x8x200xi32, #tpu.memory_space<vmem>> -> memref<8x200xi32, #tpu.memory_space<vmem>>
      %dma_wait3A_1353 = arith.constant 0 : i32
      %dma_wait3A_1354 = tpu.memref_slice %dma_wait3A_1352[%dma_wait3A_1339, %dma_wait3A_1353] : memref<8x200xi32, #tpu.memory_space<vmem>> -> memref<1x128xi32, #tpu.memory_space<vmem>>
      %dma_wait3A_1355 = tpu.memref_squeeze %dma_wait3A_1354 : memref<1x128xi32, #tpu.memory_space<vmem>> -> memref<128xi32, #tpu.memory_space<vmem>>
      %dma_wait3A_1356 = arith.constant 0 : i32
      %dma_wait3A_1357 = tpu.memref_slice %arg5[%dma_wait3A_1356] : memref<1048576xf32, #tpu.memory_space<vmem_shared>> -> memref<1048576xf32, #tpu.memory_space<vmem_shared>>
      tpu.wait_indirect_dma semaphore(%arg11 : memref<!tpu.dma_semaphore, #tpu.memory_space<semaphore_mem>>) src(%dma_wait3A_1357 : memref<1048576xf32, #tpu.memory_space<vmem_shared>>) dst(%dma_wait3A_1348 : memref<128xf32, #tpu.memory_space<vmem>>)
      %dma_wait3A_1358 = arith.constant 1 : i32
      %dma_wait3A_1359 = arith.constant 6 : i32
      %dma_wait3A_1360 = arith.constant 1 : i32
      %dma_wait3A_1361 = arith.constant 6 : i32
      %dma_wait3A_1362 = arith.constant 0 : i32
      %dma_wait3A_1363 = arith.constant 0 : i32
      %dma_wait3A_1364 = tpu.memref_slice %arg7[%dma_wait3A_1360, %dma_wait3A_1362, %dma_wait3A_1363] : memref<2x8x200xf32, #tpu.memory_space<vmem>> -> memref<1x8x200xf32, #tpu.memory_space<vmem>>
      %dma_wait3A_1365 = tpu.memref_squeeze %dma_wait3A_1364 : memref<1x8x200xf32, #tpu.memory_space<vmem>> -> memref<8x200xf32, #tpu.memory_space<vmem>>
      %dma_wait3A_1366 = arith.constant 128 : i32
      %dma_wait3A_1367 = tpu.memref_slice %dma_wait3A_1365[%dma_wait3A_1361, %dma_wait3A_1366] : memref<8x200xf32, #tpu.memory_space<vmem>> -> memref<1x72xf32, #tpu.memory_space<vmem>>
      %dma_wait3A_1368 = tpu.memref_squeeze %dma_wait3A_1367 : memref<1x72xf32, #tpu.memory_space<vmem>> -> memref<72xf32, #tpu.memory_space<vmem>>
      %dma_wait3A_1369 = arith.constant 0 : i32
      %dma_wait3A_1370 = arith.constant 0 : i32
      %dma_wait3A_1371 = tpu.memref_slice %arg6[%dma_wait3A_1358, %dma_wait3A_1369, %dma_wait3A_1370] : memref<2x8x200xi32, #tpu.memory_space<vmem>> -> memref<1x8x200xi32, #tpu.memory_space<vmem>>
      %dma_wait3A_1372 = tpu.memref_squeeze %dma_wait3A_1371 : memref<1x8x200xi32, #tpu.memory_space<vmem>> -> memref<8x200xi32, #tpu.memory_space<vmem>>
      %dma_wait3A_1373 = arith.constant 128 : i32
      %dma_wait3A_1374 = tpu.memref_slice %dma_wait3A_1372[%dma_wait3A_1359, %dma_wait3A_1373] : memref<8x200xi32, #tpu.memory_space<vmem>> -> memref<1x72xi32, #tpu.memory_space<vmem>>
      %dma_wait3A_1375 = tpu.memref_squeeze %dma_wait3A_1374 : memref<1x72xi32, #tpu.memory_space<vmem>> -> memref<72xi32, #tpu.memory_space<vmem>>
      %dma_wait3A_1376 = arith.constant 0 : i32
      %dma_wait3A_1377 = tpu.memref_slice %arg5[%dma_wait3A_1376] : memref<1048576xf32, #tpu.memory_space<vmem_shared>> -> memref<1048576xf32, #tpu.memory_space<vmem_shared>>
      tpu.wait_indirect_dma semaphore(%arg11 : memref<!tpu.dma_semaphore, #tpu.memory_space<semaphore_mem>>) src(%dma_wait3A_1377 : memref<1048576xf32, #tpu.memory_space<vmem_shared>>) dst(%dma_wait3A_1368 : memref<72xf32, #tpu.memory_space<vmem>>)
      %dma_wait3A_1378 = arith.constant 1 : i32
      %dma_wait3A_1379 = arith.constant 7 : i32
      %dma_wait3A_1380 = arith.constant 1 : i32
      %dma_wait3A_1381 = arith.constant 7 : i32
      %dma_wait3A_1382 = arith.constant 0 : i32
      %dma_wait3A_1383 = arith.constant 0 : i32
      %dma_wait3A_1384 = tpu.memref_slice %arg7[%dma_wait3A_1380, %dma_wait3A_1382, %dma_wait3A_1383] : memref<2x8x200xf32, #tpu.memory_space<vmem>> -> memref<1x8x200xf32, #tpu.memory_space<vmem>>
      %dma_wait3A_1385 = tpu.memref_squeeze %dma_wait3A_1384 : memref<1x8x200xf32, #tpu.memory_space<vmem>> -> memref<8x200xf32, #tpu.memory_space<vmem>>
      %dma_wait3A_1386 = arith.constant 0 : i32
      %dma_wait3A_1387 = tpu.memref_slice %dma_wait3A_1385[%dma_wait3A_1381, %dma_wait3A_1386] : memref<8x200xf32, #tpu.memory_space<vmem>> -> memref<1x128xf32, #tpu.memory_space<vmem>>
      %dma_wait3A_1388 = tpu.memref_squeeze %dma_wait3A_1387 : memref<1x128xf32, #tpu.memory_space<vmem>> -> memref<128xf32, #tpu.memory_space<vmem>>
      %dma_wait3A_1389 = arith.constant 0 : i32
      %dma_wait3A_1390 = arith.constant 0 : i32
      %dma_wait3A_1391 = tpu.memref_slice %arg6[%dma_wait3A_1378, %dma_wait3A_1389, %dma_wait3A_1390] : memref<2x8x200xi32, #tpu.memory_space<vmem>> -> memref<1x8x200xi32, #tpu.memory_space<vmem>>
      %dma_wait3A_1392 = tpu.memref_squeeze %dma_wait3A_1391 : memref<1x8x200xi32, #tpu.memory_space<vmem>> -> memref<8x200xi32, #tpu.memory_space<vmem>>
      %dma_wait3A_1393 = arith.constant 0 : i32
      %dma_wait3A_1394 = tpu.memref_slice %dma_wait3A_1392[%dma_wait3A_1379, %dma_wait3A_1393] : memref<8x200xi32, #tpu.memory_space<vmem>> -> memref<1x128xi32, #tpu.memory_space<vmem>>
      %dma_wait3A_1395 = tpu.memref_squeeze %dma_wait3A_1394 : memref<1x128xi32, #tpu.memory_space<vmem>> -> memref<128xi32, #tpu.memory_space<vmem>>
      %dma_wait3A_1396 = arith.constant 0 : i32
      %dma_wait3A_1397 = tpu.memref_slice %arg5[%dma_wait3A_1396] : memref<1048576xf32, #tpu.memory_space<vmem_shared>> -> memref<1048576xf32, #tpu.memory_space<vmem_shared>>
      tpu.wait_indirect_dma semaphore(%arg11 : memref<!tpu.dma_semaphore, #tpu.memory_space<semaphore_mem>>) src(%dma_wait3A_1397 : memref<1048576xf32, #tpu.memory_space<vmem_shared>>) dst(%dma_wait3A_1388 : memref<128xf32, #tpu.memory_space<vmem>>)
      %dma_wait3A_1398 = arith.constant 1 : i32
      %dma_wait3A_1399 = arith.constant 7 : i32
      %dma_wait3A_1400 = arith.constant 1 : i32
      %dma_wait3A_1401 = arith.constant 7 : i32
      %dma_wait3A_1402 = arith.constant 0 : i32
      %dma_wait3A_1403 = arith.constant 0 : i32
      %dma_wait3A_1404 = tpu.memref_slice %arg7[%dma_wait3A_1400, %dma_wait3A_1402, %dma_wait3A_1403] : memref<2x8x200xf32, #tpu.memory_space<vmem>> -> memref<1x8x200xf32, #tpu.memory_space<vmem>>
      %dma_wait3A_1405 = tpu.memref_squeeze %dma_wait3A_1404 : memref<1x8x200xf32, #tpu.memory_space<vmem>> -> memref<8x200xf32, #tpu.memory_space<vmem>>
      %dma_wait3A_1406 = arith.constant 128 : i32
      %dma_wait3A_1407 = tpu.memref_slice %dma_wait3A_1405[%dma_wait3A_1401, %dma_wait3A_1406] : memref<8x200xf32, #tpu.memory_space<vmem>> -> memref<1x72xf32, #tpu.memory_space<vmem>>
      %dma_wait3A_1408 = tpu.memref_squeeze %dma_wait3A_1407 : memref<1x72xf32, #tpu.memory_space<vmem>> -> memref<72xf32, #tpu.memory_space<vmem>>
      %dma_wait3A_1409 = arith.constant 0 : i32
      %dma_wait3A_1410 = arith.constant 0 : i32
      %dma_wait3A_1411 = tpu.memref_slice %arg6[%dma_wait3A_1398, %dma_wait3A_1409, %dma_wait3A_1410] : memref<2x8x200xi32, #tpu.memory_space<vmem>> -> memref<1x8x200xi32, #tpu.memory_space<vmem>>
      %dma_wait3A_1412 = tpu.memref_squeeze %dma_wait3A_1411 : memref<1x8x200xi32, #tpu.memory_space<vmem>> -> memref<8x200xi32, #tpu.memory_space<vmem>>
      %dma_wait3A_1413 = arith.constant 128 : i32
      %dma_wait3A_1414 = tpu.memref_slice %dma_wait3A_1412[%dma_wait3A_1399, %dma_wait3A_1413] : memref<8x200xi32, #tpu.memory_space<vmem>> -> memref<1x72xi32, #tpu.memory_space<vmem>>
      %dma_wait3A_1415 = tpu.memref_squeeze %dma_wait3A_1414 : memref<1x72xi32, #tpu.memory_space<vmem>> -> memref<72xi32, #tpu.memory_space<vmem>>
      %dma_wait3A_1416 = arith.constant 0 : i32
      %dma_wait3A_1417 = tpu.memref_slice %arg5[%dma_wait3A_1416] : memref<1048576xf32, #tpu.memory_space<vmem_shared>> -> memref<1048576xf32, #tpu.memory_space<vmem_shared>>
      tpu.wait_indirect_dma semaphore(%arg11 : memref<!tpu.dma_semaphore, #tpu.memory_space<semaphore_mem>>) src(%dma_wait3A_1417 : memref<1048576xf32, #tpu.memory_space<vmem_shared>>) dst(%dma_wait3A_1408 : memref<72xf32, #tpu.memory_space<vmem>>)
      %lt3A_1418 = arith.constant 31 : i32
      %lt3A_1419 = arith.cmpi slt, %scan3A_70, %lt3A_1418 : i32
      %convert_element_type3A_1420 = arith.extui %lt3A_1419 : i1 to i32
      %cond3A_1421 = arith.constant 0 : i32
      %cond3A_1422 = arith.cmpi ne, %convert_element_type3A_1420, %cond3A_1421 : i32
      scf.if %cond3A_1422 {
        %add3A_1439 = arith.constant 2 : i32
        %add3A_1440 = arith.addi %add3A_756, %add3A_1439 : i32
        %mul3A_1441 = arith.constant 8 : i32
        %mul3A_1442 = arith.muli %add3A_1440, %mul3A_1441 : i32
        %add3A_1443 = arith.addi %mul3A_2, %mul3A_1442 : i32
        %dma_start3A_1444 = arith.constant 1 : i32
        %dma_start3A_1445 = arith.constant 0 : i32
        %dma_start3A_1446 = arith.constant 0 : i32
        %dma_start3A_1447 = tpu.memref_slice %arg6[%dma_start3A_1444, %dma_start3A_1445, %dma_start3A_1446] : memref<2x8x200xi32, #tpu.memory_space<vmem>> -> memref<1x8x200xi32, #tpu.memory_space<vmem>>
        %dma_start3A_1448 = tpu.memref_squeeze %dma_start3A_1447 : memref<1x8x200xi32, #tpu.memory_space<vmem>> -> memref<8x200xi32, #tpu.memory_space<vmem>>
        %dma_start3A_1449 = arith.constant 0 : i32
        %dma_start3A_1450 = tpu.memref_slice %arg3[%add3A_1443, %dma_start3A_1449] : memref<16384x200xi32, #tpu.memory_space<hbm>> -> memref<8x200xi32, #tpu.memory_space<hbm>>
        %dma_start3A_1451 = arith.constant 0 : i32
        %dma_start3A_1452 = arith.constant 0 : i32
        %dma_start3A_1453 = tpu.memref_slice %arg6[%dma_start3A_1444, %dma_start3A_1451, %dma_start3A_1452] : memref<2x8x200xi32, #tpu.memory_space<vmem>> -> memref<1x8x200xi32, #tpu.memory_space<vmem>>
        %dma_start3A_1454 = tpu.memref_squeeze %dma_start3A_1453 : memref<1x8x200xi32, #tpu.memory_space<vmem>> -> memref<8x200xi32, #tpu.memory_space<vmem>>
        %dma_start3A_1455 = arith.constant 0 : i32
        %dma_start3A_1456 = tpu.memref_slice %arg3[%add3A_1443, %dma_start3A_1455] : memref<16384x200xi32, #tpu.memory_space<hbm>> -> memref<8x200xi32, #tpu.memory_space<hbm>>
        tpu.enqueue_dma source(%dma_start3A_1456 : memref<8x200xi32, #tpu.memory_space<hbm>>) target(%dma_start3A_1454 : memref<8x200xi32, #tpu.memory_space<vmem>>) target_semaphore(%arg9 : memref<!tpu.dma_semaphore, #tpu.memory_space<semaphore_mem>>)
      } else {
      }
      %mul3A_1423 = arith.constant 8 : i32
      %mul3A_1424 = arith.muli %add3A_756, %mul3A_1423 : i32
      %add3A_1425 = arith.addi %mul3A_2, %mul3A_1424 : i32
      %dma_start3A_1426 = arith.constant 1 : i32
      %dma_start3A_1427 = arith.constant 0 : i32
      %dma_start3A_1428 = arith.constant 0 : i32
      %dma_start3A_1429 = tpu.memref_slice %arg7[%dma_start3A_1426, %dma_start3A_1427, %dma_start3A_1428] : memref<2x8x200xf32, #tpu.memory_space<vmem>> -> memref<1x8x200xf32, #tpu.memory_space<vmem>>
      %dma_start3A_1430 = tpu.memref_squeeze %dma_start3A_1429 : memref<1x8x200xf32, #tpu.memory_space<vmem>> -> memref<8x200xf32, #tpu.memory_space<vmem>>
      %dma_start3A_1431 = arith.constant 0 : i32
      %dma_start3A_1432 = tpu.memref_slice %arg4[%add3A_1425, %dma_start3A_1431] : memref<16384x200xf32, #tpu.memory_space<hbm>> -> memref<8x200xf32, #tpu.memory_space<hbm>>
      %dma_start3A_1433 = arith.constant 0 : i32
      %dma_start3A_1434 = tpu.memref_slice %arg4[%add3A_1425, %dma_start3A_1433] : memref<16384x200xf32, #tpu.memory_space<hbm>> -> memref<8x200xf32, #tpu.memory_space<hbm>>
      %dma_start3A_1435 = arith.constant 0 : i32
      %dma_start3A_1436 = arith.constant 0 : i32
      %dma_start3A_1437 = tpu.memref_slice %arg7[%dma_start3A_1426, %dma_start3A_1435, %dma_start3A_1436] : memref<2x8x200xf32, #tpu.memory_space<vmem>> -> memref<1x8x200xf32, #tpu.memory_space<vmem>>
      %dma_start3A_1438 = tpu.memref_squeeze %dma_start3A_1437 : memref<1x8x200xf32, #tpu.memory_space<vmem>> -> memref<8x200xf32, #tpu.memory_space<vmem>>
      tpu.enqueue_dma source(%dma_start3A_1438 : memref<8x200xf32, #tpu.memory_space<vmem>>) target(%dma_start3A_1434 : memref<8x200xf32, #tpu.memory_space<hbm>>) target_semaphore(%arg13 : memref<!tpu.dma_semaphore, #tpu.memory_space<semaphore_mem>>)
    }
    %scan3A_40 = arith.constant 32 : i32
    %add3A_41 = arith.constant 496 : i32
    %add3A_42 = arith.addi %mul3A_2, %add3A_41 : i32
    %dma_wait3A = arith.constant 0 : i32
    %dma_wait3A_43 = arith.constant 0 : i32
    %dma_wait3A_44 = arith.constant 0 : i32
    %dma_wait3A_45 = tpu.memref_slice %arg7[%dma_wait3A, %dma_wait3A_43, %dma_wait3A_44] : memref<2x8x200xf32, #tpu.memory_space<vmem>> -> memref<1x8x200xf32, #tpu.memory_space<vmem>>
    %dma_wait3A_46 = tpu.memref_squeeze %dma_wait3A_45 : memref<1x8x200xf32, #tpu.memory_space<vmem>> -> memref<8x200xf32, #tpu.memory_space<vmem>>
    %dma_wait3A_47 = arith.constant 0 : i32
    %dma_wait3A_48 = tpu.memref_slice %arg4[%add3A_42, %dma_wait3A_47] : memref<16384x200xf32, #tpu.memory_space<hbm>> -> memref<8x200xf32, #tpu.memory_space<hbm>>
    %dma_wait3A_49 = arith.constant 0 : i32
    %dma_wait3A_50 = tpu.memref_slice %arg4[%add3A_42, %dma_wait3A_49] : memref<16384x200xf32, #tpu.memory_space<hbm>> -> memref<8x200xf32, #tpu.memory_space<hbm>>
    %dma_wait3A_51 = arith.constant 0 : i32
    %dma_wait3A_52 = arith.constant 0 : i32
    %dma_wait3A_53 = tpu.memref_slice %arg7[%dma_wait3A, %dma_wait3A_51, %dma_wait3A_52] : memref<2x8x200xf32, #tpu.memory_space<vmem>> -> memref<1x8x200xf32, #tpu.memory_space<vmem>>
    %dma_wait3A_54 = tpu.memref_squeeze %dma_wait3A_53 : memref<1x8x200xf32, #tpu.memory_space<vmem>> -> memref<8x200xf32, #tpu.memory_space<vmem>>
    tpu.wait_dma2 semaphore(%arg12 : memref<!tpu.dma_semaphore, #tpu.memory_space<semaphore_mem>>) src(%dma_wait3A_54 : memref<8x200xf32, #tpu.memory_space<vmem>>) dst(%dma_wait3A_50 : memref<8x200xf32, #tpu.memory_space<hbm>>)
    %add3A_55 = arith.constant 504 : i32
    %add3A_56 = arith.addi %mul3A_2, %add3A_55 : i32
    %dma_wait3A_57 = arith.constant 1 : i32
    %dma_wait3A_58 = arith.constant 0 : i32
    %dma_wait3A_59 = arith.constant 0 : i32
    %dma_wait3A_60 = tpu.memref_slice %arg7[%dma_wait3A_57, %dma_wait3A_58, %dma_wait3A_59] : memref<2x8x200xf32, #tpu.memory_space<vmem>> -> memref<1x8x200xf32, #tpu.memory_space<vmem>>
    %dma_wait3A_61 = tpu.memref_squeeze %dma_wait3A_60 : memref<1x8x200xf32, #tpu.memory_space<vmem>> -> memref<8x200xf32, #tpu.memory_space<vmem>>
    %dma_wait3A_62 = arith.constant 0 : i32
    %dma_wait3A_63 = tpu.memref_slice %arg4[%add3A_56, %dma_wait3A_62] : memref<16384x200xf32, #tpu.memory_space<hbm>> -> memref<8x200xf32, #tpu.memory_space<hbm>>
    %dma_wait3A_64 = arith.constant 0 : i32
    %dma_wait3A_65 = tpu.memref_slice %arg4[%add3A_56, %dma_wait3A_64] : memref<16384x200xf32, #tpu.memory_space<hbm>> -> memref<8x200xf32, #tpu.memory_space<hbm>>
    %dma_wait3A_66 = arith.constant 0 : i32
    %dma_wait3A_67 = arith.constant 0 : i32
    %dma_wait3A_68 = tpu.memref_slice %arg7[%dma_wait3A_57, %dma_wait3A_66, %dma_wait3A_67] : memref<2x8x200xf32, #tpu.memory_space<vmem>> -> memref<1x8x200xf32, #tpu.memory_space<vmem>>
    %dma_wait3A_69 = tpu.memref_squeeze %dma_wait3A_68 : memref<1x8x200xf32, #tpu.memory_space<vmem>> -> memref<8x200xf32, #tpu.memory_space<vmem>>
    tpu.wait_dma2 semaphore(%arg13 : memref<!tpu.dma_semaphore, #tpu.memory_space<semaphore_mem>>) src(%dma_wait3A_69 : memref<8x200xf32, #tpu.memory_space<vmem>>) dst(%dma_wait3A_65 : memref<8x200xf32, #tpu.memory_space<hbm>>)
    return
  }
}

module attributes {stable_mosaic.version = 14 : i64} {
  func.func @_tc_sigmoid_body(%arg0: i32, %arg1: memref<1024x128xf32, #tpu.memory_space<vmem>>, %arg2: memref<1024x128xf32, #tpu.memory_space<vmem>>) attributes {dimension_semantics = [#tpu.dimension_semantics<arbitrary>], iteration_bounds = array<i64: 8>, scalar_prefetch = 0 : i64, scratch_operands = 0 : i64, tpu.core_type = #tpu.core_type<tc>, window_params = [{transform_indices = @transform_0, window_bounds = array<i64: 1024, 128>}, {transform_indices = @transform_1, window_bounds = array<i64: 1024, 128>}]} {
    %get3A = arith.constant 0 : index
    %get3A_0 = arith.constant 0 : index
    %get3A_1 = vector.load %arg1[%get3A, %get3A_0] : memref<1024x128xf32, #tpu.memory_space<vmem>>, vector<1024x128xf32>
    %mul3A = arith.constant -4.000000e+00 : f32
    %mul3A_2 = vector.broadcast %mul3A : f32 to vector<1024x128xf32>
    %mul3A_3 = arith.mulf %mul3A_2, %get3A_1 : vector<1024x128xf32>
    %exp3A = math.exp %mul3A_3 : vector<1024x128xf32>
    %add3A = arith.constant 1.000000e+00 : f32
    %add3A_4 = vector.broadcast %add3A : f32 to vector<1024x128xf32>
    %add3A_5 = arith.addf %add3A_4, %exp3A : vector<1024x128xf32>
    %div3A = arith.constant 1.000000e+00 : f32
    %div3A_6 = vector.broadcast %div3A : f32 to vector<1024x128xf32>
    %div3A_7 = arith.divf %div3A_6, %add3A_5 : vector<1024x128xf32>
    %swap3A = arith.constant 0 : index
    %swap3A_8 = arith.constant 0 : index
    %swap3A_9 = vector.load %arg2[%swap3A, %swap3A_8] : memref<1024x128xf32, #tpu.memory_space<vmem>>, vector<1024x128xf32>
    tpu.vector_store %arg2[%swap3A, %swap3A_8], %div3A_7 {strides = array<i32>} : memref<1024x128xf32, #tpu.memory_space<vmem>>, vector<1024x128xf32>,
    return
  }
  func.func @transform_0(%arg0: i32) -> (i32, i32) {
    %c0_i32 = arith.constant 0 : i32
    %c0_i32_0 = arith.constant 0 : i32
    return %arg0, %c0_i32 : i32, i32
  }
  func.func @transform_1(%arg0: i32) -> (i32, i32) {
    %c0_i32 = arith.constant 0 : i32
    %c0_i32_0 = arith.constant 0 : i32
    return %arg0, %c0_i32 : i32, i32
  }
}

</mosaic_0001>

<sc_bundles>
// kernel: kernel.4.cloned.1.call-start
scs
__scs_entry_jumppad:
0x0: {  	(pc) =	sbr.rel $0x88, $3  }
0x1: {  	(tag) =	ssettag $0x0;
	lr =	simm.s32 $0x1  }
0x2: {  	[smem:$0x3F9F] =	sst lr;
	_ =	strace $0xD0000000  }
0x3: {  	_ = 	snop  }
0x4: {  	_ = 	snop  }
0x5: {  	_ = 	snop  }
0x6: {  	_ = 	snop  }
0x7: {  	_ = 	snop  }
__scs_overlays_trampoline_lowered:
0x8: {  	[smem:$0x3FAE] =	sst s0  }
0x9: {  	[smem:$0x3FAF] =	sst s1  }
0xa: {  	[smem:$0x3FB0] =	sst s2  }
0xb: {  	[smem:$0x3FB1] =	sst s3  }
0xc: {  	[smem:$0x3FB2] =	sst s4  }
0xd: {  	[smem:$0x3FB3] =	sst s5  }
0xe: {  	[smem:$0x3FB4] =	sst s6  }
0xf: {  	[smem:$0x3FB5] =	sst s7  }
0x10: {  	[smem:$0x3FB6] =	sst s8  }
0x11: {  	[smem:$0x3FB7] =	sst s9;
	s0 =	simm.s32 @!p0 $0x0  }
0x12: {  	s1 =	sld [smem:$0x3F9D];
	s0 =	simm.s32 @p0 $0x1  }
0x13: {  	[smem:$0x3FB8] =	sst s0;
	s0 =	simm.s32 @!p1 $0x0  }
0x14: {  	s2 =	sld [smem:$0x3F9C];
	s0 =	simm.s32 @p1 $0x1  }
0x15: {  	[smem:$0x3FB9] =	sst s0;
	s0 =	simm.s32 @!p2 $0x0  }
0x16: {  	s3 =	sld [smem:$0x3FDB];
	s0 =	simm.s32 @p2 $0x1  }
0x17: {  	s4 =	simm.s32 $0x1BF5;
	[smem:$0x3FBB] =	sst s0  }
0x18: {  	s0 =	sld [smem:$0x3F9E];
	_ =	swait.ge [sflag:s4], $0x0  }
0x19: {  	s7 =	sld [smem:$0x3F9F]  }
0x1a: {  	s8 =	sadd.s32 $0xFFFFE003, lr  }
0x1b: {  	s9 =	sadd.s32 $0xFFFFFEF7, lr;
	s5 =	simm.s32 $0xFFFFFFFF;
	p2 =	slt.u32 s8, $0xFFFFF086  }
0x1c: {  	p1 =	slt.u32 s9, $0xF7A;
	s5 =	simm.s32 @!p2 $0x0  }
0x1d: {  	s5 =	simm.s32 @p1 $0x1;
	p0 =	seq.s32 s7, s2  }
0x1e: {  	s7 =	smul.u32 @!p0 $0xF7A, s2;
	p2 =	seq.s32 @!p0 s5, $0x0  }
0x1f: {  	s9 =	smul.u32 $0xF7A, s1;
	s8 =	simm.s32 @!p0 $0x1BF5;
	p2 =	por !p2, p0  }
0x20: {  	[sflag:s8] =	ssyncset.s32 @!p0 $0xFFFFF086;
	s6 =	sadd.s32 @!p0 s3, s7;
	s7 =	simm.s32 @!p0 $0x108  }
0x21: {  	s3 =	sadd.s32 s3, s9;
	s6 =	sadd.s32 @!p0 $0x88, s6;
	s7 =	simm.s32 @p2 $0x1082  }
0x22: {  	[simem:s7], [sflag:s8] =	dma.local @!p0 [hbm:s6], $0xF7A  }
0x23: {  	s9 =	sor.u32 $0xD0000000, s2;
	s6 =	simm.s32 $0x108;
	_ =	swait.ge @!p0 [sflag:s8], $0x0  }
0x24: {  	s3 =	sadd.s32 $0x88, s3;
	s6 =	simm.s32 @!p1 $0x1082;
	[sflag:s4] =	ssyncset.s32 $0xFFFFF086  }
0x25: {  	[simem:s6], [sflag:s4] =	dma.local [hbm:s3], $0xF7A  }
0x26: {  	[smem:$0x3F9F] =	sst s1;
	(tag) =	ssettag s2;
	_ =	strace s9  }
0x27: {  	s1 =	sld [smem:$0x3FAF]  }
0x28: {  	s2 =	sld [smem:$0x3FB0]  }
0x29: {  	s4 =	sld [smem:$0x3FB2]  }
0x2a: {  	p0 =	seq.s32 s5, $0x0;
	s5 =	sld [smem:$0x3FB3]  }
0x2b: {  	s6 =	sld [smem:$0x3FB4]  }
0x2c: {  	s7 =	sld [smem:$0x3FB5]  }
0x2d: {  	s3 =	simm.s32 $0x108;
	s8 =	sld [smem:$0x3FB6]  }
0x2e: {  	s3 =	simm.s32 @!p0 $0x1082;
	s9 =	sld [smem:$0x3FB7]  }
0x2f: {  	lr =	sadd.s32 s0, s3;
	s0 =	sld [smem:$0x3FAE]  }
0x30: {  	s3 =	sld [smem:$0x3FB1]  }
0x31: {  	[smem:$0x3FBA] =	sst s10  }
0x32: {  	s10 =	sld [smem:$0x3FB8];
	_ =	sdelay $0x3  }
0x33: {  	p0 =	seq.s32 s10, $0x1;
	s10 =	sld [smem:$0x3FBA];
	_ =	sdelay $0x3  }
0x34: {  	[smem:$0x3FBA] =	sst s10  }
0x35: {  	s10 =	sld [smem:$0x3FB9];
	_ =	sdelay $0x3  }
0x36: {  	p1 =	seq.s32 s10, $0x1;
	s10 =	sld [smem:$0x3FBA];
	_ =	sdelay $0x3  }
0x37: {  	[smem:$0x3FBA] =	sst s10  }
0x38: {  	s10 =	sld [smem:$0x3FBB]  }
0x39: {  	_ = 	snop;
	(pc) =	sbr.ind lr, $3  }
0x3a: {  	_ = 	snop  }
0x3b: {  	_ = 	snop  }
0x3c: {  	p2 =	seq.s32 s10, $0x1;
	s10 =	sld [smem:$0x3FBA]  }
0x3d: {  	_ =	shalt  }
0x3e: {  	_ =	shalt  }
0x3f: {  	_ =	shalt  }
0x40: {  	_ =	shalt  }
0x41: {  	_ =	shalt  }
0x42: {  	_ =	shalt  }
0x43: {  	_ =	shalt  }
0x44: {  	_ =	shalt  }
0x45: {  	_ =	shalt  }
0x46: {  	_ =	shalt  }
0x47: {  	_ =	shalt  }
0x48: {  	_ =	shalt  }
0x49: {  	_ =	shalt  }
0x4a: {  	_ =	shalt  }
0x4b: {  	_ =	shalt  }
0x4c: {  	_ =	shalt  }
0x4d: {  	_ =	shalt  }
0x4e: {  	_ =	shalt  }
0x4f: {  	_ =	shalt  }
0x50: {  	_ =	shalt  }
0x51: {  	_ =	shalt  }
0x52: {  	_ =	shalt  }
0x53: {  	_ =	shalt  }
0x54: {  	_ =	shalt  }
0x55: {  	_ =	shalt  }
0x56: {  	_ =	shalt  }
0x57: {  	_ =	shalt  }
0x58: {  	_ =	shalt  }
0x59: {  	_ =	shalt  }
0x5a: {  	_ =	shalt  }
0x5b: {  	_ =	shalt  }
0x5c: {  	_ =	shalt  }
0x5d: {  	_ =	shalt  }
0x5e: {  	_ =	shalt  }
0x5f: {  	_ =	shalt  }
0x60: {  	_ =	shalt  }
0x61: {  	_ =	shalt  }
0x62: {  	_ =	shalt  }
0x63: {  	_ =	shalt  }
0x64: {  	_ =	shalt  }
0x65: {  	_ =	shalt  }
0x66: {  	_ =	shalt  }
0x67: {  	_ =	shalt  }
0x68: {  	_ =	shalt  }
0x69: {  	_ =	shalt  }
0x6a: {  	_ =	shalt  }
0x6b: {  	_ =	shalt  }
0x6c: {  	_ =	shalt  }
0x6d: {  	_ =	shalt  }
0x6e: {  	_ =	shalt  }
0x6f: {  	_ =	shalt  }
0x70: {  	_ =	shalt  }
0x71: {  	_ =	shalt  }
0x72: {  	_ =	shalt  }
0x73: {  	_ =	shalt  }
0x74: {  	_ =	shalt  }
0x75: {  	_ =	shalt  }
0x76: {  	_ =	shalt  }
0x77: {  	_ =	shalt  }
0x78: {  	_ =	shalt  }
0x79: {  	_ =	shalt  }
0x7a: {  	_ =	shalt  }
0x7b: {  	_ =	shalt  }
0x7c: {  	_ =	shalt  }
0x7d: {  	_ =	shalt  }
0x7e: {  	_ =	shalt  }
0x7f: {  	_ =	shalt  }
0x80: {  	_ =	shalt  }
0x81: {  	_ =	shalt  }
0x82: {  	_ =	shalt  }
0x83: {  	_ =	shalt  }
0x84: {  	_ =	shalt  }
0x85: {  	_ =	shalt  }
0x86: {  	_ =	shalt  }
0x87: {  	_ =	shalt  }
.Lfunc_end0:
.L_simem_size_0:
called_computation_lowered:
.L_overlay_start_0:
0x88: {  	s2 =	sld [smem:$0x3FD9]  }
0x89: {  	s3 =	sld [smem:$0x3FFE];
	_ =	sdelay $0x1  }
0x8a: {  	s1 =	srdreg.scid  }
0x8b: {  	s0 =	sand.u32 $0x1, s1  }
0x8c: {  	s17 =	sshll.u32 s0, $0xA;
	s2 =	sadd.s32 s3, s2  }
0x8d: {  	s2 =	sadd.s32 s2, s17  }
0x8e: {  	[smem:$0x3FC6] =	sst s2  }
0x8f: {  	_ = 	snop  }
0x90: {  	s2 =	sld [smem:$0x3FD0];
	(tm) =	ssettm $0x1  }
0x91: {  	s18 =	sld [smem:$0x3FFB];
	_ =	sdelay $0x3  }
0x92: {  	_ =	strace s18  }
0x93: {  	s3 =	sld [smem:$0x3FFC];
	_ =	sdelay $0x3  }
0x94: {  	_ =	strace s3  }
0x95: {  	s3 =	sld [smem:$0x3FFD];
	_ =	sdelay $0x3  }
0x96: {  	_ =	strace s3  }
0x97: {  	_ =	strace $0x8FFFFFFF  }
0x98: {  	s19 =	sld [smem:$0x3FDB];
	_ =	sdelay $0x1  }
0x99: {  	s4 =	simm.s32 $_scs_section_size  }
0x9a: {  	s5 =	simm.s32 $_size__tile_overlayer_lowered;
	s6 =	simm.s32 $_tile_overlayer_lowered  }
0x9b: {  	s22 =	simm.s32 $0x1BFF;
	s21 =	sshll.u32 s6, $0x1;
	s3 =	sadd.s32 s4, s19  }
0x9c: {  	s7 =	simm.s32 $0x0;
	s20 =	sshll.u32 s5, $0x1;
	s5 =	sadd.s32 s21, s3  }
0x9d: {  	[timem:s7], [sflag:s22] =	dma.local [hbm:s5], s20  }
0x9e: {  	_ =	swait.ge [sflag:s22], s20  }
0x9f: {  	s4 =	ssub.s32 $0x0, s20;
	[sflag:s22] =	ssyncset.done $0x0  }
0xa0: {  	[sflag:s22] =	ssyncadd.s32 s4;
	_ =	sdelay $0x1  }
0xa1: {  	s23 =	simm.s32 $0x1B8B  }
0xa2: {  	_ =	swait.ge [sflag:s23], $0x1  }
0xa3: {  	[sflag:s23] =	ssyncset.done $0x0  }
0xa4: {  	s25 =	simm.s32 $0x1B8E;
	s24 =	sld [smem:$0x3FFE];
	[sflag:s23] =	ssyncadd.s32 $0xFFFFFFFF  }
0xa5: {  	s26 =	simm.s32 $execute0_lowered;
	[smem:$0x3FD2] =	sst s25  }
0xa6: {  	s5 =	sshll.u32 s26, $0x1;
	_ =	strace $0x80000046;
	[dreg:$0x1] =	wrdreg $0xFFFFFFFF  }
0xa7: {  	s28 =	simm.s32 $_size_execute0_lowered;
	s3 =	sadd.s32 s3, s5;
	[dreg:$0x0] =	wrdreg $0x0  }
0xa8: {  	s5 =	sshll.u32 s28, $0x1;
	[dreg:$0x2] =	wrdreg s3  }
0xa9: {  	[dreg:$0x3] =	wrdreg s5  }
0xaa: {  	[dreg:$0x4] =	wrdreg $0xC0  }
0xab: {  	_ =	task [dreg:s7], $0x5FFFF  }
0xac: {  	[dreg:$0x1] =	wrdreg $0xFFFFFFFF  }
0xad: {  	[dreg:$0x0] =	wrdreg $0x60  }
0xae: {  	[dreg:$0x2] =	wrdreg s2  }
0xaf: {  	[dreg:$0x3] =	wrdreg s24  }
0xb0: {  	[dreg:$0x4] =	wrdreg $0x0  }
0xb1: {  	[dreg:$0x5] =	wrdreg $0x9  }
0xb2: {  	_ =	task.clear_ibuf [dreg:s7], $0x6FFFF;
	_ =	strace $0x90000046  }
0xb3: {  	s29 =	simm.s32 $0x9;
	_ =	strace $0x80000048  }
0xb4: {  	_ =	swait.ge [sflag:s29], $0x1  }
0xb5: {  	[sflag:s29] =	ssyncadd.s32 $0xFFFFFFFF  }
0xb6: {  	_ =	strace $0x90000048  }
0xb7: {  	_ =	sfence  }
0xb8: {  	s30 =	sld [smem:$0x0];
	_ =	sdelay $0x2  }
0xb9: {  	s31 =	sshll.u32 s1, $0xD;
	s1 =	sshrl.u32 s1, $0x2  }
0xba: {  	s3 =	sand.u32 $0x4000, s31;
	s1 =	sadd.s32 s1, s30  }
0xbb: {  	s0 =	sor.u32 s3, s0;
	s1 =	sshll.u32 s1, $0x11  }
0xbc: {  	s0 =	sor.u32 s1, s0  }
0xbd: {  	s0 =	sadd.s32 $0x8F2B, s0  }
0xbe: {  	[sflag:s0] =	ssyncadd.remote.s32 $0x1  }
0xbf: {  	_ =	sfence.sel $0xFFFF  }
0xc0: {  	[dreg:$0x0] =	wrdreg $0xFFFFFFFF;
	(pc) =	sbr.abs _section_cstart, $3  }
0xc1: {  	[dreg:$0x1] =	wrdreg $0xFFFFFFFF  }
0xc2: {  	_ =	task.clear_ibuf [dreg:s7], $0x2FFFF;
	_ =	strace $0x9FFFFFFF  }
0xc3: {  	(tm) =	ssettm $0x7FFFFFFF  }
tec
execute0_lowered:
.L_overlay_start_1:
0x0: {  	(tag) =	ssettag $0x1  }
0x1: {  	s0 =	rddreg [dreg:$0x0]  }
0x2: {  	s4 =	rddreg [dreg:$0x1]  }
0x3: {  	s1 =	rddreg [dreg:$0x2];
	s3 =	simm.s32 $0x0  }
0x4: {  	s12 =	simm.s32 $0x10080;
	[smem:$0x7FF] =	sst s3  }
0x5: {  	s13 =	simm.s32 $0x11080;
	_ =	strace $0x80000047;
	[dreg:$0x9] =	wrdreg s12  }
0x6: {  	s14 =	simm.s32 $0x10480;
	[dreg:$0xa] =	wrdreg s13  }
0x7: {  	s15 =	simm.s32 $0x11480;
	[dreg:$0xb] =	wrdreg s14  }
0x8: {  	s16 =	simm.s32 $0x10100;
	[dreg:$0xc] =	wrdreg s15  }
0x9: {  	s17 =	simm.s32 $0x11100;
	[dreg:$0xd] =	wrdreg s16  }
0xa: {  	s18 =	simm.s32 $0x10500;
	[dreg:$0xe] =	wrdreg s17  }
0xb: {  	s19 =	simm.s32 $0x11500;
	[dreg:$0xf] =	wrdreg s18  }
0xc: {  	s20 =	simm.s32 $0x10180;
	[dreg:$0x10] =	wrdreg s19  }
0xd: {  	s21 =	simm.s32 $0x11180;
	[dreg:$0x11] =	wrdreg s20  }
0xe: {  	s22 =	simm.s32 $0x10580;
	[dreg:$0x12] =	wrdreg s21  }
0xf: {  	s23 =	simm.s32 $0x11580;
	[dreg:$0x13] =	wrdreg s22  }
0x10: {  	s24 =	simm.s32 $0x10200;
	[dreg:$0x14] =	wrdreg s23  }
0x11: {  	s25 =	simm.s32 $0x11200;
	[dreg:$0x15] =	wrdreg s24  }
0x12: {  	s26 =	simm.s32 $0x10600;
	[dreg:$0x16] =	wrdreg s25  }
0x13: {  	[dreg:$0x17] =	wrdreg s26;
	s12 =	simm.s32 $0x10300  }
0x14: {  	s13 =	simm.s32 $0x11300;
	[dreg:$0x1d] =	wrdreg s12  }
0x15: {  	s14 =	simm.s32 $0x10700;
	[dreg:$0x1e] =	wrdreg s13  }
0x16: {  	s15 =	simm.s32 $0x11700;
	[dreg:$0x1f] =	wrdreg s14  }
0x17: {  	s16 =	simm.s32 $0x10380;
	[smem:$0x7DD] =	sst s15  }
0x18: {  	s17 =	simm.s32 $0x11380;
	[smem:$0x7DE] =	sst s16  }
0x19: {  	s18 =	simm.s32 $0x10780;
	[smem:$0x7DF] =	sst s17  }
0x1a: {  	s2 =	srdreg.scid;
	s19 =	simm.s32 $0x11780;
	[smem:$0x7E0] =	sst s18  }
0x1b: {  	s11 =	stileid.u32;
	s20 =	simm.s32 $0x10C00;
	[smem:$0x7E1] =	sst s19  }
0x1c: {  	s5 =	sand.u32 $0x1, s2;
	s21 =	simm.s32 $0x11C00;
	[smem:$0x7E2] =	sst s20  }
0x1d: {  	s6 =	sshll.u32 s11, $0xF;
	s23 =	simm.s32 $0x10880;
	[smem:$0x7E3] =	sst s21  }
0x1e: {  	s2 =	sadd.s32 $0x800, s4;
	s24 =	simm.s32 $0x11880;
	[smem:$0x7E4] =	sst s23  }
0x1f: {  	s7 =	sshll.u32 s5, $0xE;
	s25 =	simm.s32 $0x10C80;
	[smem:$0x7E5] =	sst s24  }
0x20: {  	s10 =	sadd.s32 s6, s2;
	s26 =	simm.s32 $0x11C80;
	[smem:$0x7E8] =	sst s25  }
0x21: {  	s31 =	sadd.s32 s7, s10;
	[smem:$0x7E9] =	sst s26  }
0x22: {  	s10 =	simm.s32 $0x11400;
	[dreg:$0x5] =	wrdreg s31  }
0x23: {  	s13 =	simm.s32 $0x10980;
	[dreg:$0x8] =	wrdreg s10  }
0x24: {  	s14 =	simm.s32 $0x11980;
	[smem:$0x7F0] =	sst s13  }
0x25: {  	s30 =	simm.s32 $0x10800;
	s16 =	simm.s32 $0x10D80;
	[smem:$0x7F2] =	sst s14  }
0x26: {  	s28 =	simm.s32 $0x11F80;
	s17 =	simm.s32 $0x11D80;
	[smem:$0x7F3] =	sst s16  }
0x27: {  	s29 =	simm.s32 $0x4;
	s18 =	simm.s32 $0x10A00;
	[smem:$0x7F4] =	sst s17  }
0x28: {  	s8 =	sadd.s32 $0x80800, s4;
	s20 =	simm.s32 $0x11A00;
	[smem:$0x7F6] =	sst s18  }
0x29: {  	s5 =	ssub.s32 $0x2, s5;
	s21 =	simm.s32 $0x10E00;
	[smem:$0x7F7] =	sst s20  }
0x2a: {  	s4 =	sor.u32 s7, s6;
	s23 =	simm.s32 $0x10A80;
	[smem:$0x7F8] =	sst s21  }
0x2b: {  	s6 =	sadd.s32 s6, s8;
	s24 =	simm.s32 $0x11A80;
	[smem:$0x7FA] =	sst s23  }
0x2c: {  	s22 =	sshrl.u32 s5, $0x1;
	s25 =	simm.s32 $0x10E80;
	[smem:$0x7FB] =	sst s24  }
0x2d: {  	s12 =	sshll.u32 s11, $0x6;
	s9 =	sadd.s32 s8, s4;
	[smem:$0x7FC] =	sst s25  }
0x2e: {  	s26 =	simm.s32 $0x10000;
	s31 =	simm.s32 $0x11600;
	[dreg:$0x4] =	wrdreg s9  }
0x2f: {  	s6 =	sadd.s32 s7, s6;
	s7 =	simm.s32 $0x10280;
	[dreg:$0x18] =	wrdreg s31  }
0x30: {  	s8 =	simm.s32 $0x11280;
	s10 =	simm.s32 $0x11680;
	[dreg:$0x19] =	wrdreg s7  }
0x31: {  	s5 =	ssub.s32 s5, s22;
	s4 =	sadd.s32 s2, s4;
	[dreg:$0x1a] =	wrdreg s8  }
0x32: {  	s2 =	sor.u32 $0x1C07, s12;
	s13 =	simm.s32 $0x1;
	[dreg:$0x1c] =	wrdreg s10  }
0x33: {  	s22 =	simm.s32 $0x11E00;
	s14 =	simm.s32 $0x80;
	[smem:$0x7E6] =	sst s4  }
0x34: {  	s16 =	simm.s32 $0x48;
	s17 =	simm.s32 $0x3;
	[smem:$0x7EF] =	sst s2  }
0x35: {  	s18 =	simm.s32 $0x2;
	s6 =	sadd.s32 $0x100, s6;
	[smem:$0x7F9] =	sst s22  }
0x36: {  	s12 =	simm.s32 $0x11F00;
	s9 =	simm.s32 $0x10400;
	[dreg:$0x6] =	wrdreg s6  }
0x37: {  	s20 =	simm.s32 $0x10B80;
	s4 =	sadd.s32 $0x100, s4;
	[dreg:$0x7] =	wrdreg s9  }
0x38: {  	s21 =	simm.s32 $0x11B80;
	s7 =	simm.s32 $0x11900;
	[smem:$0x7E7] =	sst s4  }
0x39: {  	s31 =	sshll.u32 s11, $0x10;
	s10 =	simm.s32 $0x11D00;
	[smem:$0x7EB] =	sst s7  }
0x3a: {  	s8 =	sshll.u32 s11, $0xD;
	s15 =	smax.u32 s5, $0x1;
	[smem:$0x7EE] =	sst s10  }
0x3b: {  	s11 =	simm.s32 $0x10F00;
	s9 =	simm.s32 $0x10680;
	[smem:$0x7F1] =	sst s15  }
0x3c: {  	s22 =	simm.s32 $0x10F80;
	s6 =	simm.s32 $0x10900;
	[dreg:$0x1b] =	wrdreg s9  }
0x3d: {  	s4 =	sadd.s32 s31, s1;
	s0 =	sadd.s32 s0, s8;
	[smem:$0x7EA] =	sst s6  }
0x3e: {  	s15 =	simm.s32 $0x11000;
	s31 =	simm.s32 $0x11E80;
	[smem:$0x7EC] =	sst s0  }
0x3f: {  	s10 =	simm.s32 $0x11B00;
	s9 =	simm.s32 $0x10D00;
	[smem:$0x7FD] =	sst s31  }
0x40: {  	s19 =	sshrl.u32 s4, $0x3;
	s4 =	simm.s32 $0x0;
	[smem:$0x7ED] =	sst s9  }
0x41: {  	[smem:$0x7F5] =	sst s19;
	s19 =	simm.s32 $0x11800;
	s9 =	simm.s32 $0x10B00  }
.LBB2_1:
0x42: {  	s0 =	sld [smem:$0x7E6]  }
0x43: {  	s7 =	sld [smem:$0x7E7]  }
0x44: {  	s8 =	sld [smem:$0x7EC]  }
0x45: {  	s2 =	sld [smem:$0x7EF]  }
0x46: {  	s23 =	sld [smem:$0x7F5]  }
0x47: {  	[tilespmem:s26], [sflag:$0x1] =	stream.linear.gather [hbm4b:s0+s3], $0x800, $0x38;
	[tilespmem:$0x12000] =	vst v63  }
0x48: {  	[smem:$0x7DC] =	sst s4;
	s24 =	simm.s32 $0x7  }
0x49: {  	[tilespmem:s30], [sflag:$0x2] =	stream.linear.gather [hbm4b:s7+s3], $0x800, $0x38;
	[tilespmem:$0x12000] =	vst v63  }
0x4a: {  	[spmem:s23], [sflag:s2] =	dma.local [hbm:s8], $0x2000  }
0x4b: {  	_ =	swait.ge [sflag:s24], $0x2000  }
0x4c: {  	[sflag:s24] =	ssyncset.done $0x0  }
0x4d: {  	[sflag:s24] =	ssyncadd.s32 $0xFFFFE000  }
0x4e: {  	[bflag:$0x0] =	sbarrier.arrive $0xFFFF  }
0x4f: {  	_ =	swait.ge [sflag:s13], $0x800  }
0x50: {  	p0 =	por $0x1, $0x1;
	[sflag:s13] =	ssyncset.done $0x0  }
0x51: {  	s2 =	simm.s32 @!p0 $0x5;
	[sflag:s13] =	ssyncadd.s32 $0xFFFFF800  }
0x52: {  	_ =	swait.ge @!p0 [sflag:s2], $0x800  }
0x53: {  	s4 =	rddreg [dreg:$0x14]  }
0x54: {  	s5 =	rddreg [dreg:$0x11]  }
0x55: {  	s6 =	rddreg [dreg:$0x9]  }
0x56: {  	s7 =	rddreg [dreg:$0x7]  }
0x57: {  	s25 =	rddreg [dreg:$0x8]  }
0x58: {  	s8 =	rddreg [dreg:$0xa]  }
0x59: {  	s31 =	rddreg [dreg:$0xc]  }
0x5a: {  	s0 =	rddreg [dreg:$0xb]  }
0x5b: {  	[sflag:s2] =	ssyncset.done @!p0 $0x0;
	s23 =	rddreg [dreg:$0xe]  }
0x5c: {  	s24 =	rddreg [dreg:$0xf];
	[sflag:s2] =	ssyncadd.s32 @!p0 $0xFFFFF800  }
0x5d: {  	[tilespmem:s15], [sflag:$0x3] =	stream.indirect.gather [spmem:s1], $0x1, s26, s14, $0xb8;
	[tilespmem:$0x12000] =	vst v63  }
0x5e: {  	s2 =	rddreg [dreg:$0x1a]  }
0x5f: {  	[tilespmem:s25], [sflag:$0x3] =	stream.indirect.gather [spmem:s1], $0x1, s7, s16, $0xb8;
	[tilespmem:$0x12000] =	vst v63  }
0x60: {  	s25 =	rddreg [dreg:$0x10]  }
0x61: {  	s7 =	rddreg [dreg:$0x1b]  }
0x62: {  	[tilespmem:s8], [sflag:$0x3] =	stream.indirect.gather [spmem:s1], $0x1, s6, s14, $0xb8;
	[tilespmem:$0x12000] =	vst v63  }
0x63: {  	s8 =	rddreg [dreg:$0xd]  }
0x64: {  	s6 =	rddreg [dreg:$0x1e]  }
0x65: {  	[tilespmem:s31], [sflag:$0x3] =	stream.indirect.gather [spmem:s1], $0x1, s0, s16, $0xb8;
	[tilespmem:$0x12000] =	vst v63  }
0x66: {  	s31 =	rddreg [dreg:$0x12]  }
0x67: {  	s0 =	rddreg [dreg:$0x13]  }
0x68: {  	[tilespmem:s23], [sflag:$0x3] =	stream.indirect.gather [spmem:s1], $0x1, s8, s14, $0xb8;
	[tilespmem:$0x12000] =	vst v63  }
0x69: {  	s8 =	rddreg [dreg:$0x16]  }
0x6a: {  	s23 =	rddreg [dreg:$0x15]  }
0x6b: {  	[tilespmem:s25], [sflag:$0x3] =	stream.indirect.gather [spmem:s1], $0x1, s24, s16, $0xb8;
	[tilespmem:$0x12000] =	vst v63  }
0x6c: {  	s24 =	rddreg [dreg:$0x18]  }
0x6d: {  	s25 =	rddreg [dreg:$0x17]  }
0x6e: {  	[tilespmem:s31], [sflag:$0x3] =	stream.indirect.gather [spmem:s1], $0x1, s5, s14, $0xb8;
	[tilespmem:$0x12000] =	vst v63  }
0x6f: {  	s31 =	rddreg [dreg:$0x19]  }
0x70: {  	[tilespmem:s4], [sflag:$0x3] =	stream.indirect.gather [spmem:s1], $0x1, s0, s16, $0xb8;
	[tilespmem:$0x12000] =	vst v63  }
0x71: {  	s0 =	rddreg [dreg:$0x1c]  }
0x72: {  	[tilespmem:s8], [sflag:$0x3] =	stream.indirect.gather [spmem:s1], $0x1, s23, s14, $0xb8;
	[tilespmem:$0x12000] =	vst v63  }
0x73: {  	s23 =	rddreg [dreg:$0x1d]  }
0x74: {  	[tilespmem:s24], [sflag:$0x3] =	stream.indirect.gather [spmem:s1], $0x1, s25, s16, $0xb8;
	[tilespmem:$0x12000] =	vst v63  }
0x75: {  	s24 =	sld [smem:$0x7DD]  }
0x76: {  	s25 =	rddreg [dreg:$0x1f]  }
0x77: {  	[tilespmem:s2], [sflag:$0x3] =	stream.indirect.gather [spmem:s1], $0x1, s31, s14, $0xb8;
	[tilespmem:$0x12000] =	vst v63  }
0x78: {  	s31 =	sld [smem:$0x7DE]  }
0x79: {  	[tilespmem:s0], [sflag:$0x3] =	stream.indirect.gather [spmem:s1], $0x1, s7, s16, $0xb8;
	[tilespmem:$0x12000] =	vst v63  }
0x7a: {  	s0 =	sld [smem:$0x7E1]  }
0x7b: {  	[tilespmem:s6], [sflag:$0x3] =	stream.indirect.gather [spmem:s1], $0x1, s23, s14, $0xb8;
	[tilespmem:$0x12000] =	vst v63  }
0x7c: {  	s7 =	sld [smem:$0x7DF]  }
0x7d: {  	[tilespmem:s24], [sflag:$0x3] =	stream.indirect.gather [spmem:s1], $0x1, s25, s16, $0xb8;
	[tilespmem:$0x12000] =	vst v63  }
0x7e: {  	s23 =	sld [smem:$0x7E0]  }
0x7f: {  	[tilespmem:s7], [sflag:$0x3] =	stream.indirect.gather [spmem:s1], $0x1, s31, s14, $0xb8;
	[tilespmem:$0x12000] =	vst v63  }
0x80: {  	_ = 	snop  }
0x81: {  	[tilespmem:s0], [sflag:$0x3] =	stream.indirect.gather [spmem:s1], $0x1, s23, s16, $0xb8;
	[tilespmem:$0x12000] =	vst v63  }
0x82: {  	_ =	swait.ge [sflag:s17], $0x80  }
0x83: {  	[sflag:s17] =	ssyncset.done $0x0  }
0x84: {  	[sflag:s17] =	ssyncadd.s32 $0xFFFFFF80  }
0x85: {  	_ =	swait.ge [sflag:s17], $0x48  }
0x86: {  	[sflag:s17] =	ssyncset.done $0x0  }
0x87: {  	[sflag:s17] =	ssyncadd.s32 $0xFFFFFFB8  }
0x88: {  	_ =	swait.ge [sflag:s17], $0x80  }
0x89: {  	[sflag:s17] =	ssyncset.done $0x0  }
0x8a: {  	[sflag:s17] =	ssyncadd.s32 $0xFFFFFF80  }
0x8b: {  	_ =	swait.ge [sflag:s17], $0x48  }
0x8c: {  	[sflag:s17] =	ssyncset.done $0x0  }
0x8d: {  	[sflag:s17] =	ssyncadd.s32 $0xFFFFFFB8  }
0x8e: {  	_ =	swait.ge [sflag:s17], $0x80  }
0x8f: {  	[sflag:s17] =	ssyncset.done $0x0  }
0x90: {  	[sflag:s17] =	ssyncadd.s32 $0xFFFFFF80  }
0x91: {  	_ =	swait.ge [sflag:s17], $0x48  }
0x92: {  	[sflag:s17] =	ssyncset.done $0x0  }
0x93: {  	[sflag:s17] =	ssyncadd.s32 $0xFFFFFFB8  }
0x94: {  	_ =	swait.ge [sflag:s17], $0x80  }
0x95: {  	[sflag:s17] =	ssyncset.done $0x0  }
0x96: {  	[sflag:s17] =	ssyncadd.s32 $0xFFFFFF80  }
0x97: {  	_ =	swait.ge [sflag:s17], $0x48  }
0x98: {  	[sflag:s17] =	ssyncset.done $0x0  }
0x99: {  	[sflag:s17] =	ssyncadd.s32 $0xFFFFFFB8  }
0x9a: {  	_ =	swait.ge [sflag:s17], $0x80  }
0x9b: {  	[sflag:s17] =	ssyncset.done $0x0  }
0x9c: {  	[sflag:s17] =	ssyncadd.s32 $0xFFFFFF80  }
0x9d: {  	_ =	swait.ge [sflag:s17], $0x48  }
0x9e: {  	[sflag:s17] =	ssyncset.done $0x0  }
0x9f: {  	[sflag:s17] =	ssyncadd.s32 $0xFFFFFFB8  }
0xa0: {  	_ =	swait.ge [sflag:s17], $0x80  }
0xa1: {  	[sflag:s17] =	ssyncset.done $0x0  }
0xa2: {  	[sflag:s17] =	ssyncadd.s32 $0xFFFFFF80  }
0xa3: {  	_ =	swait.ge [sflag:s17], $0x48  }
0xa4: {  	[sflag:s17] =	ssyncset.done $0x0  }
0xa5: {  	[sflag:s17] =	ssyncadd.s32 $0xFFFFFFB8  }
0xa6: {  	_ =	swait.ge [sflag:s17], $0x80  }
0xa7: {  	[sflag:s17] =	ssyncset.done $0x0  }
0xa8: {  	[sflag:s17] =	ssyncadd.s32 $0xFFFFFF80  }
0xa9: {  	_ =	swait.ge [sflag:s17], $0x48  }
0xaa: {  	[sflag:s17] =	ssyncset.done $0x0  }
0xab: {  	[sflag:s17] =	ssyncadd.s32 $0xFFFFFFB8  }
0xac: {  	_ =	swait.ge [sflag:s17], $0x80  }
0xad: {  	[sflag:s17] =	ssyncset.done $0x0  }
0xae: {  	[sflag:s17] =	ssyncadd.s32 $0xFFFFFF80  }
0xaf: {  	p1 =	por $0x0, $0x0;
	s4 =	simm.s32 $0x0;
	_ =	swait.ge [sflag:s17], $0x48  }
0xb0: {  	s4 =	simm.s32 @p1 $0x3E00;
	s6 =	simm.s32 @!p1 $0x0;
	s2 =	rddreg [dreg:$0x5]  }
0xb1: {  	s7 =	simm.s32 @!p1 $0x10000;
	[sflag:s17] =	ssyncset.done $0x0;
	s2 =	sadd.s32 @!p1 $0x0, s2  }
0xb2: {  	s24 =	rddreg [dreg:$0x4];
	[sflag:s17] =	ssyncadd.s32 $0xFFFFFFB8;
	s8 =	sadd.s32 @!p1 $0x200, s2  }
0xb3: {  	[tilespmem:s7], [sflag:$0x1] =	stream.linear.gather @!p1 [hbm4b:s8+s6], $0x800, $0x38;
	[tilespmem:$0x12000] =	vst v63  }
0xb4: {  	s4 =	sadd.s32 s4, s24  }
0xb5: {  	[hbm4b:s4+s3] =	stream.linear.scatter [tilespmem:s15], [sflag:$0x5], $0x800, $0x38;
	[tilespmem:$0x12000] =	vst v63  }
0xb6: {  	_ =	swait.ge [sflag:s18], $0x800  }
0xb7: {  	[sflag:s18] =	ssyncset.done $0x0  }
0xb8: {  	s4 =	simm.s32 @!p0 $0x6;
	[sflag:s18] =	ssyncadd.s32 $0xFFFFF800  }
0xb9: {  	_ =	swait.ge @!p0 [sflag:s4], $0x800  }
0xba: {  	s25 =	sld [smem:$0x7E2]  }
0xbb: {  	s31 =	sld [smem:$0x7E4]  }
0xbc: {  	[sflag:s4] =	ssyncset.done @!p0 $0x0;
	s0 =	sld [smem:$0x7E5]  }
0xbd: {  	s23 =	sld [smem:$0x7E9];
	[sflag:s4] =	ssyncadd.s32 @!p0 $0xFFFFF800  }
0xbe: {  	[tilespmem:s19], [sflag:$0x4] =	stream.indirect.gather [spmem:s1], $0x1, s30, s14, $0xb8;
	[tilespmem:$0x12000] =	vst v63  }
0xbf: {  	s30 =	sld [smem:$0x7E3]  }
0xc0: {  	s24 =	sld [smem:$0x7E8]  }
0xc1: {  	s5 =	sld [smem:$0x7F9]  }
0xc2: {  	[tilespmem:s30], [sflag:$0x4] =	stream.indirect.gather [spmem:s1], $0x1, s25, s16, $0xb8;
	[tilespmem:$0x12000] =	vst v63  }
0xc3: {  	s25 =	sld [smem:$0x7EB]  }
0xc4: {  	s30 =	sld [smem:$0x7EA]  }
0xc5: {  	[tilespmem:s0], [sflag:$0x4] =	stream.indirect.gather [spmem:s1], $0x1, s31, s14, $0xb8;
	[tilespmem:$0x12000] =	vst v63  }
0xc6: {  	s31 =	sld [smem:$0x7ED]  }
0xc7: {  	s0 =	sld [smem:$0x7EE]  }
0xc8: {  	[tilespmem:s23], [sflag:$0x4] =	stream.indirect.gather [spmem:s1], $0x1, s24, s16, $0xb8;
	[tilespmem:$0x12000] =	vst v63  }
0xc9: {  	s23 =	sld [smem:$0x7F2]  }
0xca: {  	s24 =	sld [smem:$0x7F0]  }
0xcb: {  	[tilespmem:s25], [sflag:$0x4] =	stream.indirect.gather [spmem:s1], $0x1, s30, s14, $0xb8;
	[tilespmem:$0x12000] =	vst v63  }
0xcc: {  	s25 =	sld [smem:$0x7F4]  }
0xcd: {  	s30 =	sld [smem:$0x7F3]  }
0xce: {  	[tilespmem:s0], [sflag:$0x4] =	stream.indirect.gather [spmem:s1], $0x1, s31, s16, $0xb8;
	[tilespmem:$0x12000] =	vst v63  }
0xcf: {  	s31 =	sld [smem:$0x7F7]  }
0xd0: {  	s0 =	sld [smem:$0x7F6]  }
0xd1: {  	[tilespmem:s23], [sflag:$0x4] =	stream.indirect.gather [spmem:s1], $0x1, s24, s14, $0xb8;
	[tilespmem:$0x12000] =	vst v63  }
0xd2: {  	s23 =	sld [smem:$0x7F8]  }
0xd3: {  	s24 =	sld [smem:$0x7FB]  }
0xd4: {  	[tilespmem:s25], [sflag:$0x4] =	stream.indirect.gather [spmem:s1], $0x1, s30, s16, $0xb8;
	[tilespmem:$0x12000] =	vst v63  }
0xd5: {  	s25 =	sld [smem:$0x7FA]  }
0xd6: {  	[tilespmem:s31], [sflag:$0x4] =	stream.indirect.gather [spmem:s1], $0x1, s0, s14, $0xb8;
	[tilespmem:$0x12000] =	vst v63  }
0xd7: {  	s30 =	sld [smem:$0x7FC]  }
0xd8: {  	[tilespmem:s5], [sflag:$0x4] =	stream.indirect.gather [spmem:s1], $0x1, s23, s16, $0xb8;
	[tilespmem:$0x12000] =	vst v63  }
0xd9: {  	s31 =	sld [smem:$0x7FD]  }
0xda: {  	[tilespmem:s24], [sflag:$0x4] =	stream.indirect.gather [spmem:s1], $0x1, s25, s14, $0xb8;
	[tilespmem:$0x12000] =	vst v63  }
0xdb: {  	_ = 	snop  }
0xdc: {  	[tilespmem:s31], [sflag:$0x4] =	stream.indirect.gather [spmem:s1], $0x1, s30, s16, $0xb8;
	[tilespmem:$0x12000] =	vst v63  }
0xdd: {  	_ = 	snop  }
0xde: {  	[tilespmem:s10], [sflag:$0x4] =	stream.indirect.gather [spmem:s1], $0x1, s9, s14, $0xb8;
	[tilespmem:$0x12000] =	vst v63  }
0xdf: {  	_ = 	snop  }
0xe0: {  	[tilespmem:s12], [sflag:$0x4] =	stream.indirect.gather [spmem:s1], $0x1, s11, s16, $0xb8;
	[tilespmem:$0x12000] =	vst v63  }
0xe1: {  	_ = 	snop  }
0xe2: {  	[tilespmem:s21], [sflag:$0x4] =	stream.indirect.gather [spmem:s1], $0x1, s20, s14, $0xb8;
	[tilespmem:$0x12000] =	vst v63  }
0xe3: {  	_ = 	snop  }
0xe4: {  	[tilespmem:s28], [sflag:$0x4] =	stream.indirect.gather [spmem:s1], $0x1, s22, s16, $0xb8;
	[tilespmem:$0x12000] =	vst v63  }
0xe5: {  	_ =	swait.ge [sflag:s29], $0x80  }
0xe6: {  	[sflag:s29] =	ssyncset.done $0x0  }
0xe7: {  	[sflag:s29] =	ssyncadd.s32 $0xFFFFFF80  }
0xe8: {  	_ =	swait.ge [sflag:s29], $0x48  }
0xe9: {  	[sflag:s29] =	ssyncset.done $0x0  }
0xea: {  	[sflag:s29] =	ssyncadd.s32 $0xFFFFFFB8  }
0xeb: {  	_ =	swait.ge [sflag:s29], $0x80  }
0xec: {  	[sflag:s29] =	ssyncset.done $0x0  }
0xed: {  	[sflag:s29] =	ssyncadd.s32 $0xFFFFFF80  }
0xee: {  	_ =	swait.ge [sflag:s29], $0x48  }
0xef: {  	[sflag:s29] =	ssyncset.done $0x0  }
0xf0: {  	[sflag:s29] =	ssyncadd.s32 $0xFFFFFFB8  }
0xf1: {  	_ =	swait.ge [sflag:s29], $0x80  }
0xf2: {  	[sflag:s29] =	ssyncset.done $0x0  }
0xf3: {  	[sflag:s29] =	ssyncadd.s32 $0xFFFFFF80  }
0xf4: {  	_ =	swait.ge [sflag:s29], $0x48  }
0xf5: {  	[sflag:s29] =	ssyncset.done $0x0  }
0xf6: {  	[sflag:s29] =	ssyncadd.s32 $0xFFFFFFB8  }
0xf7: {  	_ =	swait.ge [sflag:s29], $0x80  }
0xf8: {  	[sflag:s29] =	ssyncset.done $0x0  }
0xf9: {  	s7 =	sadd.s32 @!p1 $0x300, s2;
	[sflag:s29] =	ssyncadd.s32 $0xFFFFFF80  }
0xfa: {  	s2 =	simm.s32 $0x0;
	s5 =	simm.s32 $0x200;
	_ =	swait.ge [sflag:s29], $0x48  }
.LBB2_2:
0xfb: {  	[sflag:s29] =	ssyncset.done $0x0  }
0xfc: {  	[sflag:s29] =	ssyncadd.s32 $0xFFFFFFB8  }
0xfd: {  	_ =	swait.ge [sflag:s29], $0x80  }
0xfe: {  	[sflag:s29] =	ssyncset.done $0x0  }
0xff: {  	[sflag:s29] =	ssyncadd.s32 $0xFFFFFF80  }
0x100: {  	_ =	swait.ge [sflag:s29], $0x48  }
0x101: {  	[sflag:s29] =	ssyncset.done $0x0  }
0x102: {  	[sflag:s29] =	ssyncadd.s32 $0xFFFFFFB8  }
0x103: {  	_ =	swait.ge [sflag:s29], $0x80  }
0x104: {  	[sflag:s29] =	ssyncset.done $0x0  }
0x105: {  	[sflag:s29] =	ssyncadd.s32 $0xFFFFFF80  }
0x106: {  	_ =	swait.ge [sflag:s29], $0x48  }
0x107: {  	[sflag:s29] =	ssyncset.done $0x0  }
0x108: {  	[sflag:s29] =	ssyncadd.s32 $0xFFFFFFB8  }
0x109: {  	_ =	swait.ge [sflag:s29], $0x80  }
0x10a: {  	[sflag:s29] =	ssyncset.done $0x0  }
0x10b: {  	[sflag:s29] =	ssyncadd.s32 $0xFFFFFF80  }
0x10c: {  	_ =	swait.ge [sflag:s29], $0x48  }
0x10d: {  	[sflag:s29] =	ssyncset.done $0x0  }
0x10e: {  	[sflag:s29] =	ssyncadd.s32 $0xFFFFFFB8  }
0x10f: {  	_ =	swait.ge [sflag:s29], $0x80  }
0x110: {  	[sflag:s29] =	ssyncset.done $0x0  }
0x111: {  	[sflag:s29] =	ssyncadd.s32 $0xFFFFFF80  }
0x112: {  	_ =	swait.ge [sflag:s29], $0x48  }
0x113: {  	[sflag:s29] =	ssyncset.done $0x0  }
0x114: {  	s8 =	simm.s32 @!p1 $0x10800;
	s11 =	rddreg [dreg:$0x6];
	[sflag:s29] =	ssyncadd.s32 $0xFFFFFFB8  }
0x115: {  	[tilespmem:s8], [sflag:$0x2] =	stream.linear.gather @!p1 [hbm4b:s7+s6], $0x800, $0x38;
	[tilespmem:$0x12000] =	vst v63  }
0x116: {  	s4 =	smov.u32 s5;
	s20 =	sadd.s32 s2, s11  }
0x117: {  	[hbm4b:s20+s3] =	stream.linear.scatter [tilespmem:s19], [sflag:$0x6], $0x800, $0x38;
	[tilespmem:$0x12000] =	vst v63  }
0x118: {  	s2 =	smov.u32 s4;
	_ =	swait.ge [sflag:s13], $0x800  }
0x119: {  	p2 =	seq.s32 s2, $0x0;
	[sflag:s13] =	ssyncset.done $0x0  }
0x11a: {  	s8 =	simm.s32 @!p2 $0x5;
	[sflag:s13] =	ssyncadd.s32 $0xFFFFF800  }
0x11b: {  	_ =	swait.ge @!p2 [sflag:s8], $0x800  }
0x11c: {  	s7 =	rddreg [dreg:$0x14]  }
0x11d: {  	s11 =	rddreg [dreg:$0x11]  }
0x11e: {  	s12 =	rddreg [dreg:$0xf]  }
0x11f: {  	s30 =	rddreg [dreg:$0x10]  }
0x120: {  	s6 =	rddreg [dreg:$0x1e]  }
0x121: {  	s31 =	rddreg [dreg:$0xd]  }
0x122: {  	s4 =	rddreg [dreg:$0x1a]  }
0x123: {  	s0 =	rddreg [dreg:$0xc]  }
0x124: {  	s9 =	rddreg [dreg:$0x16]  }
0x125: {  	s10 =	rddreg [dreg:$0x12]  }
0x126: {  	s20 =	rddreg [dreg:$0xe]  }
0x127: {  	s21 =	rddreg [dreg:$0xb]  }
0x128: {  	s22 =	rddreg [dreg:$0xa]  }
0x129: {  	s23 =	rddreg [dreg:$0x7]  }
0x12a: {  	[sflag:s8] =	ssyncset.done @!p2 $0x0;
	s24 =	rddreg [dreg:$0x8]  }
0x12b: {  	s25 =	rddreg [dreg:$0x13];
	[sflag:s8] =	ssyncadd.s32 @!p2 $0xFFFFF800  }
0x12c: {  	[tilespmem:s15], [sflag:$0x3] =	stream.indirect.gather [spmem:s1], $0x1, s26, s14, $0xb8;
	[tilespmem:$0x12000] =	vst v63  }
0x12d: {  	s8 =	rddreg [dreg:$0x9]  }
0x12e: {  	[tilespmem:s24], [sflag:$0x3] =	stream.indirect.gather [spmem:s1], $0x1, s23, s16, $0xb8;
	[tilespmem:$0x12000] =	vst v63  }
0x12f: {  	s26 =	rddreg [dreg:$0x15]  }
0x130: {  	[tilespmem:s22], [sflag:$0x3] =	stream.indirect.gather [spmem:s1], $0x1, s8, s14, $0xb8;
	[tilespmem:$0x12000] =	vst v63  }
0x131: {  	s23 =	rddreg [dreg:$0x18]  }
0x132: {  	[tilespmem:s0], [sflag:$0x3] =	stream.indirect.gather [spmem:s1], $0x1, s21, s16, $0xb8;
	[tilespmem:$0x12000] =	vst v63  }
0x133: {  	s24 =	sld [smem:$0x7DD]  }
0x134: {  	[tilespmem:s20], [sflag:$0x3] =	stream.indirect.gather [spmem:s1], $0x1, s31, s14, $0xb8;
	[tilespmem:$0x12000] =	vst v63  }
0x135: {  	s8 =	rddreg [dreg:$0x17]  }
0x136: {  	[tilespmem:s30], [sflag:$0x3] =	stream.indirect.gather [spmem:s1], $0x1, s12, s16, $0xb8;
	[tilespmem:$0x12000] =	vst v63  }
0x137: {  	s22 =	rddreg [dreg:$0x1d]  }
0x138: {  	[tilespmem:s10], [sflag:$0x3] =	stream.indirect.gather [spmem:s1], $0x1, s11, s14, $0xb8;
	[tilespmem:$0x12000] =	vst v63  }
0x139: {  	s0 =	rddreg [dreg:$0x19]  }
0x13a: {  	[tilespmem:s7], [sflag:$0x3] =	stream.indirect.gather [spmem:s1], $0x1, s25, s16, $0xb8;
	[tilespmem:$0x12000] =	vst v63  }
0x13b: {  	s21 =	rddreg [dreg:$0x1b]  }
0x13c: {  	[tilespmem:s9], [sflag:$0x3] =	stream.indirect.gather [spmem:s1], $0x1, s26, s14, $0xb8;
	[tilespmem:$0x12000] =	vst v63  }
0x13d: {  	s20 =	rddreg [dreg:$0x1c]  }
0x13e: {  	[tilespmem:s23], [sflag:$0x3] =	stream.indirect.gather [spmem:s1], $0x1, s8, s16, $0xb8;
	[tilespmem:$0x12000] =	vst v63  }
0x13f: {  	s31 =	sld [smem:$0x7DE]  }
0x140: {  	[tilespmem:s4], [sflag:$0x3] =	stream.indirect.gather [spmem:s1], $0x1, s0, s14, $0xb8;
	[tilespmem:$0x12000] =	vst v63  }
0x141: {  	s12 =	sld [smem:$0x7DF]  }
0x142: {  	[tilespmem:s20], [sflag:$0x3] =	stream.indirect.gather [spmem:s1], $0x1, s21, s16, $0xb8;
	[tilespmem:$0x12000] =	vst v63  }
0x143: {  	s11 =	sld [smem:$0x7E0]  }
0x144: {  	[tilespmem:s6], [sflag:$0x3] =	stream.indirect.gather [spmem:s1], $0x1, s22, s14, $0xb8;
	[tilespmem:$0x12000] =	vst v63  }
0x145: {  	s25 =	rddreg [dreg:$0x1f]  }
0x146: {  	[tilespmem:s24], [sflag:$0x3] =	stream.indirect.gather [spmem:s1], $0x1, s25, s16, $0xb8;
	[tilespmem:$0x12000] =	vst v63  }
0x147: {  	s4 =	sld [smem:$0x7E1]  }
0x148: {  	[tilespmem:s12], [sflag:$0x3] =	stream.indirect.gather [spmem:s1], $0x1, s31, s14, $0xb8;
	[tilespmem:$0x12000] =	vst v63  }
0x149: {  	_ = 	snop  }
0x14a: {  	[tilespmem:s4], [sflag:$0x3] =	stream.indirect.gather [spmem:s1], $0x1, s11, s16, $0xb8;
	[tilespmem:$0x12000] =	vst v63  }
0x14b: {  	_ =	swait.ge [sflag:s17], $0x80  }
0x14c: {  	[sflag:s17] =	ssyncset.done $0x0  }
0x14d: {  	[sflag:s17] =	ssyncadd.s32 $0xFFFFFF80  }
0x14e: {  	_ =	swait.ge [sflag:s17], $0x48  }
0x14f: {  	[sflag:s17] =	ssyncset.done $0x0  }
0x150: {  	[sflag:s17] =	ssyncadd.s32 $0xFFFFFFB8  }
0x151: {  	_ =	swait.ge [sflag:s17], $0x80  }
0x152: {  	[sflag:s17] =	ssyncset.done $0x0  }
0x153: {  	[sflag:s17] =	ssyncadd.s32 $0xFFFFFF80  }
0x154: {  	_ =	swait.ge [sflag:s17], $0x48  }
0x155: {  	[sflag:s17] =	ssyncset.done $0x0  }
0x156: {  	[sflag:s17] =	ssyncadd.s32 $0xFFFFFFB8  }
0x157: {  	_ =	swait.ge [sflag:s17], $0x80  }
0x158: {  	[sflag:s17] =	ssyncset.done $0x0  }
0x159: {  	[sflag:s17] =	ssyncadd.s32 $0xFFFFFF80  }
0x15a: {  	_ =	swait.ge [sflag:s17], $0x48  }
0x15b: {  	[sflag:s17] =	ssyncset.done $0x0  }
0x15c: {  	[sflag:s17] =	ssyncadd.s32 $0xFFFFFFB8  }
0x15d: {  	_ =	swait.ge [sflag:s17], $0x80  }
0x15e: {  	[sflag:s17] =	ssyncset.done $0x0  }
0x15f: {  	[sflag:s17] =	ssyncadd.s32 $0xFFFFFF80  }
0x160: {  	_ =	swait.ge [sflag:s17], $0x48  }
0x161: {  	[sflag:s17] =	ssyncset.done $0x0  }
0x162: {  	[sflag:s17] =	ssyncadd.s32 $0xFFFFFFB8  }
0x163: {  	_ =	swait.ge [sflag:s17], $0x80  }
0x164: {  	[sflag:s17] =	ssyncset.done $0x0  }
0x165: {  	[sflag:s17] =	ssyncadd.s32 $0xFFFFFF80  }
0x166: {  	_ =	swait.ge [sflag:s17], $0x48  }
0x167: {  	[sflag:s17] =	ssyncset.done $0x0  }
0x168: {  	[sflag:s17] =	ssyncadd.s32 $0xFFFFFFB8  }
0x169: {  	_ =	swait.ge [sflag:s17], $0x80  }
0x16a: {  	[sflag:s17] =	ssyncset.done $0x0  }
0x16b: {  	[sflag:s17] =	ssyncadd.s32 $0xFFFFFF80  }
0x16c: {  	_ =	swait.ge [sflag:s17], $0x48  }
0x16d: {  	[sflag:s17] =	ssyncset.done $0x0  }
0x16e: {  	[sflag:s17] =	ssyncadd.s32 $0xFFFFFFB8  }
0x16f: {  	_ =	swait.ge [sflag:s17], $0x80  }
0x170: {  	[sflag:s17] =	ssyncset.done $0x0  }
0x171: {  	[sflag:s17] =	ssyncadd.s32 $0xFFFFFF80  }
0x172: {  	_ =	swait.ge [sflag:s17], $0x48  }
0x173: {  	[sflag:s17] =	ssyncset.done $0x0  }
0x174: {  	[sflag:s17] =	ssyncadd.s32 $0xFFFFFFB8  }
0x175: {  	_ =	swait.ge [sflag:s17], $0x80  }
0x176: {  	[sflag:s17] =	ssyncset.done $0x0  }
0x177: {  	p1 =	seq.s32 s2, $0x3E00;
	[sflag:s17] =	ssyncadd.s32 $0xFFFFFF80  }
0x178: {  	s8 =	simm.s32 @!p1 $0x10000;
	_ =	swait.ge [sflag:s17], $0x48  }
0x179: {  	s6 =	simm.s32 @!p1 $0x0;
	s4 =	smov.u32 s2;
	s0 =	rddreg [dreg:$0x5]  }
0x17a: {  	s4 =	simm.s32 @p1 $0x3E00;
	[sflag:s17] =	ssyncset.done $0x0;
	s0 =	sadd.s32 @!p1 s2, s0  }
0x17b: {  	s20 =	rddreg [dreg:$0x4];
	[sflag:s17] =	ssyncadd.s32 $0xFFFFFFB8;
	s10 =	sadd.s32 @!p1 $0x200, s0  }
0x17c: {  	[tilespmem:s8], [sflag:$0x1] =	stream.linear.gather @!p1 [hbm4b:s10+s6], $0x800, $0x38;
	[tilespmem:$0x12000] =	vst v63  }
0x17d: {  	s21 =	sadd.s32 s4, s20  }
0x17e: {  	[hbm4b:s21+s3] =	stream.linear.scatter [tilespmem:s15], [sflag:$0x5], $0x800, $0x38;
	[tilespmem:$0x12000] =	vst v63  }
0x17f: {  	_ =	swait.ge [sflag:s18], $0x800  }
0x180: {  	[sflag:s18] =	ssyncset.done $0x0  }
0x181: {  	s4 =	simm.s32 @!p2 $0x6;
	[sflag:s18] =	ssyncadd.s32 $0xFFFFF800  }
0x182: {  	_ =	swait.ge @!p2 [sflag:s4], $0x800  }
0x183: {  	s7 =	sadd.s32 @!p1 $0x300, s0;
	s0 =	sld [smem:$0x7EB]  }
0x184: {  	s8 =	sld [smem:$0x7E4]  }
0x185: {  	s9 =	sld [smem:$0x7FB]  }
0x186: {  	s22 =	sld [smem:$0x7E2]  }
0x187: {  	s11 =	sld [smem:$0x7F4]  }
0x188: {  	s12 =	sld [smem:$0x7ED]  }
0x189: {  	s20 =	sld [smem:$0x7F2]  }
0x18a: {  	s21 =	sld [smem:$0x7E5]  }
0x18b: {  	s31 =	sld [smem:$0x7E3]  }
0x18c: {  	s23 =	sld [smem:$0x7E9]  }
0x18d: {  	[sflag:s4] =	ssyncset.done @!p2 $0x0;
	s24 =	sld [smem:$0x7E8]  }
0x18e: {  	s30 =	simm.s32 $0x10800;
	s25 =	sld [smem:$0x7EA];
	[sflag:s4] =	ssyncadd.s32 @!p2 $0xFFFFF800  }
0x18f: {  	[tilespmem:s19], [sflag:$0x4] =	stream.indirect.gather [spmem:s1], $0x1, s30, s14, $0xb8;
	[tilespmem:$0x12000] =	vst v63  }
0x190: {  	s4 =	sld [smem:$0x7F7]  }
0x191: {  	[tilespmem:s31], [sflag:$0x4] =	stream.indirect.gather [spmem:s1], $0x1, s22, s16, $0xb8;
	[tilespmem:$0x12000] =	vst v63  }
0x192: {  	s31 =	sld [smem:$0x7EE]  }
0x193: {  	[tilespmem:s21], [sflag:$0x4] =	stream.indirect.gather [spmem:s1], $0x1, s8, s14, $0xb8;
	[tilespmem:$0x12000] =	vst v63  }
0x194: {  	s21 =	sld [smem:$0x7F0]  }
0x195: {  	[tilespmem:s23], [sflag:$0x4] =	stream.indirect.gather [spmem:s1], $0x1, s24, s16, $0xb8;
	[tilespmem:$0x12000] =	vst v63  }
0x196: {  	s24 =	sld [smem:$0x7F3]  }
0x197: {  	[tilespmem:s0], [sflag:$0x4] =	stream.indirect.gather [spmem:s1], $0x1, s25, s14, $0xb8;
	[tilespmem:$0x12000] =	vst v63  }
0x198: {  	s23 =	sld [smem:$0x7F8]  }
0x199: {  	[tilespmem:s31], [sflag:$0x4] =	stream.indirect.gather [spmem:s1], $0x1, s12, s16, $0xb8;
	[tilespmem:$0x12000] =	vst v63  }
0x19a: {  	s25 =	sld [smem:$0x7F6]  }
0x19b: {  	[tilespmem:s20], [sflag:$0x4] =	stream.indirect.gather [spmem:s1], $0x1, s21, s14, $0xb8;
	[tilespmem:$0x12000] =	vst v63  }
0x19c: {  	s31 =	sld [smem:$0x7F9]  }
0x19d: {  	[tilespmem:s11], [sflag:$0x4] =	stream.indirect.gather [spmem:s1], $0x1, s24, s16, $0xb8;
	[tilespmem:$0x12000] =	vst v63  }
0x19e: {  	s24 =	sld [smem:$0x7FA]  }
0x19f: {  	[tilespmem:s4], [sflag:$0x4] =	stream.indirect.gather [spmem:s1], $0x1, s25, s14, $0xb8;
	[tilespmem:$0x12000] =	vst v63  }
0x1a0: {  	s25 =	sld [smem:$0x7FC]  }
0x1a1: {  	[tilespmem:s31], [sflag:$0x4] =	stream.indirect.gather [spmem:s1], $0x1, s23, s16, $0xb8;
	[tilespmem:$0x12000] =	vst v63  }
0x1a2: {  	s31 =	sld [smem:$0x7FD]  }
0x1a3: {  	[tilespmem:s9], [sflag:$0x4] =	stream.indirect.gather [spmem:s1], $0x1, s24, s14, $0xb8;
	[tilespmem:$0x12000] =	vst v63  }
0x1a4: {  	_ = 	snop  }
0x1a5: {  	[tilespmem:s31], [sflag:$0x4] =	stream.indirect.gather [spmem:s1], $0x1, s25, s16, $0xb8;
	[tilespmem:$0x12000] =	vst v63  }
0x1a6: {  	s10 =	simm.s32 $0x11B00;
	s9 =	simm.s32 $0x10B00  }
0x1a7: {  	[tilespmem:s10], [sflag:$0x4] =	stream.indirect.gather [spmem:s1], $0x1, s9, s14, $0xb8;
	[tilespmem:$0x12000] =	vst v63  }
0x1a8: {  	s12 =	simm.s32 $0x11F00;
	s11 =	simm.s32 $0x10F00  }
0x1a9: {  	[tilespmem:s12], [sflag:$0x4] =	stream.indirect.gather [spmem:s1], $0x1, s11, s16, $0xb8;
	[tilespmem:$0x12000] =	vst v63  }
0x1aa: {  	s20 =	simm.s32 $0x10B80;
	s21 =	simm.s32 $0x11B80  }
0x1ab: {  	[tilespmem:s21], [sflag:$0x4] =	stream.indirect.gather [spmem:s1], $0x1, s20, s14, $0xb8;
	[tilespmem:$0x12000] =	vst v63  }
0x1ac: {  	s22 =	simm.s32 $0x10F80  }
0x1ad: {  	[tilespmem:s28], [sflag:$0x4] =	stream.indirect.gather [spmem:s1], $0x1, s22, s16, $0xb8;
	[tilespmem:$0x12000] =	vst v63  }
0x1ae: {  	_ =	swait.ge [sflag:s29], $0x80  }
0x1af: {  	[sflag:s29] =	ssyncset.done $0x0  }
0x1b0: {  	[sflag:s29] =	ssyncadd.s32 $0xFFFFFF80  }
0x1b1: {  	_ =	swait.ge [sflag:s29], $0x48  }
0x1b2: {  	[sflag:s29] =	ssyncset.done $0x0  }
0x1b3: {  	[sflag:s29] =	ssyncadd.s32 $0xFFFFFFB8  }
0x1b4: {  	_ =	swait.ge [sflag:s29], $0x80  }
0x1b5: {  	[sflag:s29] =	ssyncset.done $0x0  }
0x1b6: {  	[sflag:s29] =	ssyncadd.s32 $0xFFFFFF80  }
0x1b7: {  	_ =	swait.ge [sflag:s29], $0x48  }
0x1b8: {  	[sflag:s29] =	ssyncset.done $0x0  }
0x1b9: {  	[sflag:s29] =	ssyncadd.s32 $0xFFFFFFB8  }
0x1ba: {  	_ =	swait.ge [sflag:s29], $0x80  }
0x1bb: {  	[sflag:s29] =	ssyncset.done $0x0  }
0x1bc: {  	[sflag:s29] =	ssyncadd.s32 $0xFFFFFF80  }
0x1bd: {  	s5 =	sadd.s32 $0x200, s5;
	_ =	swait.ge [sflag:s29], $0x48  }
0x1be: {  	p0 =	sne.s32 s5, $0x4000;
	[sflag:s29] =	ssyncset.done $0x0  }
.Ltmp0:
0x1bf: {  	[sflag:s29] =	ssyncadd.s32 $0xFFFFFFB8;
	(pc) =	sbr.rel @p0 .LBB2_2-.Ltmp0, $4  }
0x1c0: {  	_ =	swait.ge [sflag:s29], $0x80  }
0x1c1: {  	[sflag:s29] =	ssyncset.done $0x0  }
0x1c2: {  	[sflag:s29] =	ssyncadd.s32 $0xFFFFFF80  }
0x1c3: {  	s26 =	simm.s32 $0x10000;
	_ =	swait.ge [sflag:s29], $0x48  }
0x1c4: {  	[sflag:s29] =	ssyncset.done $0x0  }
0x1c5: {  	[sflag:s29] =	ssyncadd.s32 $0xFFFFFFB8  }
0x1c6: {  	_ =	swait.ge [sflag:s29], $0x80  }
0x1c7: {  	[sflag:s29] =	ssyncset.done $0x0  }
0x1c8: {  	[sflag:s29] =	ssyncadd.s32 $0xFFFFFF80  }
0x1c9: {  	_ =	swait.ge [sflag:s29], $0x48  }
0x1ca: {  	[sflag:s29] =	ssyncset.done $0x0  }
0x1cb: {  	[sflag:s29] =	ssyncadd.s32 $0xFFFFFFB8  }
0x1cc: {  	_ =	swait.ge [sflag:s29], $0x80  }
0x1cd: {  	[sflag:s29] =	ssyncset.done $0x0  }
0x1ce: {  	[sflag:s29] =	ssyncadd.s32 $0xFFFFFF80  }
0x1cf: {  	_ =	swait.ge [sflag:s29], $0x48  }
0x1d0: {  	[sflag:s29] =	ssyncset.done $0x0  }
0x1d1: {  	[sflag:s29] =	ssyncadd.s32 $0xFFFFFFB8  }
0x1d2: {  	_ =	swait.ge [sflag:s29], $0x80  }
0x1d3: {  	[sflag:s29] =	ssyncset.done $0x0  }
0x1d4: {  	[sflag:s29] =	ssyncadd.s32 $0xFFFFFF80  }
0x1d5: {  	_ =	swait.ge [sflag:s29], $0x48  }
0x1d6: {  	[sflag:s29] =	ssyncset.done $0x0  }
0x1d7: {  	[sflag:s29] =	ssyncadd.s32 $0xFFFFFFB8  }
0x1d8: {  	_ =	swait.ge [sflag:s29], $0x80  }
0x1d9: {  	[sflag:s29] =	ssyncset.done $0x0  }
0x1da: {  	[sflag:s29] =	ssyncadd.s32 $0xFFFFFF80  }
0x1db: {  	_ =	swait.ge [sflag:s29], $0x48  }
0x1dc: {  	[sflag:s29] =	ssyncset.done $0x0  }
0x1dd: {  	s4 =	simm.s32 @!p1 $0x10800;
	s0 =	rddreg [dreg:$0x6];
	[sflag:s29] =	ssyncadd.s32 $0xFFFFFFB8  }
0x1de: {  	[tilespmem:s4], [sflag:$0x2] =	stream.linear.gather @!p1 [hbm4b:s7+s6], $0x800, $0x38;
	[tilespmem:$0x12000] =	vst v63  }
0x1df: {  	s23 =	simm.s32 $0x5;
	s0 =	sadd.s32 s2, s0  }
0x1e0: {  	[hbm4b:s0+s3] =	stream.linear.scatter [tilespmem:s19], [sflag:$0x6], $0x800, $0x38;
	[tilespmem:$0x12000] =	vst v63  }
0x1e1: {  	_ =	swait.ge [sflag:s23], $0x800  }
0x1e2: {  	[sflag:s23] =	ssyncset.done $0x0  }
0x1e3: {  	s24 =	simm.s32 $0x6;
	[sflag:s23] =	ssyncadd.s32 $0xFFFFF800  }
0x1e4: {  	_ =	swait.ge [sflag:s24], $0x800  }
0x1e5: {  	s25 =	sld [smem:$0x7DC]  }
0x1e6: {  	s31 =	sld [smem:$0x7F1];
	_ =	sdelay $0x1  }
0x1e7: {  	s4 =	sadd.s32 $0x1, s25  }
0x1e8: {  	p0 =	sne.s32 s4, s31  }
.Ltmp1:
0x1e9: {  	_ = 	snop;
	(pc) =	sbr.rel @p0 .LBB2_1-.Ltmp1, $3  }
0x1ea: {  	_ =	sdelay $0x1  }
0x1eb: {  	[sflag:s24] =	ssyncset.done $0x0  }
0x1ec: {  	[sflag:s24] =	ssyncadd.s32 $0xFFFFF800  }
0x1ed: {  	_ =	sfence.sel $0x180000  }
0x1ee: {  	[bflag:$0x0] =	sbarrier.arrive $0xFFFF  }
0x1ef: {  	_ =	strace $0x90000047  }
0x1f0: {  	s0 =	stileid.u32;
	[bflag:$0x2] =	sbarrier.arrive $0xFFFF  }
0x1f1: {  	p0 =	sne.s32 s0, $0x0;
	s0 =	rddreg [dreg:$0x3]  }
0x1f2: {  	s0 =	sadd.s32 @!p0 $0x100000, s0  }
0x1f3: {  	[sflag:s0] =	ssyncadd.tile.s32 @!p0 $0x1;
	_ =	shalt  }
.Lfunc_end2:
_tile_overlayer_lowered:
.L_overlay_start_2:
0x1f4: {  	(tag) =	ssettag $0x2  }
0x1f5: {  	s0 =	rddreg [dreg:$0x0];
	s2 =	stileid.u32  }
0x1f6: {  	s1 =	rddreg [dreg:$0x1];
	p0 =	sne.s32 s2, $0x0  }
0x1f7: {  	s3 =	rddreg [dreg:$0x2];
	[bflag:$0x3] =	sbarrier.arrive $0xFFFF;
	s2 =	simm.s32 @!p0 $0x1C07  }
0x1f8: {  	[timem:s3], [sflag:s2] =	dma.local @!p0 [hbm:s0], s1  }
0x1f9: {  	s0 =	simm.s32 @!p0 $0x7  }
0x1fa: {  	_ =	swait.ge @!p0 [sflag:s0], s1  }
0x1fb: {  	s1 =	ssub.s32 @!p0 $0x0, s1;
	[sflag:s0] =	ssyncset.done @!p0 $0x0  }
0x1fc: {  	[sflag:s0] =	ssyncadd.s32 @!p0 s1  }
0x1fd: {  	[bflag:$0x3] =	sbarrier.arrive $0xFFFF  }
0x1fe: {  	_ =	shalt  }

</sc_bundles>
